<compile_context>
chip_gen: v7x
topology: tpu7x:2x2x1
jax: 0.10.2.dev20260603
libtpu: 0.0.44.dev20260713+nightly
codegen_flags: <defaults>
</compile_context>

<pallas_src>
import functools

import jax
import jax.numpy as jnp
from jax import lax
from jax.experimental import pallas as pl
from jax.experimental.pallas import tpu as pltpu
from jax.experimental.pallas import tpu_sc as plsc

L = 16
NS = 16
NC = 2
BH = 128
NB = BH // L
K = 32
SB = 3


def _rup(a, b):
    return -(-a // b) * b


def _phase(c, s, gref, src_h, dst_h, w_h, acc, has_core, n_super,
           sv, dv, wv, rows, gsems, ssems, esem):
    def eslice(og):
        return (src_h.at[c, s, og] if has_core else src_h.at[s, og],
                dst_h.at[s, og], w_h.at[s, og])

    s0, d0, w0 = eslice(0)
    pltpu.sync_copy(s0, sv.at[0])
    pltpu.sync_copy(d0, dv.at[0])
    pltpu.sync_copy(w0, wv.at[0])

    def scale(sl, cch):
        def eloop(e, carry):
            w1 = wv[sl, cch, e]
            for j in range(NB):
                rows[cch, e, pl.ds(j * L, L)] = rows[cch, e, pl.ds(j * L, L)] * w1
            return carry
        lax.fori_loop(0, K, eloop, 0)

    def sloop(og, carry):
        sl = og % 2
        nxt = (og + 1) % 2

        @pl.when(og > 0)
        def _():
            sg, dg, wg = eslice(og)
            pltpu.make_async_copy(sg, sv.at[sl], esem).wait()
            pltpu.make_async_copy(dg, dv.at[sl], esem).wait()
            pltpu.make_async_copy(wg, wv.at[sl], esem).wait()

        @pl.when(og + 1 < n_super)
        def _():
            sg, dg, wg = eslice(og + 1)
            pltpu.async_copy(sg, sv.at[nxt], esem)
            pltpu.async_copy(dg, dv.at[nxt], esem)
            pltpu.async_copy(wg, wv.at[nxt], esem)

        gd = {}
        sd = {}
        for i in range(SB):
            gd[i] = pltpu.async_copy(gref.at[sv.at[sl, i]], rows.at[i], gsems[i])
        for cch in range(SB):
            gd[cch].wait()
            scale(sl, cch)
            sd[cch] = pltpu.async_copy(rows.at[cch], acc.at[dv.at[sl, cch]],
                                       ssems[cch], add=True)
        for cch in range(SB):
            sd[cch].wait()
        return carry
    lax.fori_loop(0, n_super, sloop, 0)


def _zero_rows(acc, row0, nrows, zb_vm):
    def zloop(g, carry):
        pltpu.sync_copy(zb_vm, acc.at[pl.ds(row0 + g * 16, 16)])
        return carry
    lax.fori_loop(0, nrows // 16, zloop, 0)


@functools.partial(jax.jit, static_argnums=(4, 5))
def _sc_segment(xT2, src_g, dst_g, w_g, n_out_pad, n_super):
    mesh = plsc.VectorSubcoreMesh(core_axis_name="c", subcore_axis_name="s")
    nz = n_out_pad // NS

    def body(xT2_hbm, src_hbm, dst_hbm, w_hbm, out_hbm,
             sv, dv, wv, rows, zb_vm, acc_sh, gsems, ssems, esem):
        c = lax.axis_index("c")
        s = lax.axis_index("s")
        row0 = s * nz
        zv = jnp.zeros((L,), jnp.float32)
        for r in range(16):
            for j in range(NB):
                zb_vm[r, pl.ds(j * L, L)] = zv
        _zero_rows(acc_sh, row0, nz, zb_vm)
        plsc.subcore_barrier()
        _phase(c, s, xT2_hbm, src_hbm, dst_hbm, w_hbm, acc_sh, True, n_super,
               sv, dv, wv, rows, gsems, ssems, esem)
        plsc.subcore_barrier()

        def dloop(g, carry):
            pltpu.sync_copy(acc_sh.at[pl.ds(row0 + g * 16, 16)],
                            out_hbm.at[c, pl.ds(row0 + g * 16, 16)])
            return carry
        lax.fori_loop(0, nz // 16, dloop, 0)

    return pl.kernel(
        body,
        out_type=jax.ShapeDtypeStruct((NC, n_out_pad, BH), jnp.float32),
        mesh=mesh,
        scratch_types=[
            pltpu.VMEM((2, SB, K), jnp.int32),
            pltpu.VMEM((2, SB, K), jnp.int32),
            pltpu.VMEM((2, SB, K, L), jnp.float32),
            pltpu.VMEM((SB, K, BH), jnp.float32),
            pltpu.VMEM((16, BH), jnp.float32),
            pltpu.VMEM_SHARED((n_out_pad, BH), jnp.float32),
            [pltpu.SemaphoreType.DMA] * SB,
            [pltpu.SemaphoreType.DMA] * SB,
            pltpu.SemaphoreType.DMA,
        ],
    )(xT2, src_g, dst_g, w_g)


@functools.partial(jax.jit, static_argnums=(8, 9, 10, 11))
def _sc_pair(xT2, asrc, adst, aw, ab_g, bsrc, bdst, bw,
             n_mid_pad, n_out_pad, nsup_a, nsup_b):
    mesh = plsc.VectorSubcoreMesh(core_axis_name="c", subcore_axis_name="s")
    nzm = n_mid_pad // NS
    nz = n_out_pad // NS

    def body(xT2_hbm, asrc_h, adst_h, aw_h, ab_h, bsrc_h, bdst_h, bw_h, out_hbm,
             sv, dv, wv, rows, zb_vm, bias_vm, acc1_sh, acc2_sh,
             gsems, ssems, esem):
        c = lax.axis_index("c")
        s = lax.axis_index("s")
        zv = jnp.zeros((L,), jnp.float32)
        for r in range(16):
            for j in range(NB):
                zb_vm[r, pl.ds(j * L, L)] = zv
        _zero_rows(acc1_sh, s * nzm, nzm, zb_vm)
        _zero_rows(acc2_sh, s * nz, nz, zb_vm)
        plsc.subcore_barrier()
        _phase(c, s, xT2_hbm, asrc_h, adst_h, aw_h, acc1_sh, True, nsup_a,
               sv, dv, wv, rows, gsems, ssems, esem)
        plsc.subcore_barrier()
        pltpu.sync_copy(ab_h.at[s], bias_vm)

        def bloop(blk, carry):
            r0 = s * nzm + blk * 16
            pltpu.sync_copy(acc1_sh.at[pl.ds(r0, 16)], rows.at[0, pl.ds(0, 16)])

            def rloop(r, carry2):
                b1 = bias_vm[blk * 16 + r]
                for j in range(NB):
                    rows[0, r, pl.ds(j * L, L)] = rows[0, r, pl.ds(j * L, L)] + b1
                return carry2
            lax.fori_loop(0, 16, rloop, 0)
            pltpu.sync_copy(rows.at[0, pl.ds(0, 16)], acc1_sh.at[pl.ds(r0, 16)])
            return carry
        lax.fori_loop(0, nzm // 16, bloop, 0)
        plsc.subcore_barrier()
        _phase(c, s, acc1_sh, bsrc_h, bdst_h, bw_h, acc2_sh, False, nsup_b,
               sv, dv, wv, rows, gsems, ssems, esem)
        plsc.subcore_barrier()

        def dloop(g, carry):
            pltpu.sync_copy(acc2_sh.at[pl.ds(s * nz + g * 16, 16)],
                            out_hbm.at[c, pl.ds(s * nz + g * 16, 16)])
            return carry
        lax.fori_loop(0, nz // 16, dloop, 0)

    return pl.kernel(
        body,
        out_type=jax.ShapeDtypeStruct((NC, n_out_pad, BH), jnp.float32),
        mesh=mesh,
        scratch_types=[
            pltpu.VMEM((2, SB, K), jnp.int32),
            pltpu.VMEM((2, SB, K), jnp.int32),
            pltpu.VMEM((2, SB, K, L), jnp.float32),
            pltpu.VMEM((SB, K, BH), jnp.float32),
            pltpu.VMEM((16, BH), jnp.float32),
            pltpu.VMEM((n_mid_pad // NS, L), jnp.float32),
            pltpu.VMEM_SHARED((n_mid_pad, BH), jnp.float32),
            pltpu.VMEM_SHARED((n_out_pad, BH), jnp.float32),
            [pltpu.SemaphoreType.DMA] * SB,
            [pltpu.SemaphoreType.DMA] * SB,
            pltpu.SemaphoreType.DMA,
        ],
    )(xT2, asrc, adst, aw, ab_g, bsrc, bdst, bw)


def _softplus(r):
    return jnp.log1p(jnp.exp(r))


def _kl(mu, sigma):
    return jnp.sum(-jnp.log(sigma) + 0.5 * (sigma ** 2 + mu ** 2) - 0.5)


def _pack(hT):
    n = hT.shape[0]
    hp = jnp.pad(hT, ((0, 0), (0, 2 * BH - hT.shape[1])))
    return hp.reshape(n, NC, BH).swapaxes(0, 1).reshape(NC * n, BH)


def _unpack(out2, n_out):
    return jnp.concatenate([out2[0, :n_out], out2[1, :n_out]], axis=1)[:, :200]


def _edges(src, dst, w, n_in, with_core):
    E = src.shape[0]
    Ep = _rup(E, NS * SB * K)
    pad = Ep - E
    srcp = jnp.pad(src, (0, pad))
    dstp = jnp.pad(dst, (0, pad))
    wp = jnp.pad(w, (0, pad))
    n_super = Ep // (NS * SB * K)
    if with_core:
        src_g = jnp.stack([srcp, srcp + n_in]).reshape(NC, NS, n_super, SB, K)
    else:
        src_g = srcp.reshape(NS, n_super, SB, K)
    dst_g = dstp.reshape(NS, n_super, SB, K)
    w_g = jnp.broadcast_to(wp.reshape(NS, n_super, SB, K)[..., None],
                           (NS, n_super, SB, K, L))
    return src_g, dst_g, w_g, n_super


def _bayes(wmu, wrho, bmu, brho, ew, eb):
    sw = _softplus(wrho)
    sb = _softplus(brho)
    w = wmu + sw * ew
    b = bmu + sb * eb
    kl = _kl(wmu, sw) + _kl(bmu, sb)
    return w, b, kl


def _sparse_layer(hT, src, dst, wmu, wrho, bmu, brho, ew, eb, n_in, n_out):
    w, b, kl = _bayes(wmu, wrho, bmu, brho, ew, eb)
    src_g, dst_g, w_g, n_super = _edges(src, dst, w, n_in, True)
    n_out_pad = _rup(n_out, 256)
    out2 = _sc_segment(_pack(hT), src_g, dst_g, w_g, n_out_pad, n_super)
    return _unpack(out2, n_out) + b[:, None], kl


def _pair_layer(hT, asrc, adst, aP, bsrc, bdst, bP, n_in, n_mid, n_out):
    wa, ba, kla = _bayes(*aP)
    wb, bb, klb = _bayes(*bP)
    asrc_g, adst_g, aw_g, nsup_a = _edges(asrc, adst, wa, n_in, True)
    bsrc_g, bdst_g, bw_g, nsup_b = _edges(bsrc, bdst, wb, n_mid, False)
    n_mid_pad = _rup(n_mid, 256)
    n_out_pad = _rup(n_out, 256)
    ab_g = jnp.broadcast_to(
        jnp.pad(ba, (0, n_mid_pad - n_mid)).reshape(NS, n_mid_pad // NS)[..., None],
        (NS, n_mid_pad // NS, L))
    out2 = _sc_pair(_pack(hT), asrc_g, adst_g, aw_g, ab_g,
                    bsrc_g, bdst_g, bw_g,
                    n_mid_pad, n_out_pad, nsup_a, nsup_b)
    return _unpack(out2, n_out) + bb[:, None], kla + klb


def _bn_t(hT, g, b):
    m = jnp.mean(hT, axis=1, keepdims=True)
    v = jnp.var(hT, axis=1, keepdims=True)
    xn = (hT - m) / jnp.sqrt(v + 1e-5)
    if g is None:
        return xn
    return xn * g[:, None] + b[:, None]


_SIZES = [10000, 2500, 625, 156, 39, 10, 3]


def kernel(x, sl0_src, sl0_dst, sl0_wmu, sl0_wrho, sl0_bmu, sl0_brho, sl0_ew, sl0_eb, sl1_src, sl1_dst, sl1_wmu, sl1_wrho, sl1_bmu, sl1_brho, sl1_ew, sl1_eb, sl2_src, sl2_dst, sl2_wmu, sl2_wrho, sl2_bmu, sl2_brho, sl2_ew, sl2_eb, sl3_src, sl3_dst, sl3_wmu, sl3_wrho, sl3_bmu, sl3_brho, sl3_ew, sl3_eb, sl4_src, sl4_dst, sl4_wmu, sl4_wrho, sl4_bmu, sl4_brho, sl4_ew, sl4_eb, sl5_src, sl5_dst, sl5_wmu, sl5_wrho, sl5_bmu, sl5_brho, sl5_ew, sl5_eb, sl6_src, sl6_dst, sl6_wmu, sl6_wrho, sl6_bmu, sl6_brho, sl6_ew, sl6_eb, sp1_src, sp1_dst, sp1_wmu, sp1_wrho, sp1_bmu, sp1_brho, sp1_ew, sp1_eb, sp2_src, sp2_dst, sp2_wmu, sp2_wrho, sp2_bmu, sp2_brho, sp2_ew, sp2_eb, sp3_src, sp3_dst, sp3_wmu, sp3_wrho, sp3_bmu, sp3_brho, sp3_ew, sp3_eb, sp4_src, sp4_dst, sp4_wmu, sp4_wrho, sp4_bmu, sp4_brho, sp4_ew, sp4_eb, sp5_src, sp5_dst, sp5_wmu, sp5_wrho, sp5_bmu, sp5_brho, sp5_ew, sp5_eb, sp6_src, sp6_dst, sp6_wmu, sp6_wrho, sp6_bmu, sp6_brho, sp6_ew, sp6_eb, bn0_g, bn0_b, bn1_g, bn1_b, bn2_g, bn2_b, bn3_g, bn3_b, bn4_g, bn4_b, bn5_g, bn5_b):
    kw = dict(locals())
    hT = x.reshape(x.shape[0], -1).T

    hT, kl_tot = _sparse_layer(hT, sl0_src, sl0_dst, sl0_wmu, sl0_wrho,
                               sl0_bmu, sl0_brho, sl0_ew, sl0_eb,
                               _SIZES[0], _SIZES[0])
    hT = jax.nn.relu(_bn_t(hT, bn0_g, bn0_b))
    for i in range(1, 7):
        aP = tuple(kw[f"sp{i}_{k}"] for k in ("wmu", "wrho", "bmu", "brho", "ew", "eb"))
        bP = tuple(kw[f"sl{i}_{k}"] for k in ("wmu", "wrho", "bmu", "brho", "ew", "eb"))
        hT, kl = _pair_layer(hT, kw[f"sp{i}_src"], kw[f"sp{i}_dst"], aP,
                             kw[f"sl{i}_src"], kw[f"sl{i}_dst"], bP,
                             _SIZES[i - 1], _SIZES[i], _SIZES[i])
        kl_tot = kl_tot + kl
        if i < 6:
            hT = jax.nn.relu(_bn_t(hT, kw[f"bn{i}_g"], kw[f"bn{i}_b"]))
        else:
            hT = _bn_t(hT, None, None)
    return hT.T, kl_tot

# --- scband reference (transcript-rebuilt; emitter-appended) ---
"""Pipeline reference for scband-bayesian-encoder-33328946217349 (READ-ONLY COPY).

The authoritative reference and input builder live on the scoring server;
editing this copy changes nothing except your own understanding.
"""

import jax, jax.numpy as jnp
import numpy as np

SIZES = [10000, 2500, 625, 156, 39, 10, 3]
DEG = 16
BATCH = 200


def _softplus(r):
    return jnp.log1p(jnp.exp(r))


def _kl(mu, sigma):
    return jnp.sum(-jnp.log(sigma) + 0.5 * (sigma ** 2 + mu ** 2) - 0.5)


def _bayes_sparse(x, src, dst, n_out, wmu, wrho, bmu, brho, ew, eb):
    # Bayesian sparse connectivity: one reparameterized weight per connection,
    # gather from src nodes, scatter-add into dst nodes, plus Bayesian bias.
    sw = _softplus(wrho)
    sb = _softplus(brho)
    w = wmu + sw * ew
    b = bmu + sb * eb
    msg = x[:, src] * w[None, :]
    out = jax.ops.segment_sum(msg.T, dst, num_segments=n_out).T + b[None, :]
    return out, _kl(wmu, sw) + _kl(bmu, sb)


def _bn(x, g, b):
    # BatchNorm1d in training mode (batch statistics); dropout treated as eval/identity.
    m = jnp.mean(x, axis=0)
    v = jnp.var(x, axis=0)
    xn = (x - m) / jnp.sqrt(v + 1e-5)
    if g is None:
        return xn
    return xn * g[None, :] + b[None, :]


def setup_inputs(seed: int = 0):
    key = jax.random.key(seed)
    c = [0]

    def nk():
        c[0] += 1
        return jax.random.fold_in(key, c[0])

    inp = {}
    inp["x"] = jax.random.normal(nk(), (BATCH, SIZES[0]), dtype=jnp.float32)
    # within-layer Bayesian sparse linear layers (slin0..slin6)
    for i in range(7):
        n = SIZES[i]
        E = n * DEG
        inp[f"sl{i}_src"] = jax.random.randint(nk(), (E,), 0, n, dtype=jnp.int32)
        inp[f"sl{i}_dst"] = jax.random.randint(nk(), (E,), 0, n, dtype=jnp.int32)
        inp[f"sl{i}_wmu"] = 0.1 * jax.random.normal(nk(), (E,), dtype=jnp.float32)
        inp[f"sl{i}_wrho"] = jnp.full((E,), -5.0, dtype=jnp.float32)
        inp[f"sl{i}_bmu"] = jnp.zeros((n,), dtype=jnp.float32)
        inp[f"sl{i}_brho"] = jnp.full((n,), -5.0, dtype=jnp.float32)
        inp[f"sl{i}_ew"] = jax.random.normal(nk(), (E,), dtype=jnp.float32)
        inp[f"sl{i}_eb"] = jax.random.normal(nk(), (n,), dtype=jnp.float32)
    # hierarchical Bayesian sparse poolers (spool1..spool6)
    for i in range(1, 7):
        n_in, n_out = SIZES[i - 1], SIZES[i]
        src = jnp.arange(n_in, dtype=jnp.int32)
        dst = jnp.minimum((src * n_out) // n_in, n_out - 1).astype(jnp.int32)
        inp[f"sp{i}_src"] = src
        inp[f"sp{i}_dst"] = dst
        inp[f"sp{i}_wmu"] = 0.1 * jax.random.normal(nk(), (n_in,), dtype=jnp.float32)
        inp[f"sp{i}_wrho"] = jnp.full((n_in,), -5.0, dtype=jnp.float32)
        inp[f"sp{i}_bmu"] = jnp.zeros((n_out,), dtype=jnp.float32)
        inp[f"sp{i}_brho"] = jnp.full((n_out,), -5.0, dtype=jnp.float32)
        inp[f"sp{i}_ew"] = jax.random.normal(nk(), (n_in,), dtype=jnp.float32)
        inp[f"sp{i}_eb"] = jax.random.normal(nk(), (n_out,), dtype=jnp.float32)
    # batchnorm affine params (batch0l..batch5l; batch6l has affine=False)
    for i in range(6):
        inp[f"bn{i}_g"] = jnp.ones((SIZES[i],), dtype=jnp.float32)
        inp[f"bn{i}_b"] = jnp.zeros((SIZES[i],), dtype=jnp.float32)
    return inp


def _forward(x, fl, it):
    h = x.reshape(BATCH, -1)
    h, kl = _bayes_sparse(h, it["sl0_src"], it["sl0_dst"], SIZES[0],
                          fl["sl0_wmu"], fl["sl0_wrho"], fl["sl0_bmu"],
                          fl["sl0_brho"], fl["sl0_ew"], fl["sl0_eb"])
    kl_tot = kl
    h = jax.nn.relu(_bn(h, fl["bn0_g"], fl["bn0_b"]))
    for i in range(1, 7):
        h, kl = _bayes_sparse(h, it[f"sp{i}_src"], it[f"sp{i}_dst"], SIZES[i],
                              fl[f"sp{i}_wmu"], fl[f"sp{i}_wrho"], fl[f"sp{i}_bmu"],
                              fl[f"sp{i}_brho"], fl[f"sp{i}_ew"], fl[f"sp{i}_eb"])
        kl_tot = kl_tot + kl
        h, kl = _bayes_sparse(h, it[f"sl{i}_src"], it[f"sl{i}_dst"], SIZES[i],
                              fl[f"sl{i}_wmu"], fl[f"sl{i}_wrho"], fl[f"sl{i}_bmu"],
                              fl[f"sl{i}_brho"], fl[f"sl{i}_ew"], fl[f"sl{i}_eb"])
        kl_tot = kl_tot + kl
        if i < 6:
            h = jax.nn.relu(_bn(h, fl[f"bn{i}_g"], fl[f"bn{i}_b"]))
        else:
            h = _bn(h, None, None)
    return h, kl_tot


def reference(x,
              sl0_src, sl0_dst, sl0_wmu, sl0_wrho, sl0_bmu, sl0_brho, sl0_ew, sl0_eb,
              sl1_src, sl1_dst, sl1_wmu, sl1_wrho, sl1_bmu, sl1_brho, sl1_ew, sl1_eb,
              sl2_src, sl2_dst, sl2_wmu, sl2_wrho, sl2_bmu, sl2_brho, sl2_ew, sl2_eb,
              sl3_src, sl3_dst, sl3_wmu, sl3_wrho, sl3_bmu, sl3_brho, sl3_ew, sl3_eb,
              sl4_src, sl4_dst, sl4_wmu, sl4_wrho, sl4_bmu, sl4_brho, sl4_ew, sl4_eb,
              sl5_src, sl5_dst, sl5_wmu, sl5_wrho, sl5_bmu, sl5_brho, sl5_ew, sl5_eb,
              sl6_src, sl6_dst, sl6_wmu, sl6_wrho, sl6_bmu, sl6_brho, sl6_ew, sl6_eb,
              sp1_src, sp1_dst, sp1_wmu, sp1_wrho, sp1_bmu, sp1_brho, sp1_ew, sp1_eb,
              sp2_src, sp2_dst, sp2_wmu, sp2_wrho, sp2_bmu, sp2_brho, sp2_ew, sp2_eb,
              sp3_src, sp3_dst, sp3_wmu, sp3_wrho, sp3_bmu, sp3_brho, sp3_ew, sp3_eb,
              sp4_src, sp4_dst, sp4_wmu, sp4_wrho, sp4_bmu, sp4_brho, sp4_ew, sp4_eb,
              sp5_src, sp5_dst, sp5_wmu, sp5_wrho, sp5_bmu, sp5_brho, sp5_ew, sp5_eb,
              sp6_src, sp6_dst, sp6_wmu, sp6_wrho, sp6_bmu, sp6_brho, sp6_ew, sp6_eb,
              bn0_g, bn0_b, bn1_g, bn1_b, bn2_g, bn2_b,
              bn3_g, bn3_b, bn4_g, bn4_b, bn5_g, bn5_b):
    kw = dict(locals())
    x = kw.pop("x")
    fl = {k: v for k, v in kw.items() if jnp.issubdtype(v.dtype, jnp.floating)}
    it = {k: v for k, v in kw.items() if not jnp.issubdtype(v.dtype, jnp.floating)}
    return _forward(x, fl, it)

if __name__ == "__main__":
    import jax
    _d = setup_inputs()
    print(jax.jit(kernel)(*tuple(_d.values())))

</pallas_src>

<mosaic_0001>
#map = affine_map<(d0, d1) -> (0, 0)>
#map1 = affine_map<(d0, d1) -> (0, 0, 0, 0, 0)>
#map2 = affine_map<(d0, d1) -> (0, 0, 0, 0)>
#map3 = affine_map<(d0, d1) -> (0, 0, 0)>
module attributes {stable_mosaic.version = 14 : i64} {
  func.func @body(%arg0: i32, %arg1: i32, %arg2: memref<20000x128xf32, #tpu.memory_space<hbm>>, %arg3: memref<2x16x105x3x32xi32, #tpu.memory_space<hbm>>, %arg4: memref<16x105x3x32xi32, #tpu.memory_space<hbm>>, %arg5: memref<16x105x3x32x16xf32, #tpu.memory_space<hbm>>, %arg6: memref<2x10240x128xf32, #tpu.memory_space<hbm>>, %arg7: memref<2x3x32xi32, #tpu.memory_space<vmem>>, %arg8: memref<2x3x32xi32, #tpu.memory_space<vmem>>, %arg9: memref<2x3x32x16xf32, #tpu.memory_space<vmem>>, %arg10: memref<3x32x128xf32, #tpu.memory_space<vmem>>, %arg11: memref<16x128xf32, #tpu.memory_space<vmem>>, %arg12: memref<10240x128xf32, #tpu.memory_space<vmem_shared>>, %arg13: memref<!tpu.dma_semaphore, #tpu.memory_space<semaphore_mem>>, %arg14: memref<!tpu.dma_semaphore, #tpu.memory_space<semaphore_mem>>, %arg15: memref<!tpu.dma_semaphore, #tpu.memory_space<semaphore_mem>>, %arg16: memref<!tpu.dma_semaphore, #tpu.memory_space<semaphore_mem>>, %arg17: memref<!tpu.dma_semaphore, #tpu.memory_space<semaphore_mem>>, %arg18: memref<!tpu.dma_semaphore, #tpu.memory_space<semaphore_mem>>, %arg19: memref<!tpu.dma_semaphore, #tpu.memory_space<semaphore_mem>>) attributes {dimension_semantics = [#tpu.dimension_semantics<core_parallel>, #tpu.dimension_semantics<subcore_parallel>], iteration_bounds = array<i64: 2, 16>, scalar_prefetch = 0 : i64, scratch_operands = 13 : i64, tpu.core_type = #tpu.core_type<sc_vector_subcore>, window_params = [{transform_indices = #map}, {transform_indices = #map1}, {transform_indices = #map2}, {transform_indices = #map1}, {transform_indices = #map3}]} {
    %mul3A = arith.constant 640 : i32
    %mul3A_0 = arith.muli %arg1, %mul3A : i32
    %broadcast_in_dim3A = arith.constant 0.000000e+00 : f32
    %broadcast_in_dim3A_1 = vector.broadcast %broadcast_in_dim3A : f32 to vector<16xf32>
    %swap3A = arith.constant 0 : i32
    %swap3A_2 = arith.index_cast %swap3A : i32 to index
    %swap3A_3 = arith.constant 0 : index
    %swap3A_4 = tpu.vector_load %arg11[%swap3A_2, %swap3A_3] {strides = array<i32>} : memref<16x128xf32, #tpu.memory_space<vmem>>, vector<1x16xf32>,
    %swap3A_5 = vector.shape_cast %swap3A_4 : vector<1x16xf32> to vector<16xf32>
    %swap3A_6 = vector.shape_cast %broadcast_in_dim3A_1 : vector<16xf32> to vector<1x16xf32>
    tpu.vector_store %arg11[%swap3A_2, %swap3A_3], %swap3A_6 {strides = array<i32>} : memref<16x128xf32, #tpu.memory_space<vmem>>, vector<1x16xf32>,
    %swap3A_7 = arith.constant 0 : i32
    %swap3A_8 = arith.index_cast %swap3A_7 : i32 to index
    %swap3A_9 = arith.constant 16 : index
    %swap3A_10 = tpu.vector_load %arg11[%swap3A_8, %swap3A_9] {strides = array<i32>} : memref<16x128xf32, #tpu.memory_space<vmem>>, vector<1x16xf32>,
    %swap3A_11 = vector.shape_cast %swap3A_10 : vector<1x16xf32> to vector<16xf32>
    %swap3A_12 = vector.shape_cast %broadcast_in_dim3A_1 : vector<16xf32> to vector<1x16xf32>
    tpu.vector_store %arg11[%swap3A_8, %swap3A_9], %swap3A_12 {strides = array<i32>} : memref<16x128xf32, #tpu.memory_space<vmem>>, vector<1x16xf32>,
    %swap3A_13 = arith.constant 0 : i32
    %swap3A_14 = arith.index_cast %swap3A_13 : i32 to index
    %swap3A_15 = arith.constant 32 : index
    %swap3A_16 = tpu.vector_load %arg11[%swap3A_14, %swap3A_15] {strides = array<i32>} : memref<16x128xf32, #tpu.memory_space<vmem>>, vector<1x16xf32>,
    %swap3A_17 = vector.shape_cast %swap3A_16 : vector<1x16xf32> to vector<16xf32>
    %swap3A_18 = vector.shape_cast %broadcast_in_dim3A_1 : vector<16xf32> to vector<1x16xf32>
    tpu.vector_store %arg11[%swap3A_14, %swap3A_15], %swap3A_18 {strides = array<i32>} : memref<16x128xf32, #tpu.memory_space<vmem>>, vector<1x16xf32>,
    %swap3A_19 = arith.constant 0 : i32
    %swap3A_20 = arith.index_cast %swap3A_19 : i32 to index
    %swap3A_21 = arith.constant 48 : index
    %swap3A_22 = tpu.vector_load %arg11[%swap3A_20, %swap3A_21] {strides = array<i32>} : memref<16x128xf32, #tpu.memory_space<vmem>>, vector<1x16xf32>,
    %swap3A_23 = vector.shape_cast %swap3A_22 : vector<1x16xf32> to vector<16xf32>
    %swap3A_24 = vector.shape_cast %broadcast_in_dim3A_1 : vector<16xf32> to vector<1x16xf32>
    tpu.vector_store %arg11[%swap3A_20, %swap3A_21], %swap3A_24 {strides = array<i32>} : memref<16x128xf32, #tpu.memory_space<vmem>>, vector<1x16xf32>,
    %swap3A_25 = arith.constant 0 : i32
    %swap3A_26 = arith.index_cast %swap3A_25 : i32 to index
    %swap3A_27 = arith.constant 64 : index
    %swap3A_28 = tpu.vector_load %arg11[%swap3A_26, %swap3A_27] {strides = array<i32>} : memref<16x128xf32, #tpu.memory_space<vmem>>, vector<1x16xf32>,
    %swap3A_29 = vector.shape_cast %swap3A_28 : vector<1x16xf32> to vector<16xf32>
    %swap3A_30 = vector.shape_cast %broadcast_in_dim3A_1 : vector<16xf32> to vector<1x16xf32>
    tpu.vector_store %arg11[%swap3A_26, %swap3A_27], %swap3A_30 {strides = array<i32>} : memref<16x128xf32, #tpu.memory_space<vmem>>, vector<1x16xf32>,
    %swap3A_31 = arith.constant 0 : i32
    %swap3A_32 = arith.index_cast %swap3A_31 : i32 to index
    %swap3A_33 = arith.constant 80 : index
    %swap3A_34 = tpu.vector_load %arg11[%swap3A_32, %swap3A_33] {strides = array<i32>} : memref<16x128xf32, #tpu.memory_space<vmem>>, vector<1x16xf32>,
    %swap3A_35 = vector.shape_cast %swap3A_34 : vector<1x16xf32> to vector<16xf32>
    %swap3A_36 = vector.shape_cast %broadcast_in_dim3A_1 : vector<16xf32> to vector<1x16xf32>
    tpu.vector_store %arg11[%swap3A_32, %swap3A_33], %swap3A_36 {strides = array<i32>} : memref<16x128xf32, #tpu.memory_space<vmem>>, vector<1x16xf32>,
    %swap3A_37 = arith.constant 0 : i32
    %swap3A_38 = arith.index_cast %swap3A_37 : i32 to index
    %swap3A_39 = arith.constant 96 : index
    %swap3A_40 = tpu.vector_load %arg11[%swap3A_38, %swap3A_39] {strides = array<i32>} : memref<16x128xf32, #tpu.memory_space<vmem>>, vector<1x16xf32>,
    %swap3A_41 = vector.shape_cast %swap3A_40 : vector<1x16xf32> to vector<16xf32>
    %swap3A_42 = vector.shape_cast %broadcast_in_dim3A_1 : vector<16xf32> to vector<1x16xf32>
    tpu.vector_store %arg11[%swap3A_38, %swap3A_39], %swap3A_42 {strides = array<i32>} : memref<16x128xf32, #tpu.memory_space<vmem>>, vector<1x16xf32>,
    %swap3A_43 = arith.constant 0 : i32
    %swap3A_44 = arith.index_cast %swap3A_43 : i32 to index
    %swap3A_45 = arith.constant 112 : index
    %swap3A_46 = tpu.vector_load %arg11[%swap3A_44, %swap3A_45] {strides = array<i32>} : memref<16x128xf32, #tpu.memory_space<vmem>>, vector<1x16xf32>,
    %swap3A_47 = vector.shape_cast %swap3A_46 : vector<1x16xf32> to vector<16xf32>
    %swap3A_48 = vector.shape_cast %broadcast_in_dim3A_1 : vector<16xf32> to vector<1x16xf32>
    tpu.vector_store %arg11[%swap3A_44, %swap3A_45], %swap3A_48 {strides = array<i32>} : memref<16x128xf32, #tpu.memory_space<vmem>>, vector<1x16xf32>,
    %swap3A_49 = arith.constant 1 : i32
    %swap3A_50 = arith.index_cast %swap3A_49 : i32 to index
    %swap3A_51 = arith.constant 0 : index
    %swap3A_52 = tpu.vector_load %arg11[%swap3A_50, %swap3A_51] {strides = array<i32>} : memref<16x128xf32, #tpu.memory_space<vmem>>, vector<1x16xf32>,
    %swap3A_53 = vector.shape_cast %swap3A_52 : vector<1x16xf32> to vector<16xf32>
    %swap3A_54 = vector.shape_cast %broadcast_in_dim3A_1 : vector<16xf32> to vector<1x16xf32>
    tpu.vector_store %arg11[%swap3A_50, %swap3A_51], %swap3A_54 {strides = array<i32>} : memref<16x128xf32, #tpu.memory_space<vmem>>, vector<1x16xf32>,
    %swap3A_55 = arith.constant 1 : i32
    %swap3A_56 = arith.index_cast %swap3A_55 : i32 to index
    %swap3A_57 = arith.constant 16 : index
    %swap3A_58 = tpu.vector_load %arg11[%swap3A_56, %swap3A_57] {strides = array<i32>} : memref<16x128xf32, #tpu.memory_space<vmem>>, vector<1x16xf32>,
    %swap3A_59 = vector.shape_cast %swap3A_58 : vector<1x16xf32> to vector<16xf32>
    %swap3A_60 = vector.shape_cast %broadcast_in_dim3A_1 : vector<16xf32> to vector<1x16xf32>
    tpu.vector_store %arg11[%swap3A_56, %swap3A_57], %swap3A_60 {strides = array<i32>} : memref<16x128xf32, #tpu.memory_space<vmem>>, vector<1x16xf32>,
    %swap3A_61 = arith.constant 1 : i32
    %swap3A_62 = arith.index_cast %swap3A_61 : i32 to index
    %swap3A_63 = arith.constant 32 : index
    %swap3A_64 = tpu.vector_load %arg11[%swap3A_62, %swap3A_63] {strides = array<i32>} : memref<16x128xf32, #tpu.memory_space<vmem>>, vector<1x16xf32>,
    %swap3A_65 = vector.shape_cast %swap3A_64 : vector<1x16xf32> to vector<16xf32>
    %swap3A_66 = vector.shape_cast %broadcast_in_dim3A_1 : vector<16xf32> to vector<1x16xf32>
    tpu.vector_store %arg11[%swap3A_62, %swap3A_63], %swap3A_66 {strides = array<i32>} : memref<16x128xf32, #tpu.memory_space<vmem>>, vector<1x16xf32>,
    %swap3A_67 = arith.constant 1 : i32
    %swap3A_68 = arith.index_cast %swap3A_67 : i32 to index
    %swap3A_69 = arith.constant 48 : index
    %swap3A_70 = tpu.vector_load %arg11[%swap3A_68, %swap3A_69] {strides = array<i32>} : memref<16x128xf32, #tpu.memory_space<vmem>>, vector<1x16xf32>,
    %swap3A_71 = vector.shape_cast %swap3A_70 : vector<1x16xf32> to vector<16xf32>
    %swap3A_72 = vector.shape_cast %broadcast_in_dim3A_1 : vector<16xf32> to vector<1x16xf32>
    tpu.vector_store %arg11[%swap3A_68, %swap3A_69], %swap3A_72 {strides = array<i32>} : memref<16x128xf32, #tpu.memory_space<vmem>>, vector<1x16xf32>,
    %swap3A_73 = arith.constant 1 : i32
    %swap3A_74 = arith.index_cast %swap3A_73 : i32 to index
    %swap3A_75 = arith.constant 64 : index
    %swap3A_76 = tpu.vector_load %arg11[%swap3A_74, %swap3A_75] {strides = array<i32>} : memref<16x128xf32, #tpu.memory_space<vmem>>, vector<1x16xf32>,
    %swap3A_77 = vector.shape_cast %swap3A_76 : vector<1x16xf32> to vector<16xf32>
    %swap3A_78 = vector.shape_cast %broadcast_in_dim3A_1 : vector<16xf32> to vector<1x16xf32>
    tpu.vector_store %arg11[%swap3A_74, %swap3A_75], %swap3A_78 {strides = array<i32>} : memref<16x128xf32, #tpu.memory_space<vmem>>, vector<1x16xf32>,
    %swap3A_79 = arith.constant 1 : i32
    %swap3A_80 = arith.index_cast %swap3A_79 : i32 to index
    %swap3A_81 = arith.constant 80 : index
    %swap3A_82 = tpu.vector_load %arg11[%swap3A_80, %swap3A_81] {strides = array<i32>} : memref<16x128xf32, #tpu.memory_space<vmem>>, vector<1x16xf32>,
    %swap3A_83 = vector.shape_cast %swap3A_82 : vector<1x16xf32> to vector<16xf32>
    %swap3A_84 = vector.shape_cast %broadcast_in_dim3A_1 : vector<16xf32> to vector<1x16xf32>
    tpu.vector_store %arg11[%swap3A_80, %swap3A_81], %swap3A_84 {strides = array<i32>} : memref<16x128xf32, #tpu.memory_space<vmem>>, vector<1x16xf32>,
    %swap3A_85 = arith.constant 1 : i32
    %swap3A_86 = arith.index_cast %swap3A_85 : i32 to index
    %swap3A_87 = arith.constant 96 : index
    %swap3A_88 = tpu.vector_load %arg11[%swap3A_86, %swap3A_87] {strides = array<i32>} : memref<16x128xf32, #tpu.memory_space<vmem>>, vector<1x16xf32>,
    %swap3A_89 = vector.shape_cast %swap3A_88 : vector<1x16xf32> to vector<16xf32>
    %swap3A_90 = vector.shape_cast %broadcast_in_dim3A_1 : vector<16xf32> to vector<1x16xf32>
    tpu.vector_store %arg11[%swap3A_86, %swap3A_87], %swap3A_90 {strides = array<i32>} : memref<16x128xf32, #tpu.memory_space<vmem>>, vector<1x16xf32>,
    %swap3A_91 = arith.constant 1 : i32
    %swap3A_92 = arith.index_cast %swap3A_91 : i32 to index
    %swap3A_93 = arith.constant 112 : index
    %swap3A_94 = tpu.vector_load %arg11[%swap3A_92, %swap3A_93] {strides = array<i32>} : memref<16x128xf32, #tpu.memory_space<vmem>>, vector<1x16xf32>,
    %swap3A_95 = vector.shape_cast %swap3A_94 : vector<1x16xf32> to vector<16xf32>
    %swap3A_96 = vector.shape_cast %broadcast_in_dim3A_1 : vector<16xf32> to vector<1x16xf32>
    tpu.vector_store %arg11[%swap3A_92, %swap3A_93], %swap3A_96 {strides = array<i32>} : memref<16x128xf32, #tpu.memory_space<vmem>>, vector<1x16xf32>,
    %swap3A_97 = arith.constant 2 : i32
    %swap3A_98 = arith.index_cast %swap3A_97 : i32 to index
    %swap3A_99 = arith.constant 0 : index
    %swap3A_100 = tpu.vector_load %arg11[%swap3A_98, %swap3A_99] {strides = array<i32>} : memref<16x128xf32, #tpu.memory_space<vmem>>, vector<1x16xf32>,
    %swap3A_101 = vector.shape_cast %swap3A_100 : vector<1x16xf32> to vector<16xf32>
    %swap3A_102 = vector.shape_cast %broadcast_in_dim3A_1 : vector<16xf32> to vector<1x16xf32>
    tpu.vector_store %arg11[%swap3A_98, %swap3A_99], %swap3A_102 {strides = array<i32>} : memref<16x128xf32, #tpu.memory_space<vmem>>, vector<1x16xf32>,
    %swap3A_103 = arith.constant 2 : i32
    %swap3A_104 = arith.index_cast %swap3A_103 : i32 to index
    %swap3A_105 = arith.constant 16 : index
    %swap3A_106 = tpu.vector_load %arg11[%swap3A_104, %swap3A_105] {strides = array<i32>} : memref<16x128xf32, #tpu.memory_space<vmem>>, vector<1x16xf32>,
    %swap3A_107 = vector.shape_cast %swap3A_106 : vector<1x16xf32> to vector<16xf32>
    %swap3A_108 = vector.shape_cast %broadcast_in_dim3A_1 : vector<16xf32> to vector<1x16xf32>
    tpu.vector_store %arg11[%swap3A_104, %swap3A_105], %swap3A_108 {strides = array<i32>} : memref<16x128xf32, #tpu.memory_space<vmem>>, vector<1x16xf32>,
    %swap3A_109 = arith.constant 2 : i32
    %swap3A_110 = arith.index_cast %swap3A_109 : i32 to index
    %swap3A_111 = arith.constant 32 : index
    %swap3A_112 = tpu.vector_load %arg11[%swap3A_110, %swap3A_111] {strides = array<i32>} : memref<16x128xf32, #tpu.memory_space<vmem>>, vector<1x16xf32>,
    %swap3A_113 = vector.shape_cast %swap3A_112 : vector<1x16xf32> to vector<16xf32>
    %swap3A_114 = vector.shape_cast %broadcast_in_dim3A_1 : vector<16xf32> to vector<1x16xf32>
    tpu.vector_store %arg11[%swap3A_110, %swap3A_111], %swap3A_114 {strides = array<i32>} : memref<16x128xf32, #tpu.memory_space<vmem>>, vector<1x16xf32>,
    %swap3A_115 = arith.constant 2 : i32
    %swap3A_116 = arith.index_cast %swap3A_115 : i32 to index
    %swap3A_117 = arith.constant 48 : index
    %swap3A_118 = tpu.vector_load %arg11[%swap3A_116, %swap3A_117] {strides = array<i32>} : memref<16x128xf32, #tpu.memory_space<vmem>>, vector<1x16xf32>,
    %swap3A_119 = vector.shape_cast %swap3A_118 : vector<1x16xf32> to vector<16xf32>
    %swap3A_120 = vector.shape_cast %broadcast_in_dim3A_1 : vector<16xf32> to vector<1x16xf32>
    tpu.vector_store %arg11[%swap3A_116, %swap3A_117], %swap3A_120 {strides = array<i32>} : memref<16x128xf32, #tpu.memory_space<vmem>>, vector<1x16xf32>,
    %swap3A_121 = arith.constant 2 : i32
    %swap3A_122 = arith.index_cast %swap3A_121 : i32 to index
    %swap3A_123 = arith.constant 64 : index
    %swap3A_124 = tpu.vector_load %arg11[%swap3A_122, %swap3A_123] {strides = array<i32>} : memref<16x128xf32, #tpu.memory_space<vmem>>, vector<1x16xf32>,
    %swap3A_125 = vector.shape_cast %swap3A_124 : vector<1x16xf32> to vector<16xf32>
    %swap3A_126 = vector.shape_cast %broadcast_in_dim3A_1 : vector<16xf32> to vector<1x16xf32>
    tpu.vector_store %arg11[%swap3A_122, %swap3A_123], %swap3A_126 {strides = array<i32>} : memref<16x128xf32, #tpu.memory_space<vmem>>, vector<1x16xf32>,
    %swap3A_127 = arith.constant 2 : i32
    %swap3A_128 = arith.index_cast %swap3A_127 : i32 to index
    %swap3A_129 = arith.constant 80 : index
    %swap3A_130 = tpu.vector_load %arg11[%swap3A_128, %swap3A_129] {strides = array<i32>} : memref<16x128xf32, #tpu.memory_space<vmem>>, vector<1x16xf32>,
    %swap3A_131 = vector.shape_cast %swap3A_130 : vector<1x16xf32> to vector<16xf32>
    %swap3A_132 = vector.shape_cast %broadcast_in_dim3A_1 : vector<16xf32> to vector<1x16xf32>
    tpu.vector_store %arg11[%swap3A_128, %swap3A_129], %swap3A_132 {strides = array<i32>} : memref<16x128xf32, #tpu.memory_space<vmem>>, vector<1x16xf32>,
    %swap3A_133 = arith.constant 2 : i32
    %swap3A_134 = arith.index_cast %swap3A_133 : i32 to index
    %swap3A_135 = arith.constant 96 : index
    %swap3A_136 = tpu.vector_load %arg11[%swap3A_134, %swap3A_135] {strides = array<i32>} : memref<16x128xf32, #tpu.memory_space<vmem>>, vector<1x16xf32>,
    %swap3A_137 = vector.shape_cast %swap3A_136 : vector<1x16xf32> to vector<16xf32>
    %swap3A_138 = vector.shape_cast %broadcast_in_dim3A_1 : vector<16xf32> to vector<1x16xf32>
    tpu.vector_store %arg11[%swap3A_134, %swap3A_135], %swap3A_138 {strides = array<i32>} : memref<16x128xf32, #tpu.memory_space<vmem>>, vector<1x16xf32>,
    %swap3A_139 = arith.constant 2 : i32
    %swap3A_140 = arith.index_cast %swap3A_139 : i32 to index
    %swap3A_141 = arith.constant 112 : index
    %swap3A_142 = tpu.vector_load %arg11[%swap3A_140, %swap3A_141] {strides = array<i32>} : memref<16x128xf32, #tpu.memory_space<vmem>>, vector<1x16xf32>,
    %swap3A_143 = vector.shape_cast %swap3A_142 : vector<1x16xf32> to vector<16xf32>
    %swap3A_144 = vector.shape_cast %broadcast_in_dim3A_1 : vector<16xf32> to vector<1x16xf32>
    tpu.vector_store %arg11[%swap3A_140, %swap3A_141], %swap3A_144 {strides = array<i32>} : memref<16x128xf32, #tpu.memory_space<vmem>>, vector<1x16xf32>,
    %swap3A_145 = arith.constant 3 : i32
    %swap3A_146 = arith.index_cast %swap3A_145 : i32 to index
    %swap3A_147 = arith.constant 0 : index
    %swap3A_148 = tpu.vector_load %arg11[%swap3A_146, %swap3A_147] {strides = array<i32>} : memref<16x128xf32, #tpu.memory_space<vmem>>, vector<1x16xf32>,
    %swap3A_149 = vector.shape_cast %swap3A_148 : vector<1x16xf32> to vector<16xf32>
    %swap3A_150 = vector.shape_cast %broadcast_in_dim3A_1 : vector<16xf32> to vector<1x16xf32>
    tpu.vector_store %arg11[%swap3A_146, %swap3A_147], %swap3A_150 {strides = array<i32>} : memref<16x128xf32, #tpu.memory_space<vmem>>, vector<1x16xf32>,
    %swap3A_151 = arith.constant 3 : i32
    %swap3A_152 = arith.index_cast %swap3A_151 : i32 to index
    %swap3A_153 = arith.constant 16 : index
    %swap3A_154 = tpu.vector_load %arg11[%swap3A_152, %swap3A_153] {strides = array<i32>} : memref<16x128xf32, #tpu.memory_space<vmem>>, vector<1x16xf32>,
    %swap3A_155 = vector.shape_cast %swap3A_154 : vector<1x16xf32> to vector<16xf32>
    %swap3A_156 = vector.shape_cast %broadcast_in_dim3A_1 : vector<16xf32> to vector<1x16xf32>
    tpu.vector_store %arg11[%swap3A_152, %swap3A_153], %swap3A_156 {strides = array<i32>} : memref<16x128xf32, #tpu.memory_space<vmem>>, vector<1x16xf32>,
    %swap3A_157 = arith.constant 3 : i32
    %swap3A_158 = arith.index_cast %swap3A_157 : i32 to index
    %swap3A_159 = arith.constant 32 : index
    %swap3A_160 = tpu.vector_load %arg11[%swap3A_158, %swap3A_159] {strides = array<i32>} : memref<16x128xf32, #tpu.memory_space<vmem>>, vector<1x16xf32>,
    %swap3A_161 = vector.shape_cast %swap3A_160 : vector<1x16xf32> to vector<16xf32>
    %swap3A_162 = vector.shape_cast %broadcast_in_dim3A_1 : vector<16xf32> to vector<1x16xf32>
    tpu.vector_store %arg11[%swap3A_158, %swap3A_159], %swap3A_162 {strides = array<i32>} : memref<16x128xf32, #tpu.memory_space<vmem>>, vector<1x16xf32>,
    %swap3A_163 = arith.constant 3 : i32
    %swap3A_164 = arith.index_cast %swap3A_163 : i32 to index
    %swap3A_165 = arith.constant 48 : index
    %swap3A_166 = tpu.vector_load %arg11[%swap3A_164, %swap3A_165] {strides = array<i32>} : memref<16x128xf32, #tpu.memory_space<vmem>>, vector<1x16xf32>,
    %swap3A_167 = vector.shape_cast %swap3A_166 : vector<1x16xf32> to vector<16xf32>
    %swap3A_168 = vector.shape_cast %broadcast_in_dim3A_1 : vector<16xf32> to vector<1x16xf32>
    tpu.vector_store %arg11[%swap3A_164, %swap3A_165], %swap3A_168 {strides = array<i32>} : memref<16x128xf32, #tpu.memory_space<vmem>>, vector<1x16xf32>,
    %swap3A_169 = arith.constant 3 : i32
    %swap3A_170 = arith.index_cast %swap3A_169 : i32 to index
    %swap3A_171 = arith.constant 64 : index
    %swap3A_172 = tpu.vector_load %arg11[%swap3A_170, %swap3A_171] {strides = array<i32>} : memref<16x128xf32, #tpu.memory_space<vmem>>, vector<1x16xf32>,
    %swap3A_173 = vector.shape_cast %swap3A_172 : vector<1x16xf32> to vector<16xf32>
    %swap3A_174 = vector.shape_cast %broadcast_in_dim3A_1 : vector<16xf32> to vector<1x16xf32>
    tpu.vector_store %arg11[%swap3A_170, %swap3A_171], %swap3A_174 {strides = array<i32>} : memref<16x128xf32, #tpu.memory_space<vmem>>, vector<1x16xf32>,
    %swap3A_175 = arith.constant 3 : i32
    %swap3A_176 = arith.index_cast %swap3A_175 : i32 to index
    %swap3A_177 = arith.constant 80 : index
    %swap3A_178 = tpu.vector_load %arg11[%swap3A_176, %swap3A_177] {strides = array<i32>} : memref<16x128xf32, #tpu.memory_space<vmem>>, vector<1x16xf32>,
    %swap3A_179 = vector.shape_cast %swap3A_178 : vector<1x16xf32> to vector<16xf32>
    %swap3A_180 = vector.shape_cast %broadcast_in_dim3A_1 : vector<16xf32> to vector<1x16xf32>
    tpu.vector_store %arg11[%swap3A_176, %swap3A_177], %swap3A_180 {strides = array<i32>} : memref<16x128xf32, #tpu.memory_space<vmem>>, vector<1x16xf32>,
    %swap3A_181 = arith.constant 3 : i32
    %swap3A_182 = arith.index_cast %swap3A_181 : i32 to index
    %swap3A_183 = arith.constant 96 : index
    %swap3A_184 = tpu.vector_load %arg11[%swap3A_182, %swap3A_183] {strides = array<i32>} : memref<16x128xf32, #tpu.memory_space<vmem>>, vector<1x16xf32>,
    %swap3A_185 = vector.shape_cast %swap3A_184 : vector<1x16xf32> to vector<16xf32>
    %swap3A_186 = vector.shape_cast %broadcast_in_dim3A_1 : vector<16xf32> to vector<1x16xf32>
    tpu.vector_store %arg11[%swap3A_182, %swap3A_183], %swap3A_186 {strides = array<i32>} : memref<16x128xf32, #tpu.memory_space<vmem>>, vector<1x16xf32>,
    %swap3A_187 = arith.constant 3 : i32
    %swap3A_188 = arith.index_cast %swap3A_187 : i32 to index
    %swap3A_189 = arith.constant 112 : index
    %swap3A_190 = tpu.vector_load %arg11[%swap3A_188, %swap3A_189] {strides = array<i32>} : memref<16x128xf32, #tpu.memory_space<vmem>>, vector<1x16xf32>,
    %swap3A_191 = vector.shape_cast %swap3A_190 : vector<1x16xf32> to vector<16xf32>
    %swap3A_192 = vector.shape_cast %broadcast_in_dim3A_1 : vector<16xf32> to vector<1x16xf32>
    tpu.vector_store %arg11[%swap3A_188, %swap3A_189], %swap3A_192 {strides = array<i32>} : memref<16x128xf32, #tpu.memory_space<vmem>>, vector<1x16xf32>,
    %swap3A_193 = arith.constant 4 : i32
    %swap3A_194 = arith.index_cast %swap3A_193 : i32 to index
    %swap3A_195 = arith.constant 0 : index
    %swap3A_196 = tpu.vector_load %arg11[%swap3A_194, %swap3A_195] {strides = array<i32>} : memref<16x128xf32, #tpu.memory_space<vmem>>, vector<1x16xf32>,
    %swap3A_197 = vector.shape_cast %swap3A_196 : vector<1x16xf32> to vector<16xf32>
    %swap3A_198 = vector.shape_cast %broadcast_in_dim3A_1 : vector<16xf32> to vector<1x16xf32>
    tpu.vector_store %arg11[%swap3A_194, %swap3A_195], %swap3A_198 {strides = array<i32>} : memref<16x128xf32, #tpu.memory_space<vmem>>, vector<1x16xf32>,
    %swap3A_199 = arith.constant 4 : i32
    %swap3A_200 = arith.index_cast %swap3A_199 : i32 to index
    %swap3A_201 = arith.constant 16 : index
    %swap3A_202 = tpu.vector_load %arg11[%swap3A_200, %swap3A_201] {strides = array<i32>} : memref<16x128xf32, #tpu.memory_space<vmem>>, vector<1x16xf32>,
    %swap3A_203 = vector.shape_cast %swap3A_202 : vector<1x16xf32> to vector<16xf32>
    %swap3A_204 = vector.shape_cast %broadcast_in_dim3A_1 : vector<16xf32> to vector<1x16xf32>
    tpu.vector_store %arg11[%swap3A_200, %swap3A_201], %swap3A_204 {strides = array<i32>} : memref<16x128xf32, #tpu.memory_space<vmem>>, vector<1x16xf32>,
    %swap3A_205 = arith.constant 4 : i32
    %swap3A_206 = arith.index_cast %swap3A_205 : i32 to index
    %swap3A_207 = arith.constant 32 : index
    %swap3A_208 = tpu.vector_load %arg11[%swap3A_206, %swap3A_207] {strides = array<i32>} : memref<16x128xf32, #tpu.memory_space<vmem>>, vector<1x16xf32>,
    %swap3A_209 = vector.shape_cast %swap3A_208 : vector<1x16xf32> to vector<16xf32>
    %swap3A_210 = vector.shape_cast %broadcast_in_dim3A_1 : vector<16xf32> to vector<1x16xf32>
    tpu.vector_store %arg11[%swap3A_206, %swap3A_207], %swap3A_210 {strides = array<i32>} : memref<16x128xf32, #tpu.memory_space<vmem>>, vector<1x16xf32>,
    %swap3A_211 = arith.constant 4 : i32
    %swap3A_212 = arith.index_cast %swap3A_211 : i32 to index
    %swap3A_213 = arith.constant 48 : index
    %swap3A_214 = tpu.vector_load %arg11[%swap3A_212, %swap3A_213] {strides = array<i32>} : memref<16x128xf32, #tpu.memory_space<vmem>>, vector<1x16xf32>,
    %swap3A_215 = vector.shape_cast %swap3A_214 : vector<1x16xf32> to vector<16xf32>
    %swap3A_216 = vector.shape_cast %broadcast_in_dim3A_1 : vector<16xf32> to vector<1x16xf32>
    tpu.vector_store %arg11[%swap3A_212, %swap3A_213], %swap3A_216 {strides = array<i32>} : memref<16x128xf32, #tpu.memory_space<vmem>>, vector<1x16xf32>,
    %swap3A_217 = arith.constant 4 : i32
    %swap3A_218 = arith.index_cast %swap3A_217 : i32 to index
    %swap3A_219 = arith.constant 64 : index
    %swap3A_220 = tpu.vector_load %arg11[%swap3A_218, %swap3A_219] {strides = array<i32>} : memref<16x128xf32, #tpu.memory_space<vmem>>, vector<1x16xf32>,
    %swap3A_221 = vector.shape_cast %swap3A_220 : vector<1x16xf32> to vector<16xf32>
    %swap3A_222 = vector.shape_cast %broadcast_in_dim3A_1 : vector<16xf32> to vector<1x16xf32>
    tpu.vector_store %arg11[%swap3A_218, %swap3A_219], %swap3A_222 {strides = array<i32>} : memref<16x128xf32, #tpu.memory_space<vmem>>, vector<1x16xf32>,
    %swap3A_223 = arith.constant 4 : i32
    %swap3A_224 = arith.index_cast %swap3A_223 : i32 to index
    %swap3A_225 = arith.constant 80 : index
    %swap3A_226 = tpu.vector_load %arg11[%swap3A_224, %swap3A_225] {strides = array<i32>} : memref<16x128xf32, #tpu.memory_space<vmem>>, vector<1x16xf32>,
    %swap3A_227 = vector.shape_cast %swap3A_226 : vector<1x16xf32> to vector<16xf32>
    %swap3A_228 = vector.shape_cast %broadcast_in_dim3A_1 : vector<16xf32> to vector<1x16xf32>
    tpu.vector_store %arg11[%swap3A_224, %swap3A_225], %swap3A_228 {strides = array<i32>} : memref<16x128xf32, #tpu.memory_space<vmem>>, vector<1x16xf32>,
    %swap3A_229 = arith.constant 4 : i32
    %swap3A_230 = arith.index_cast %swap3A_229 : i32 to index
    %swap3A_231 = arith.constant 96 : index
    %swap3A_232 = tpu.vector_load %arg11[%swap3A_230, %swap3A_231] {strides = array<i32>} : memref<16x128xf32, #tpu.memory_space<vmem>>, vector<1x16xf32>,
    %swap3A_233 = vector.shape_cast %swap3A_232 : vector<1x16xf32> to vector<16xf32>
    %swap3A_234 = vector.shape_cast %broadcast_in_dim3A_1 : vector<16xf32> to vector<1x16xf32>
    tpu.vector_store %arg11[%swap3A_230, %swap3A_231], %swap3A_234 {strides = array<i32>} : memref<16x128xf32, #tpu.memory_space<vmem>>, vector<1x16xf32>,
    %swap3A_235 = arith.constant 4 : i32
    %swap3A_236 = arith.index_cast %swap3A_235 : i32 to index
    %swap3A_237 = arith.constant 112 : index
    %swap3A_238 = tpu.vector_load %arg11[%swap3A_236, %swap3A_237] {strides = array<i32>} : memref<16x128xf32, #tpu.memory_space<vmem>>, vector<1x16xf32>,
    %swap3A_239 = vector.shape_cast %swap3A_238 : vector<1x16xf32> to vector<16xf32>
    %swap3A_240 = vector.shape_cast %broadcast_in_dim3A_1 : vector<16xf32> to vector<1x16xf32>
    tpu.vector_store %arg11[%swap3A_236, %swap3A_237], %swap3A_240 {strides = array<i32>} : memref<16x128xf32, #tpu.memory_space<vmem>>, vector<1x16xf32>,
    %swap3A_241 = arith.constant 5 : i32
    %swap3A_242 = arith.index_cast %swap3A_241 : i32 to index
    %swap3A_243 = arith.constant 0 : index
    %swap3A_244 = tpu.vector_load %arg11[%swap3A_242, %swap3A_243] {strides = array<i32>} : memref<16x128xf32, #tpu.memory_space<vmem>>, vector<1x16xf32>,
    %swap3A_245 = vector.shape_cast %swap3A_244 : vector<1x16xf32> to vector<16xf32>
    %swap3A_246 = vector.shape_cast %broadcast_in_dim3A_1 : vector<16xf32> to vector<1x16xf32>
    tpu.vector_store %arg11[%swap3A_242, %swap3A_243], %swap3A_246 {strides = array<i32>} : memref<16x128xf32, #tpu.memory_space<vmem>>, vector<1x16xf32>,
    %swap3A_247 = arith.constant 5 : i32
    %swap3A_248 = arith.index_cast %swap3A_247 : i32 to index
    %swap3A_249 = arith.constant 16 : index
    %swap3A_250 = tpu.vector_load %arg11[%swap3A_248, %swap3A_249] {strides = array<i32>} : memref<16x128xf32, #tpu.memory_space<vmem>>, vector<1x16xf32>,
    %swap3A_251 = vector.shape_cast %swap3A_250 : vector<1x16xf32> to vector<16xf32>
    %swap3A_252 = vector.shape_cast %broadcast_in_dim3A_1 : vector<16xf32> to vector<1x16xf32>
    tpu.vector_store %arg11[%swap3A_248, %swap3A_249], %swap3A_252 {strides = array<i32>} : memref<16x128xf32, #tpu.memory_space<vmem>>, vector<1x16xf32>,
    %swap3A_253 = arith.constant 5 : i32
    %swap3A_254 = arith.index_cast %swap3A_253 : i32 to index
    %swap3A_255 = arith.constant 32 : index
    %swap3A_256 = tpu.vector_load %arg11[%swap3A_254, %swap3A_255] {strides = array<i32>} : memref<16x128xf32, #tpu.memory_space<vmem>>, vector<1x16xf32>,
    %swap3A_257 = vector.shape_cast %swap3A_256 : vector<1x16xf32> to vector<16xf32>
    %swap3A_258 = vector.shape_cast %broadcast_in_dim3A_1 : vector<16xf32> to vector<1x16xf32>
    tpu.vector_store %arg11[%swap3A_254, %swap3A_255], %swap3A_258 {strides = array<i32>} : memref<16x128xf32, #tpu.memory_space<vmem>>, vector<1x16xf32>,
    %swap3A_259 = arith.constant 5 : i32
    %swap3A_260 = arith.index_cast %swap3A_259 : i32 to index
    %swap3A_261 = arith.constant 48 : index
    %swap3A_262 = tpu.vector_load %arg11[%swap3A_260, %swap3A_261] {strides = array<i32>} : memref<16x128xf32, #tpu.memory_space<vmem>>, vector<1x16xf32>,
    %swap3A_263 = vector.shape_cast %swap3A_262 : vector<1x16xf32> to vector<16xf32>
    %swap3A_264 = vector.shape_cast %broadcast_in_dim3A_1 : vector<16xf32> to vector<1x16xf32>
    tpu.vector_store %arg11[%swap3A_260, %swap3A_261], %swap3A_264 {strides = array<i32>} : memref<16x128xf32, #tpu.memory_space<vmem>>, vector<1x16xf32>,
    %swap3A_265 = arith.constant 5 : i32
    %swap3A_266 = arith.index_cast %swap3A_265 : i32 to index
    %swap3A_267 = arith.constant 64 : index
    %swap3A_268 = tpu.vector_load %arg11[%swap3A_266, %swap3A_267] {strides = array<i32>} : memref<16x128xf32, #tpu.memory_space<vmem>>, vector<1x16xf32>,
    %swap3A_269 = vector.shape_cast %swap3A_268 : vector<1x16xf32> to vector<16xf32>
    %swap3A_270 = vector.shape_cast %broadcast_in_dim3A_1 : vector<16xf32> to vector<1x16xf32>
    tpu.vector_store %arg11[%swap3A_266, %swap3A_267], %swap3A_270 {strides = array<i32>} : memref<16x128xf32, #tpu.memory_space<vmem>>, vector<1x16xf32>,
    %swap3A_271 = arith.constant 5 : i32
    %swap3A_272 = arith.index_cast %swap3A_271 : i32 to index
    %swap3A_273 = arith.constant 80 : index
    %swap3A_274 = tpu.vector_load %arg11[%swap3A_272, %swap3A_273] {strides = array<i32>} : memref<16x128xf32, #tpu.memory_space<vmem>>, vector<1x16xf32>,
    %swap3A_275 = vector.shape_cast %swap3A_274 : vector<1x16xf32> to vector<16xf32>
    %swap3A_276 = vector.shape_cast %broadcast_in_dim3A_1 : vector<16xf32> to vector<1x16xf32>
    tpu.vector_store %arg11[%swap3A_272, %swap3A_273], %swap3A_276 {strides = array<i32>} : memref<16x128xf32, #tpu.memory_space<vmem>>, vector<1x16xf32>,
    %swap3A_277 = arith.constant 5 : i32
    %swap3A_278 = arith.index_cast %swap3A_277 : i32 to index
    %swap3A_279 = arith.constant 96 : index
    %swap3A_280 = tpu.vector_load %arg11[%swap3A_278, %swap3A_279] {strides = array<i32>} : memref<16x128xf32, #tpu.memory_space<vmem>>, vector<1x16xf32>,
    %swap3A_281 = vector.shape_cast %swap3A_280 : vector<1x16xf32> to vector<16xf32>
    %swap3A_282 = vector.shape_cast %broadcast_in_dim3A_1 : vector<16xf32> to vector<1x16xf32>
    tpu.vector_store %arg11[%swap3A_278, %swap3A_279], %swap3A_282 {strides = array<i32>} : memref<16x128xf32, #tpu.memory_space<vmem>>, vector<1x16xf32>,
    %swap3A_283 = arith.constant 5 : i32
    %swap3A_284 = arith.index_cast %swap3A_283 : i32 to index
    %swap3A_285 = arith.constant 112 : index
    %swap3A_286 = tpu.vector_load %arg11[%swap3A_284, %swap3A_285] {strides = array<i32>} : memref<16x128xf32, #tpu.memory_space<vmem>>, vector<1x16xf32>,
    %swap3A_287 = vector.shape_cast %swap3A_286 : vector<1x16xf32> to vector<16xf32>
    %swap3A_288 = vector.shape_cast %broadcast_in_dim3A_1 : vector<16xf32> to vector<1x16xf32>
    tpu.vector_store %arg11[%swap3A_284, %swap3A_285], %swap3A_288 {strides = array<i32>} : memref<16x128xf32, #tpu.memory_space<vmem>>, vector<1x16xf32>,
    %swap3A_289 = arith.constant 6 : i32
    %swap3A_290 = arith.index_cast %swap3A_289 : i32 to index
    %swap3A_291 = arith.constant 0 : index
    %swap3A_292 = tpu.vector_load %arg11[%swap3A_290, %swap3A_291] {strides = array<i32>} : memref<16x128xf32, #tpu.memory_space<vmem>>, vector<1x16xf32>,
    %swap3A_293 = vector.shape_cast %swap3A_292 : vector<1x16xf32> to vector<16xf32>
    %swap3A_294 = vector.shape_cast %broadcast_in_dim3A_1 : vector<16xf32> to vector<1x16xf32>
    tpu.vector_store %arg11[%swap3A_290, %swap3A_291], %swap3A_294 {strides = array<i32>} : memref<16x128xf32, #tpu.memory_space<vmem>>, vector<1x16xf32>,
    %swap3A_295 = arith.constant 6 : i32
    %swap3A_296 = arith.index_cast %swap3A_295 : i32 to index
    %swap3A_297 = arith.constant 16 : index
    %swap3A_298 = tpu.vector_load %arg11[%swap3A_296, %swap3A_297] {strides = array<i32>} : memref<16x128xf32, #tpu.memory_space<vmem>>, vector<1x16xf32>,
    %swap3A_299 = vector.shape_cast %swap3A_298 : vector<1x16xf32> to vector<16xf32>
    %swap3A_300 = vector.shape_cast %broadcast_in_dim3A_1 : vector<16xf32> to vector<1x16xf32>
    tpu.vector_store %arg11[%swap3A_296, %swap3A_297], %swap3A_300 {strides = array<i32>} : memref<16x128xf32, #tpu.memory_space<vmem>>, vector<1x16xf32>,
    %swap3A_301 = arith.constant 6 : i32
    %swap3A_302 = arith.index_cast %swap3A_301 : i32 to index
    %swap3A_303 = arith.constant 32 : index
    %swap3A_304 = tpu.vector_load %arg11[%swap3A_302, %swap3A_303] {strides = array<i32>} : memref<16x128xf32, #tpu.memory_space<vmem>>, vector<1x16xf32>,
    %swap3A_305 = vector.shape_cast %swap3A_304 : vector<1x16xf32> to vector<16xf32>
    %swap3A_306 = vector.shape_cast %broadcast_in_dim3A_1 : vector<16xf32> to vector<1x16xf32>
    tpu.vector_store %arg11[%swap3A_302, %swap3A_303], %swap3A_306 {strides = array<i32>} : memref<16x128xf32, #tpu.memory_space<vmem>>, vector<1x16xf32>,
    %swap3A_307 = arith.constant 6 : i32
    %swap3A_308 = arith.index_cast %swap3A_307 : i32 to index
    %swap3A_309 = arith.constant 48 : index
    %swap3A_310 = tpu.vector_load %arg11[%swap3A_308, %swap3A_309] {strides = array<i32>} : memref<16x128xf32, #tpu.memory_space<vmem>>, vector<1x16xf32>,
    %swap3A_311 = vector.shape_cast %swap3A_310 : vector<1x16xf32> to vector<16xf32>
    %swap3A_312 = vector.shape_cast %broadcast_in_dim3A_1 : vector<16xf32> to vector<1x16xf32>
    tpu.vector_store %arg11[%swap3A_308, %swap3A_309], %swap3A_312 {strides = array<i32>} : memref<16x128xf32, #tpu.memory_space<vmem>>, vector<1x16xf32>,
    %swap3A_313 = arith.constant 6 : i32
    %swap3A_314 = arith.index_cast %swap3A_313 : i32 to index
    %swap3A_315 = arith.constant 64 : index
    %swap3A_316 = tpu.vector_load %arg11[%swap3A_314, %swap3A_315] {strides = array<i32>} : memref<16x128xf32, #tpu.memory_space<vmem>>, vector<1x16xf32>,
    %swap3A_317 = vector.shape_cast %swap3A_316 : vector<1x16xf32> to vector<16xf32>
    %swap3A_318 = vector.shape_cast %broadcast_in_dim3A_1 : vector<16xf32> to vector<1x16xf32>
    tpu.vector_store %arg11[%swap3A_314, %swap3A_315], %swap3A_318 {strides = array<i32>} : memref<16x128xf32, #tpu.memory_space<vmem>>, vector<1x16xf32>,
    %swap3A_319 = arith.constant 6 : i32
    %swap3A_320 = arith.index_cast %swap3A_319 : i32 to index
    %swap3A_321 = arith.constant 80 : index
    %swap3A_322 = tpu.vector_load %arg11[%swap3A_320, %swap3A_321] {strides = array<i32>} : memref<16x128xf32, #tpu.memory_space<vmem>>, vector<1x16xf32>,
    %swap3A_323 = vector.shape_cast %swap3A_322 : vector<1x16xf32> to vector<16xf32>
    %swap3A_324 = vector.shape_cast %broadcast_in_dim3A_1 : vector<16xf32> to vector<1x16xf32>
    tpu.vector_store %arg11[%swap3A_320, %swap3A_321], %swap3A_324 {strides = array<i32>} : memref<16x128xf32, #tpu.memory_space<vmem>>, vector<1x16xf32>,
    %swap3A_325 = arith.constant 6 : i32
    %swap3A_326 = arith.index_cast %swap3A_325 : i32 to index
    %swap3A_327 = arith.constant 96 : index
    %swap3A_328 = tpu.vector_load %arg11[%swap3A_326, %swap3A_327] {strides = array<i32>} : memref<16x128xf32, #tpu.memory_space<vmem>>, vector<1x16xf32>,
    %swap3A_329 = vector.shape_cast %swap3A_328 : vector<1x16xf32> to vector<16xf32>
    %swap3A_330 = vector.shape_cast %broadcast_in_dim3A_1 : vector<16xf32> to vector<1x16xf32>
    tpu.vector_store %arg11[%swap3A_326, %swap3A_327], %swap3A_330 {strides = array<i32>} : memref<16x128xf32, #tpu.memory_space<vmem>>, vector<1x16xf32>,
    %swap3A_331 = arith.constant 6 : i32
    %swap3A_332 = arith.index_cast %swap3A_331 : i32 to index
    %swap3A_333 = arith.constant 112 : index
    %swap3A_334 = tpu.vector_load %arg11[%swap3A_332, %swap3A_333] {strides = array<i32>} : memref<16x128xf32, #tpu.memory_space<vmem>>, vector<1x16xf32>,
    %swap3A_335 = vector.shape_cast %swap3A_334 : vector<1x16xf32> to vector<16xf32>
    %swap3A_336 = vector.shape_cast %broadcast_in_dim3A_1 : vector<16xf32> to vector<1x16xf32>
    tpu.vector_store %arg11[%swap3A_332, %swap3A_333], %swap3A_336 {strides = array<i32>} : memref<16x128xf32, #tpu.memory_space<vmem>>, vector<1x16xf32>,
    %swap3A_337 = arith.constant 7 : i32
    %swap3A_338 = arith.index_cast %swap3A_337 : i32 to index
    %swap3A_339 = arith.constant 0 : index
    %swap3A_340 = tpu.vector_load %arg11[%swap3A_338, %swap3A_339] {strides = array<i32>} : memref<16x128xf32, #tpu.memory_space<vmem>>, vector<1x16xf32>,
    %swap3A_341 = vector.shape_cast %swap3A_340 : vector<1x16xf32> to vector<16xf32>
    %swap3A_342 = vector.shape_cast %broadcast_in_dim3A_1 : vector<16xf32> to vector<1x16xf32>
    tpu.vector_store %arg11[%swap3A_338, %swap3A_339], %swap3A_342 {strides = array<i32>} : memref<16x128xf32, #tpu.memory_space<vmem>>, vector<1x16xf32>,
    %swap3A_343 = arith.constant 7 : i32
    %swap3A_344 = arith.index_cast %swap3A_343 : i32 to index
    %swap3A_345 = arith.constant 16 : index
    %swap3A_346 = tpu.vector_load %arg11[%swap3A_344, %swap3A_345] {strides = array<i32>} : memref<16x128xf32, #tpu.memory_space<vmem>>, vector<1x16xf32>,
    %swap3A_347 = vector.shape_cast %swap3A_346 : vector<1x16xf32> to vector<16xf32>
    %swap3A_348 = vector.shape_cast %broadcast_in_dim3A_1 : vector<16xf32> to vector<1x16xf32>
    tpu.vector_store %arg11[%swap3A_344, %swap3A_345], %swap3A_348 {strides = array<i32>} : memref<16x128xf32, #tpu.memory_space<vmem>>, vector<1x16xf32>,
    %swap3A_349 = arith.constant 7 : i32
    %swap3A_350 = arith.index_cast %swap3A_349 : i32 to index
    %swap3A_351 = arith.constant 32 : index
    %swap3A_352 = tpu.vector_load %arg11[%swap3A_350, %swap3A_351] {strides = array<i32>} : memref<16x128xf32, #tpu.memory_space<vmem>>, vector<1x16xf32>,
    %swap3A_353 = vector.shape_cast %swap3A_352 : vector<1x16xf32> to vector<16xf32>
    %swap3A_354 = vector.shape_cast %broadcast_in_dim3A_1 : vector<16xf32> to vector<1x16xf32>
    tpu.vector_store %arg11[%swap3A_350, %swap3A_351], %swap3A_354 {strides = array<i32>} : memref<16x128xf32, #tpu.memory_space<vmem>>, vector<1x16xf32>,
    %swap3A_355 = arith.constant 7 : i32
    %swap3A_356 = arith.index_cast %swap3A_355 : i32 to index
    %swap3A_357 = arith.constant 48 : index
    %swap3A_358 = tpu.vector_load %arg11[%swap3A_356, %swap3A_357] {strides = array<i32>} : memref<16x128xf32, #tpu.memory_space<vmem>>, vector<1x16xf32>,
    %swap3A_359 = vector.shape_cast %swap3A_358 : vector<1x16xf32> to vector<16xf32>
    %swap3A_360 = vector.shape_cast %broadcast_in_dim3A_1 : vector<16xf32> to vector<1x16xf32>
    tpu.vector_store %arg11[%swap3A_356, %swap3A_357], %swap3A_360 {strides = array<i32>} : memref<16x128xf32, #tpu.memory_space<vmem>>, vector<1x16xf32>,
    %swap3A_361 = arith.constant 7 : i32
    %swap3A_362 = arith.index_cast %swap3A_361 : i32 to index
    %swap3A_363 = arith.constant 64 : index
    %swap3A_364 = tpu.vector_load %arg11[%swap3A_362, %swap3A_363] {strides = array<i32>} : memref<16x128xf32, #tpu.memory_space<vmem>>, vector<1x16xf32>,
    %swap3A_365 = vector.shape_cast %swap3A_364 : vector<1x16xf32> to vector<16xf32>
    %swap3A_366 = vector.shape_cast %broadcast_in_dim3A_1 : vector<16xf32> to vector<1x16xf32>
    tpu.vector_store %arg11[%swap3A_362, %swap3A_363], %swap3A_366 {strides = array<i32>} : memref<16x128xf32, #tpu.memory_space<vmem>>, vector<1x16xf32>,
    %swap3A_367 = arith.constant 7 : i32
    %swap3A_368 = arith.index_cast %swap3A_367 : i32 to index
    %swap3A_369 = arith.constant 80 : index
    %swap3A_370 = tpu.vector_load %arg11[%swap3A_368, %swap3A_369] {strides = array<i32>} : memref<16x128xf32, #tpu.memory_space<vmem>>, vector<1x16xf32>,
    %swap3A_371 = vector.shape_cast %swap3A_370 : vector<1x16xf32> to vector<16xf32>
    %swap3A_372 = vector.shape_cast %broadcast_in_dim3A_1 : vector<16xf32> to vector<1x16xf32>
    tpu.vector_store %arg11[%swap3A_368, %swap3A_369], %swap3A_372 {strides = array<i32>} : memref<16x128xf32, #tpu.memory_space<vmem>>, vector<1x16xf32>,
    %swap3A_373 = arith.constant 7 : i32
    %swap3A_374 = arith.index_cast %swap3A_373 : i32 to index
    %swap3A_375 = arith.constant 96 : index
    %swap3A_376 = tpu.vector_load %arg11[%swap3A_374, %swap3A_375] {strides = array<i32>} : memref<16x128xf32, #tpu.memory_space<vmem>>, vector<1x16xf32>,
    %swap3A_377 = vector.shape_cast %swap3A_376 : vector<1x16xf32> to vector<16xf32>
    %swap3A_378 = vector.shape_cast %broadcast_in_dim3A_1 : vector<16xf32> to vector<1x16xf32>
    tpu.vector_store %arg11[%swap3A_374, %swap3A_375], %swap3A_378 {strides = array<i32>} : memref<16x128xf32, #tpu.memory_space<vmem>>, vector<1x16xf32>,
    %swap3A_379 = arith.constant 7 : i32
    %swap3A_380 = arith.index_cast %swap3A_379 : i32 to index
    %swap3A_381 = arith.constant 112 : index
    %swap3A_382 = tpu.vector_load %arg11[%swap3A_380, %swap3A_381] {strides = array<i32>} : memref<16x128xf32, #tpu.memory_space<vmem>>, vector<1x16xf32>,
    %swap3A_383 = vector.shape_cast %swap3A_382 : vector<1x16xf32> to vector<16xf32>
    %swap3A_384 = vector.shape_cast %broadcast_in_dim3A_1 : vector<16xf32> to vector<1x16xf32>
    tpu.vector_store %arg11[%swap3A_380, %swap3A_381], %swap3A_384 {strides = array<i32>} : memref<16x128xf32, #tpu.memory_space<vmem>>, vector<1x16xf32>,
    %swap3A_385 = arith.constant 8 : i32
    %swap3A_386 = arith.index_cast %swap3A_385 : i32 to index
    %swap3A_387 = arith.constant 0 : index
    %swap3A_388 = tpu.vector_load %arg11[%swap3A_386, %swap3A_387] {strides = array<i32>} : memref<16x128xf32, #tpu.memory_space<vmem>>, vector<1x16xf32>,
    %swap3A_389 = vector.shape_cast %swap3A_388 : vector<1x16xf32> to vector<16xf32>
    %swap3A_390 = vector.shape_cast %broadcast_in_dim3A_1 : vector<16xf32> to vector<1x16xf32>
    tpu.vector_store %arg11[%swap3A_386, %swap3A_387], %swap3A_390 {strides = array<i32>} : memref<16x128xf32, #tpu.memory_space<vmem>>, vector<1x16xf32>,
    %swap3A_391 = arith.constant 8 : i32
    %swap3A_392 = arith.index_cast %swap3A_391 : i32 to index
    %swap3A_393 = arith.constant 16 : index
    %swap3A_394 = tpu.vector_load %arg11[%swap3A_392, %swap3A_393] {strides = array<i32>} : memref<16x128xf32, #tpu.memory_space<vmem>>, vector<1x16xf32>,
    %swap3A_395 = vector.shape_cast %swap3A_394 : vector<1x16xf32> to vector<16xf32>
    %swap3A_396 = vector.shape_cast %broadcast_in_dim3A_1 : vector<16xf32> to vector<1x16xf32>
    tpu.vector_store %arg11[%swap3A_392, %swap3A_393], %swap3A_396 {strides = array<i32>} : memref<16x128xf32, #tpu.memory_space<vmem>>, vector<1x16xf32>,
    %swap3A_397 = arith.constant 8 : i32
    %swap3A_398 = arith.index_cast %swap3A_397 : i32 to index
    %swap3A_399 = arith.constant 32 : index
    %swap3A_400 = tpu.vector_load %arg11[%swap3A_398, %swap3A_399] {strides = array<i32>} : memref<16x128xf32, #tpu.memory_space<vmem>>, vector<1x16xf32>,
    %swap3A_401 = vector.shape_cast %swap3A_400 : vector<1x16xf32> to vector<16xf32>
    %swap3A_402 = vector.shape_cast %broadcast_in_dim3A_1 : vector<16xf32> to vector<1x16xf32>
    tpu.vector_store %arg11[%swap3A_398, %swap3A_399], %swap3A_402 {strides = array<i32>} : memref<16x128xf32, #tpu.memory_space<vmem>>, vector<1x16xf32>,
    %swap3A_403 = arith.constant 8 : i32
    %swap3A_404 = arith.index_cast %swap3A_403 : i32 to index
    %swap3A_405 = arith.constant 48 : index
    %swap3A_406 = tpu.vector_load %arg11[%swap3A_404, %swap3A_405] {strides = array<i32>} : memref<16x128xf32, #tpu.memory_space<vmem>>, vector<1x16xf32>,
    %swap3A_407 = vector.shape_cast %swap3A_406 : vector<1x16xf32> to vector<16xf32>
    %swap3A_408 = vector.shape_cast %broadcast_in_dim3A_1 : vector<16xf32> to vector<1x16xf32>
    tpu.vector_store %arg11[%swap3A_404, %swap3A_405], %swap3A_408 {strides = array<i32>} : memref<16x128xf32, #tpu.memory_space<vmem>>, vector<1x16xf32>,
    %swap3A_409 = arith.constant 8 : i32
    %swap3A_410 = arith.index_cast %swap3A_409 : i32 to index
    %swap3A_411 = arith.constant 64 : index
    %swap3A_412 = tpu.vector_load %arg11[%swap3A_410, %swap3A_411] {strides = array<i32>} : memref<16x128xf32, #tpu.memory_space<vmem>>, vector<1x16xf32>,
    %swap3A_413 = vector.shape_cast %swap3A_412 : vector<1x16xf32> to vector<16xf32>
    %swap3A_414 = vector.shape_cast %broadcast_in_dim3A_1 : vector<16xf32> to vector<1x16xf32>
    tpu.vector_store %arg11[%swap3A_410, %swap3A_411], %swap3A_414 {strides = array<i32>} : memref<16x128xf32, #tpu.memory_space<vmem>>, vector<1x16xf32>,
    %swap3A_415 = arith.constant 8 : i32
    %swap3A_416 = arith.index_cast %swap3A_415 : i32 to index
    %swap3A_417 = arith.constant 80 : index
    %swap3A_418 = tpu.vector_load %arg11[%swap3A_416, %swap3A_417] {strides = array<i32>} : memref<16x128xf32, #tpu.memory_space<vmem>>, vector<1x16xf32>,
    %swap3A_419 = vector.shape_cast %swap3A_418 : vector<1x16xf32> to vector<16xf32>
    %swap3A_420 = vector.shape_cast %broadcast_in_dim3A_1 : vector<16xf32> to vector<1x16xf32>
    tpu.vector_store %arg11[%swap3A_416, %swap3A_417], %swap3A_420 {strides = array<i32>} : memref<16x128xf32, #tpu.memory_space<vmem>>, vector<1x16xf32>,
    %swap3A_421 = arith.constant 8 : i32
    %swap3A_422 = arith.index_cast %swap3A_421 : i32 to index
    %swap3A_423 = arith.constant 96 : index
    %swap3A_424 = tpu.vector_load %arg11[%swap3A_422, %swap3A_423] {strides = array<i32>} : memref<16x128xf32, #tpu.memory_space<vmem>>, vector<1x16xf32>,
    %swap3A_425 = vector.shape_cast %swap3A_424 : vector<1x16xf32> to vector<16xf32>
    %swap3A_426 = vector.shape_cast %broadcast_in_dim3A_1 : vector<16xf32> to vector<1x16xf32>
    tpu.vector_store %arg11[%swap3A_422, %swap3A_423], %swap3A_426 {strides = array<i32>} : memref<16x128xf32, #tpu.memory_space<vmem>>, vector<1x16xf32>,
    %swap3A_427 = arith.constant 8 : i32
    %swap3A_428 = arith.index_cast %swap3A_427 : i32 to index
    %swap3A_429 = arith.constant 112 : index
    %swap3A_430 = tpu.vector_load %arg11[%swap3A_428, %swap3A_429] {strides = array<i32>} : memref<16x128xf32, #tpu.memory_space<vmem>>, vector<1x16xf32>,
    %swap3A_431 = vector.shape_cast %swap3A_430 : vector<1x16xf32> to vector<16xf32>
    %swap3A_432 = vector.shape_cast %broadcast_in_dim3A_1 : vector<16xf32> to vector<1x16xf32>
    tpu.vector_store %arg11[%swap3A_428, %swap3A_429], %swap3A_432 {strides = array<i32>} : memref<16x128xf32, #tpu.memory_space<vmem>>, vector<1x16xf32>,
    %swap3A_433 = arith.constant 9 : i32
    %swap3A_434 = arith.index_cast %swap3A_433 : i32 to index
    %swap3A_435 = arith.constant 0 : index
    %swap3A_436 = tpu.vector_load %arg11[%swap3A_434, %swap3A_435] {strides = array<i32>} : memref<16x128xf32, #tpu.memory_space<vmem>>, vector<1x16xf32>,
    %swap3A_437 = vector.shape_cast %swap3A_436 : vector<1x16xf32> to vector<16xf32>
    %swap3A_438 = vector.shape_cast %broadcast_in_dim3A_1 : vector<16xf32> to vector<1x16xf32>
    tpu.vector_store %arg11[%swap3A_434, %swap3A_435], %swap3A_438 {strides = array<i32>} : memref<16x128xf32, #tpu.memory_space<vmem>>, vector<1x16xf32>,
    %swap3A_439 = arith.constant 9 : i32
    %swap3A_440 = arith.index_cast %swap3A_439 : i32 to index
    %swap3A_441 = arith.constant 16 : index
    %swap3A_442 = tpu.vector_load %arg11[%swap3A_440, %swap3A_441] {strides = array<i32>} : memref<16x128xf32, #tpu.memory_space<vmem>>, vector<1x16xf32>,
    %swap3A_443 = vector.shape_cast %swap3A_442 : vector<1x16xf32> to vector<16xf32>
    %swap3A_444 = vector.shape_cast %broadcast_in_dim3A_1 : vector<16xf32> to vector<1x16xf32>
    tpu.vector_store %arg11[%swap3A_440, %swap3A_441], %swap3A_444 {strides = array<i32>} : memref<16x128xf32, #tpu.memory_space<vmem>>, vector<1x16xf32>,
    %swap3A_445 = arith.constant 9 : i32
    %swap3A_446 = arith.index_cast %swap3A_445 : i32 to index
    %swap3A_447 = arith.constant 32 : index
    %swap3A_448 = tpu.vector_load %arg11[%swap3A_446, %swap3A_447] {strides = array<i32>} : memref<16x128xf32, #tpu.memory_space<vmem>>, vector<1x16xf32>,
    %swap3A_449 = vector.shape_cast %swap3A_448 : vector<1x16xf32> to vector<16xf32>
    %swap3A_450 = vector.shape_cast %broadcast_in_dim3A_1 : vector<16xf32> to vector<1x16xf32>
    tpu.vector_store %arg11[%swap3A_446, %swap3A_447], %swap3A_450 {strides = array<i32>} : memref<16x128xf32, #tpu.memory_space<vmem>>, vector<1x16xf32>,
    %swap3A_451 = arith.constant 9 : i32
    %swap3A_452 = arith.index_cast %swap3A_451 : i32 to index
    %swap3A_453 = arith.constant 48 : index
    %swap3A_454 = tpu.vector_load %arg11[%swap3A_452, %swap3A_453] {strides = array<i32>} : memref<16x128xf32, #tpu.memory_space<vmem>>, vector<1x16xf32>,
    %swap3A_455 = vector.shape_cast %swap3A_454 : vector<1x16xf32> to vector<16xf32>
    %swap3A_456 = vector.shape_cast %broadcast_in_dim3A_1 : vector<16xf32> to vector<1x16xf32>
    tpu.vector_store %arg11[%swap3A_452, %swap3A_453], %swap3A_456 {strides = array<i32>} : memref<16x128xf32, #tpu.memory_space<vmem>>, vector<1x16xf32>,
    %swap3A_457 = arith.constant 9 : i32
    %swap3A_458 = arith.index_cast %swap3A_457 : i32 to index
    %swap3A_459 = arith.constant 64 : index
    %swap3A_460 = tpu.vector_load %arg11[%swap3A_458, %swap3A_459] {strides = array<i32>} : memref<16x128xf32, #tpu.memory_space<vmem>>, vector<1x16xf32>,
    %swap3A_461 = vector.shape_cast %swap3A_460 : vector<1x16xf32> to vector<16xf32>
    %swap3A_462 = vector.shape_cast %broadcast_in_dim3A_1 : vector<16xf32> to vector<1x16xf32>
    tpu.vector_store %arg11[%swap3A_458, %swap3A_459], %swap3A_462 {strides = array<i32>} : memref<16x128xf32, #tpu.memory_space<vmem>>, vector<1x16xf32>,
    %swap3A_463 = arith.constant 9 : i32
    %swap3A_464 = arith.index_cast %swap3A_463 : i32 to index
    %swap3A_465 = arith.constant 80 : index
    %swap3A_466 = tpu.vector_load %arg11[%swap3A_464, %swap3A_465] {strides = array<i32>} : memref<16x128xf32, #tpu.memory_space<vmem>>, vector<1x16xf32>,
    %swap3A_467 = vector.shape_cast %swap3A_466 : vector<1x16xf32> to vector<16xf32>
    %swap3A_468 = vector.shape_cast %broadcast_in_dim3A_1 : vector<16xf32> to vector<1x16xf32>
    tpu.vector_store %arg11[%swap3A_464, %swap3A_465], %swap3A_468 {strides = array<i32>} : memref<16x128xf32, #tpu.memory_space<vmem>>, vector<1x16xf32>,
    %swap3A_469 = arith.constant 9 : i32
    %swap3A_470 = arith.index_cast %swap3A_469 : i32 to index
    %swap3A_471 = arith.constant 96 : index
    %swap3A_472 = tpu.vector_load %arg11[%swap3A_470, %swap3A_471] {strides = array<i32>} : memref<16x128xf32, #tpu.memory_space<vmem>>, vector<1x16xf32>,
    %swap3A_473 = vector.shape_cast %swap3A_472 : vector<1x16xf32> to vector<16xf32>
    %swap3A_474 = vector.shape_cast %broadcast_in_dim3A_1 : vector<16xf32> to vector<1x16xf32>
    tpu.vector_store %arg11[%swap3A_470, %swap3A_471], %swap3A_474 {strides = array<i32>} : memref<16x128xf32, #tpu.memory_space<vmem>>, vector<1x16xf32>,
    %swap3A_475 = arith.constant 9 : i32
    %swap3A_476 = arith.index_cast %swap3A_475 : i32 to index
    %swap3A_477 = arith.constant 112 : index
    %swap3A_478 = tpu.vector_load %arg11[%swap3A_476, %swap3A_477] {strides = array<i32>} : memref<16x128xf32, #tpu.memory_space<vmem>>, vector<1x16xf32>,
    %swap3A_479 = vector.shape_cast %swap3A_478 : vector<1x16xf32> to vector<16xf32>
    %swap3A_480 = vector.shape_cast %broadcast_in_dim3A_1 : vector<16xf32> to vector<1x16xf32>
    tpu.vector_store %arg11[%swap3A_476, %swap3A_477], %swap3A_480 {strides = array<i32>} : memref<16x128xf32, #tpu.memory_space<vmem>>, vector<1x16xf32>,
    %swap3A_481 = arith.constant 10 : i32
    %swap3A_482 = arith.index_cast %swap3A_481 : i32 to index
    %swap3A_483 = arith.constant 0 : index
    %swap3A_484 = tpu.vector_load %arg11[%swap3A_482, %swap3A_483] {strides = array<i32>} : memref<16x128xf32, #tpu.memory_space<vmem>>, vector<1x16xf32>,
    %swap3A_485 = vector.shape_cast %swap3A_484 : vector<1x16xf32> to vector<16xf32>
    %swap3A_486 = vector.shape_cast %broadcast_in_dim3A_1 : vector<16xf32> to vector<1x16xf32>
    tpu.vector_store %arg11[%swap3A_482, %swap3A_483], %swap3A_486 {strides = array<i32>} : memref<16x128xf32, #tpu.memory_space<vmem>>, vector<1x16xf32>,
    %swap3A_487 = arith.constant 10 : i32
    %swap3A_488 = arith.index_cast %swap3A_487 : i32 to index
    %swap3A_489 = arith.constant 16 : index
    %swap3A_490 = tpu.vector_load %arg11[%swap3A_488, %swap3A_489] {strides = array<i32>} : memref<16x128xf32, #tpu.memory_space<vmem>>, vector<1x16xf32>,
    %swap3A_491 = vector.shape_cast %swap3A_490 : vector<1x16xf32> to vector<16xf32>
    %swap3A_492 = vector.shape_cast %broadcast_in_dim3A_1 : vector<16xf32> to vector<1x16xf32>
    tpu.vector_store %arg11[%swap3A_488, %swap3A_489], %swap3A_492 {strides = array<i32>} : memref<16x128xf32, #tpu.memory_space<vmem>>, vector<1x16xf32>,
    %swap3A_493 = arith.constant 10 : i32
    %swap3A_494 = arith.index_cast %swap3A_493 : i32 to index
    %swap3A_495 = arith.constant 32 : index
    %swap3A_496 = tpu.vector_load %arg11[%swap3A_494, %swap3A_495] {strides = array<i32>} : memref<16x128xf32, #tpu.memory_space<vmem>>, vector<1x16xf32>,
    %swap3A_497 = vector.shape_cast %swap3A_496 : vector<1x16xf32> to vector<16xf32>
    %swap3A_498 = vector.shape_cast %broadcast_in_dim3A_1 : vector<16xf32> to vector<1x16xf32>
    tpu.vector_store %arg11[%swap3A_494, %swap3A_495], %swap3A_498 {strides = array<i32>} : memref<16x128xf32, #tpu.memory_space<vmem>>, vector<1x16xf32>,
    %swap3A_499 = arith.constant 10 : i32
    %swap3A_500 = arith.index_cast %swap3A_499 : i32 to index
    %swap3A_501 = arith.constant 48 : index
    %swap3A_502 = tpu.vector_load %arg11[%swap3A_500, %swap3A_501] {strides = array<i32>} : memref<16x128xf32, #tpu.memory_space<vmem>>, vector<1x16xf32>,
    %swap3A_503 = vector.shape_cast %swap3A_502 : vector<1x16xf32> to vector<16xf32>
    %swap3A_504 = vector.shape_cast %broadcast_in_dim3A_1 : vector<16xf32> to vector<1x16xf32>
    tpu.vector_store %arg11[%swap3A_500, %swap3A_501], %swap3A_504 {strides = array<i32>} : memref<16x128xf32, #tpu.memory_space<vmem>>, vector<1x16xf32>,
    %swap3A_505 = arith.constant 10 : i32
    %swap3A_506 = arith.index_cast %swap3A_505 : i32 to index
    %swap3A_507 = arith.constant 64 : index
    %swap3A_508 = tpu.vector_load %arg11[%swap3A_506, %swap3A_507] {strides = array<i32>} : memref<16x128xf32, #tpu.memory_space<vmem>>, vector<1x16xf32>,
    %swap3A_509 = vector.shape_cast %swap3A_508 : vector<1x16xf32> to vector<16xf32>
    %swap3A_510 = vector.shape_cast %broadcast_in_dim3A_1 : vector<16xf32> to vector<1x16xf32>
    tpu.vector_store %arg11[%swap3A_506, %swap3A_507], %swap3A_510 {strides = array<i32>} : memref<16x128xf32, #tpu.memory_space<vmem>>, vector<1x16xf32>,
    %swap3A_511 = arith.constant 10 : i32
    %swap3A_512 = arith.index_cast %swap3A_511 : i32 to index
    %swap3A_513 = arith.constant 80 : index
    %swap3A_514 = tpu.vector_load %arg11[%swap3A_512, %swap3A_513] {strides = array<i32>} : memref<16x128xf32, #tpu.memory_space<vmem>>, vector<1x16xf32>,
    %swap3A_515 = vector.shape_cast %swap3A_514 : vector<1x16xf32> to vector<16xf32>
    %swap3A_516 = vector.shape_cast %broadcast_in_dim3A_1 : vector<16xf32> to vector<1x16xf32>
    tpu.vector_store %arg11[%swap3A_512, %swap3A_513], %swap3A_516 {strides = array<i32>} : memref<16x128xf32, #tpu.memory_space<vmem>>, vector<1x16xf32>,
    %swap3A_517 = arith.constant 10 : i32
    %swap3A_518 = arith.index_cast %swap3A_517 : i32 to index
    %swap3A_519 = arith.constant 96 : index
    %swap3A_520 = tpu.vector_load %arg11[%swap3A_518, %swap3A_519] {strides = array<i32>} : memref<16x128xf32, #tpu.memory_space<vmem>>, vector<1x16xf32>,
    %swap3A_521 = vector.shape_cast %swap3A_520 : vector<1x16xf32> to vector<16xf32>
    %swap3A_522 = vector.shape_cast %broadcast_in_dim3A_1 : vector<16xf32> to vector<1x16xf32>
    tpu.vector_store %arg11[%swap3A_518, %swap3A_519], %swap3A_522 {strides = array<i32>} : memref<16x128xf32, #tpu.memory_space<vmem>>, vector<1x16xf32>,
    %swap3A_523 = arith.constant 10 : i32
    %swap3A_524 = arith.index_cast %swap3A_523 : i32 to index
    %swap3A_525 = arith.constant 112 : index
    %swap3A_526 = tpu.vector_load %arg11[%swap3A_524, %swap3A_525] {strides = array<i32>} : memref<16x128xf32, #tpu.memory_space<vmem>>, vector<1x16xf32>,
    %swap3A_527 = vector.shape_cast %swap3A_526 : vector<1x16xf32> to vector<16xf32>
    %swap3A_528 = vector.shape_cast %broadcast_in_dim3A_1 : vector<16xf32> to vector<1x16xf32>
    tpu.vector_store %arg11[%swap3A_524, %swap3A_525], %swap3A_528 {strides = array<i32>} : memref<16x128xf32, #tpu.memory_space<vmem>>, vector<1x16xf32>,
    %swap3A_529 = arith.constant 11 : i32
    %swap3A_530 = arith.index_cast %swap3A_529 : i32 to index
    %swap3A_531 = arith.constant 0 : index
    %swap3A_532 = tpu.vector_load %arg11[%swap3A_530, %swap3A_531] {strides = array<i32>} : memref<16x128xf32, #tpu.memory_space<vmem>>, vector<1x16xf32>,
    %swap3A_533 = vector.shape_cast %swap3A_532 : vector<1x16xf32> to vector<16xf32>
    %swap3A_534 = vector.shape_cast %broadcast_in_dim3A_1 : vector<16xf32> to vector<1x16xf32>
    tpu.vector_store %arg11[%swap3A_530, %swap3A_531], %swap3A_534 {strides = array<i32>} : memref<16x128xf32, #tpu.memory_space<vmem>>, vector<1x16xf32>,
    %swap3A_535 = arith.constant 11 : i32
    %swap3A_536 = arith.index_cast %swap3A_535 : i32 to index
    %swap3A_537 = arith.constant 16 : index
    %swap3A_538 = tpu.vector_load %arg11[%swap3A_536, %swap3A_537] {strides = array<i32>} : memref<16x128xf32, #tpu.memory_space<vmem>>, vector<1x16xf32>,
    %swap3A_539 = vector.shape_cast %swap3A_538 : vector<1x16xf32> to vector<16xf32>
    %swap3A_540 = vector.shape_cast %broadcast_in_dim3A_1 : vector<16xf32> to vector<1x16xf32>
    tpu.vector_store %arg11[%swap3A_536, %swap3A_537], %swap3A_540 {strides = array<i32>} : memref<16x128xf32, #tpu.memory_space<vmem>>, vector<1x16xf32>,
    %swap3A_541 = arith.constant 11 : i32
    %swap3A_542 = arith.index_cast %swap3A_541 : i32 to index
    %swap3A_543 = arith.constant 32 : index
    %swap3A_544 = tpu.vector_load %arg11[%swap3A_542, %swap3A_543] {strides = array<i32>} : memref<16x128xf32, #tpu.memory_space<vmem>>, vector<1x16xf32>,
    %swap3A_545 = vector.shape_cast %swap3A_544 : vector<1x16xf32> to vector<16xf32>
    %swap3A_546 = vector.shape_cast %broadcast_in_dim3A_1 : vector<16xf32> to vector<1x16xf32>
    tpu.vector_store %arg11[%swap3A_542, %swap3A_543], %swap3A_546 {strides = array<i32>} : memref<16x128xf32, #tpu.memory_space<vmem>>, vector<1x16xf32>,
    %swap3A_547 = arith.constant 11 : i32
    %swap3A_548 = arith.index_cast %swap3A_547 : i32 to index
    %swap3A_549 = arith.constant 48 : index
    %swap3A_550 = tpu.vector_load %arg11[%swap3A_548, %swap3A_549] {strides = array<i32>} : memref<16x128xf32, #tpu.memory_space<vmem>>, vector<1x16xf32>,
    %swap3A_551 = vector.shape_cast %swap3A_550 : vector<1x16xf32> to vector<16xf32>
    %swap3A_552 = vector.shape_cast %broadcast_in_dim3A_1 : vector<16xf32> to vector<1x16xf32>
    tpu.vector_store %arg11[%swap3A_548, %swap3A_549], %swap3A_552 {strides = array<i32>} : memref<16x128xf32, #tpu.memory_space<vmem>>, vector<1x16xf32>,
    %swap3A_553 = arith.constant 11 : i32
    %swap3A_554 = arith.index_cast %swap3A_553 : i32 to index
    %swap3A_555 = arith.constant 64 : index
    %swap3A_556 = tpu.vector_load %arg11[%swap3A_554, %swap3A_555] {strides = array<i32>} : memref<16x128xf32, #tpu.memory_space<vmem>>, vector<1x16xf32>,
    %swap3A_557 = vector.shape_cast %swap3A_556 : vector<1x16xf32> to vector<16xf32>
    %swap3A_558 = vector.shape_cast %broadcast_in_dim3A_1 : vector<16xf32> to vector<1x16xf32>
    tpu.vector_store %arg11[%swap3A_554, %swap3A_555], %swap3A_558 {strides = array<i32>} : memref<16x128xf32, #tpu.memory_space<vmem>>, vector<1x16xf32>,
    %swap3A_559 = arith.constant 11 : i32
    %swap3A_560 = arith.index_cast %swap3A_559 : i32 to index
    %swap3A_561 = arith.constant 80 : index
    %swap3A_562 = tpu.vector_load %arg11[%swap3A_560, %swap3A_561] {strides = array<i32>} : memref<16x128xf32, #tpu.memory_space<vmem>>, vector<1x16xf32>,
    %swap3A_563 = vector.shape_cast %swap3A_562 : vector<1x16xf32> to vector<16xf32>
    %swap3A_564 = vector.shape_cast %broadcast_in_dim3A_1 : vector<16xf32> to vector<1x16xf32>
    tpu.vector_store %arg11[%swap3A_560, %swap3A_561], %swap3A_564 {strides = array<i32>} : memref<16x128xf32, #tpu.memory_space<vmem>>, vector<1x16xf32>,
    %swap3A_565 = arith.constant 11 : i32
    %swap3A_566 = arith.index_cast %swap3A_565 : i32 to index
    %swap3A_567 = arith.constant 96 : index
    %swap3A_568 = tpu.vector_load %arg11[%swap3A_566, %swap3A_567] {strides = array<i32>} : memref<16x128xf32, #tpu.memory_space<vmem>>, vector<1x16xf32>,
    %swap3A_569 = vector.shape_cast %swap3A_568 : vector<1x16xf32> to vector<16xf32>
    %swap3A_570 = vector.shape_cast %broadcast_in_dim3A_1 : vector<16xf32> to vector<1x16xf32>
    tpu.vector_store %arg11[%swap3A_566, %swap3A_567], %swap3A_570 {strides = array<i32>} : memref<16x128xf32, #tpu.memory_space<vmem>>, vector<1x16xf32>,
    %swap3A_571 = arith.constant 11 : i32
    %swap3A_572 = arith.index_cast %swap3A_571 : i32 to index
    %swap3A_573 = arith.constant 112 : index
    %swap3A_574 = tpu.vector_load %arg11[%swap3A_572, %swap3A_573] {strides = array<i32>} : memref<16x128xf32, #tpu.memory_space<vmem>>, vector<1x16xf32>,
    %swap3A_575 = vector.shape_cast %swap3A_574 : vector<1x16xf32> to vector<16xf32>
    %swap3A_576 = vector.shape_cast %broadcast_in_dim3A_1 : vector<16xf32> to vector<1x16xf32>
    tpu.vector_store %arg11[%swap3A_572, %swap3A_573], %swap3A_576 {strides = array<i32>} : memref<16x128xf32, #tpu.memory_space<vmem>>, vector<1x16xf32>,
    %swap3A_577 = arith.constant 12 : i32
    %swap3A_578 = arith.index_cast %swap3A_577 : i32 to index
    %swap3A_579 = arith.constant 0 : index
    %swap3A_580 = tpu.vector_load %arg11[%swap3A_578, %swap3A_579] {strides = array<i32>} : memref<16x128xf32, #tpu.memory_space<vmem>>, vector<1x16xf32>,
    %swap3A_581 = vector.shape_cast %swap3A_580 : vector<1x16xf32> to vector<16xf32>
    %swap3A_582 = vector.shape_cast %broadcast_in_dim3A_1 : vector<16xf32> to vector<1x16xf32>
    tpu.vector_store %arg11[%swap3A_578, %swap3A_579], %swap3A_582 {strides = array<i32>} : memref<16x128xf32, #tpu.memory_space<vmem>>, vector<1x16xf32>,
    %swap3A_583 = arith.constant 12 : i32
    %swap3A_584 = arith.index_cast %swap3A_583 : i32 to index
    %swap3A_585 = arith.constant 16 : index
    %swap3A_586 = tpu.vector_load %arg11[%swap3A_584, %swap3A_585] {strides = array<i32>} : memref<16x128xf32, #tpu.memory_space<vmem>>, vector<1x16xf32>,
    %swap3A_587 = vector.shape_cast %swap3A_586 : vector<1x16xf32> to vector<16xf32>
    %swap3A_588 = vector.shape_cast %broadcast_in_dim3A_1 : vector<16xf32> to vector<1x16xf32>
    tpu.vector_store %arg11[%swap3A_584, %swap3A_585], %swap3A_588 {strides = array<i32>} : memref<16x128xf32, #tpu.memory_space<vmem>>, vector<1x16xf32>,
    %swap3A_589 = arith.constant 12 : i32
    %swap3A_590 = arith.index_cast %swap3A_589 : i32 to index
    %swap3A_591 = arith.constant 32 : index
    %swap3A_592 = tpu.vector_load %arg11[%swap3A_590, %swap3A_591] {strides = array<i32>} : memref<16x128xf32, #tpu.memory_space<vmem>>, vector<1x16xf32>,
    %swap3A_593 = vector.shape_cast %swap3A_592 : vector<1x16xf32> to vector<16xf32>
    %swap3A_594 = vector.shape_cast %broadcast_in_dim3A_1 : vector<16xf32> to vector<1x16xf32>
    tpu.vector_store %arg11[%swap3A_590, %swap3A_591], %swap3A_594 {strides = array<i32>} : memref<16x128xf32, #tpu.memory_space<vmem>>, vector<1x16xf32>,
    %swap3A_595 = arith.constant 12 : i32
    %swap3A_596 = arith.index_cast %swap3A_595 : i32 to index
    %swap3A_597 = arith.constant 48 : index
    %swap3A_598 = tpu.vector_load %arg11[%swap3A_596, %swap3A_597] {strides = array<i32>} : memref<16x128xf32, #tpu.memory_space<vmem>>, vector<1x16xf32>,
    %swap3A_599 = vector.shape_cast %swap3A_598 : vector<1x16xf32> to vector<16xf32>
    %swap3A_600 = vector.shape_cast %broadcast_in_dim3A_1 : vector<16xf32> to vector<1x16xf32>
    tpu.vector_store %arg11[%swap3A_596, %swap3A_597], %swap3A_600 {strides = array<i32>} : memref<16x128xf32, #tpu.memory_space<vmem>>, vector<1x16xf32>,
    %swap3A_601 = arith.constant 12 : i32
    %swap3A_602 = arith.index_cast %swap3A_601 : i32 to index
    %swap3A_603 = arith.constant 64 : index
    %swap3A_604 = tpu.vector_load %arg11[%swap3A_602, %swap3A_603] {strides = array<i32>} : memref<16x128xf32, #tpu.memory_space<vmem>>, vector<1x16xf32>,
    %swap3A_605 = vector.shape_cast %swap3A_604 : vector<1x16xf32> to vector<16xf32>
    %swap3A_606 = vector.shape_cast %broadcast_in_dim3A_1 : vector<16xf32> to vector<1x16xf32>
    tpu.vector_store %arg11[%swap3A_602, %swap3A_603], %swap3A_606 {strides = array<i32>} : memref<16x128xf32, #tpu.memory_space<vmem>>, vector<1x16xf32>,
    %swap3A_607 = arith.constant 12 : i32
    %swap3A_608 = arith.index_cast %swap3A_607 : i32 to index
    %swap3A_609 = arith.constant 80 : index
    %swap3A_610 = tpu.vector_load %arg11[%swap3A_608, %swap3A_609] {strides = array<i32>} : memref<16x128xf32, #tpu.memory_space<vmem>>, vector<1x16xf32>,
    %swap3A_611 = vector.shape_cast %swap3A_610 : vector<1x16xf32> to vector<16xf32>
    %swap3A_612 = vector.shape_cast %broadcast_in_dim3A_1 : vector<16xf32> to vector<1x16xf32>
    tpu.vector_store %arg11[%swap3A_608, %swap3A_609], %swap3A_612 {strides = array<i32>} : memref<16x128xf32, #tpu.memory_space<vmem>>, vector<1x16xf32>,
    %swap3A_613 = arith.constant 12 : i32
    %swap3A_614 = arith.index_cast %swap3A_613 : i32 to index
    %swap3A_615 = arith.constant 96 : index
    %swap3A_616 = tpu.vector_load %arg11[%swap3A_614, %swap3A_615] {strides = array<i32>} : memref<16x128xf32, #tpu.memory_space<vmem>>, vector<1x16xf32>,
    %swap3A_617 = vector.shape_cast %swap3A_616 : vector<1x16xf32> to vector<16xf32>
    %swap3A_618 = vector.shape_cast %broadcast_in_dim3A_1 : vector<16xf32> to vector<1x16xf32>
    tpu.vector_store %arg11[%swap3A_614, %swap3A_615], %swap3A_618 {strides = array<i32>} : memref<16x128xf32, #tpu.memory_space<vmem>>, vector<1x16xf32>,
    %swap3A_619 = arith.constant 12 : i32
    %swap3A_620 = arith.index_cast %swap3A_619 : i32 to index
    %swap3A_621 = arith.constant 112 : index
    %swap3A_622 = tpu.vector_load %arg11[%swap3A_620, %swap3A_621] {strides = array<i32>} : memref<16x128xf32, #tpu.memory_space<vmem>>, vector<1x16xf32>,
    %swap3A_623 = vector.shape_cast %swap3A_622 : vector<1x16xf32> to vector<16xf32>
    %swap3A_624 = vector.shape_cast %broadcast_in_dim3A_1 : vector<16xf32> to vector<1x16xf32>
    tpu.vector_store %arg11[%swap3A_620, %swap3A_621], %swap3A_624 {strides = array<i32>} : memref<16x128xf32, #tpu.memory_space<vmem>>, vector<1x16xf32>,
    %swap3A_625 = arith.constant 13 : i32
    %swap3A_626 = arith.index_cast %swap3A_625 : i32 to index
    %swap3A_627 = arith.constant 0 : index
    %swap3A_628 = tpu.vector_load %arg11[%swap3A_626, %swap3A_627] {strides = array<i32>} : memref<16x128xf32, #tpu.memory_space<vmem>>, vector<1x16xf32>,
    %swap3A_629 = vector.shape_cast %swap3A_628 : vector<1x16xf32> to vector<16xf32>
    %swap3A_630 = vector.shape_cast %broadcast_in_dim3A_1 : vector<16xf32> to vector<1x16xf32>
    tpu.vector_store %arg11[%swap3A_626, %swap3A_627], %swap3A_630 {strides = array<i32>} : memref<16x128xf32, #tpu.memory_space<vmem>>, vector<1x16xf32>,
    %swap3A_631 = arith.constant 13 : i32
    %swap3A_632 = arith.index_cast %swap3A_631 : i32 to index
    %swap3A_633 = arith.constant 16 : index
    %swap3A_634 = tpu.vector_load %arg11[%swap3A_632, %swap3A_633] {strides = array<i32>} : memref<16x128xf32, #tpu.memory_space<vmem>>, vector<1x16xf32>,
    %swap3A_635 = vector.shape_cast %swap3A_634 : vector<1x16xf32> to vector<16xf32>
    %swap3A_636 = vector.shape_cast %broadcast_in_dim3A_1 : vector<16xf32> to vector<1x16xf32>
    tpu.vector_store %arg11[%swap3A_632, %swap3A_633], %swap3A_636 {strides = array<i32>} : memref<16x128xf32, #tpu.memory_space<vmem>>, vector<1x16xf32>,
    %swap3A_637 = arith.constant 13 : i32
    %swap3A_638 = arith.index_cast %swap3A_637 : i32 to index
    %swap3A_639 = arith.constant 32 : index
    %swap3A_640 = tpu.vector_load %arg11[%swap3A_638, %swap3A_639] {strides = array<i32>} : memref<16x128xf32, #tpu.memory_space<vmem>>, vector<1x16xf32>,
    %swap3A_641 = vector.shape_cast %swap3A_640 : vector<1x16xf32> to vector<16xf32>
    %swap3A_642 = vector.shape_cast %broadcast_in_dim3A_1 : vector<16xf32> to vector<1x16xf32>
    tpu.vector_store %arg11[%swap3A_638, %swap3A_639], %swap3A_642 {strides = array<i32>} : memref<16x128xf32, #tpu.memory_space<vmem>>, vector<1x16xf32>,
    %swap3A_643 = arith.constant 13 : i32
    %swap3A_644 = arith.index_cast %swap3A_643 : i32 to index
    %swap3A_645 = arith.constant 48 : index
    %swap3A_646 = tpu.vector_load %arg11[%swap3A_644, %swap3A_645] {strides = array<i32>} : memref<16x128xf32, #tpu.memory_space<vmem>>, vector<1x16xf32>,
    %swap3A_647 = vector.shape_cast %swap3A_646 : vector<1x16xf32> to vector<16xf32>
    %swap3A_648 = vector.shape_cast %broadcast_in_dim3A_1 : vector<16xf32> to vector<1x16xf32>
    tpu.vector_store %arg11[%swap3A_644, %swap3A_645], %swap3A_648 {strides = array<i32>} : memref<16x128xf32, #tpu.memory_space<vmem>>, vector<1x16xf32>,
    %swap3A_649 = arith.constant 13 : i32
    %swap3A_650 = arith.index_cast %swap3A_649 : i32 to index
    %swap3A_651 = arith.constant 64 : index
    %swap3A_652 = tpu.vector_load %arg11[%swap3A_650, %swap3A_651] {strides = array<i32>} : memref<16x128xf32, #tpu.memory_space<vmem>>, vector<1x16xf32>,
    %swap3A_653 = vector.shape_cast %swap3A_652 : vector<1x16xf32> to vector<16xf32>
    %swap3A_654 = vector.shape_cast %broadcast_in_dim3A_1 : vector<16xf32> to vector<1x16xf32>
    tpu.vector_store %arg11[%swap3A_650, %swap3A_651], %swap3A_654 {strides = array<i32>} : memref<16x128xf32, #tpu.memory_space<vmem>>, vector<1x16xf32>,
    %swap3A_655 = arith.constant 13 : i32
    %swap3A_656 = arith.index_cast %swap3A_655 : i32 to index
    %swap3A_657 = arith.constant 80 : index
    %swap3A_658 = tpu.vector_load %arg11[%swap3A_656, %swap3A_657] {strides = array<i32>} : memref<16x128xf32, #tpu.memory_space<vmem>>, vector<1x16xf32>,
    %swap3A_659 = vector.shape_cast %swap3A_658 : vector<1x16xf32> to vector<16xf32>
    %swap3A_660 = vector.shape_cast %broadcast_in_dim3A_1 : vector<16xf32> to vector<1x16xf32>
    tpu.vector_store %arg11[%swap3A_656, %swap3A_657], %swap3A_660 {strides = array<i32>} : memref<16x128xf32, #tpu.memory_space<vmem>>, vector<1x16xf32>,
    %swap3A_661 = arith.constant 13 : i32
    %swap3A_662 = arith.index_cast %swap3A_661 : i32 to index
    %swap3A_663 = arith.constant 96 : index
    %swap3A_664 = tpu.vector_load %arg11[%swap3A_662, %swap3A_663] {strides = array<i32>} : memref<16x128xf32, #tpu.memory_space<vmem>>, vector<1x16xf32>,
    %swap3A_665 = vector.shape_cast %swap3A_664 : vector<1x16xf32> to vector<16xf32>
    %swap3A_666 = vector.shape_cast %broadcast_in_dim3A_1 : vector<16xf32> to vector<1x16xf32>
    tpu.vector_store %arg11[%swap3A_662, %swap3A_663], %swap3A_666 {strides = array<i32>} : memref<16x128xf32, #tpu.memory_space<vmem>>, vector<1x16xf32>,
    %swap3A_667 = arith.constant 13 : i32
    %swap3A_668 = arith.index_cast %swap3A_667 : i32 to index
    %swap3A_669 = arith.constant 112 : index
    %swap3A_670 = tpu.vector_load %arg11[%swap3A_668, %swap3A_669] {strides = array<i32>} : memref<16x128xf32, #tpu.memory_space<vmem>>, vector<1x16xf32>,
    %swap3A_671 = vector.shape_cast %swap3A_670 : vector<1x16xf32> to vector<16xf32>
    %swap3A_672 = vector.shape_cast %broadcast_in_dim3A_1 : vector<16xf32> to vector<1x16xf32>
    tpu.vector_store %arg11[%swap3A_668, %swap3A_669], %swap3A_672 {strides = array<i32>} : memref<16x128xf32, #tpu.memory_space<vmem>>, vector<1x16xf32>,
    %swap3A_673 = arith.constant 14 : i32
    %swap3A_674 = arith.index_cast %swap3A_673 : i32 to index
    %swap3A_675 = arith.constant 0 : index
    %swap3A_676 = tpu.vector_load %arg11[%swap3A_674, %swap3A_675] {strides = array<i32>} : memref<16x128xf32, #tpu.memory_space<vmem>>, vector<1x16xf32>,
    %swap3A_677 = vector.shape_cast %swap3A_676 : vector<1x16xf32> to vector<16xf32>
    %swap3A_678 = vector.shape_cast %broadcast_in_dim3A_1 : vector<16xf32> to vector<1x16xf32>
    tpu.vector_store %arg11[%swap3A_674, %swap3A_675], %swap3A_678 {strides = array<i32>} : memref<16x128xf32, #tpu.memory_space<vmem>>, vector<1x16xf32>,
    %swap3A_679 = arith.constant 14 : i32
    %swap3A_680 = arith.index_cast %swap3A_679 : i32 to index
    %swap3A_681 = arith.constant 16 : index
    %swap3A_682 = tpu.vector_load %arg11[%swap3A_680, %swap3A_681] {strides = array<i32>} : memref<16x128xf32, #tpu.memory_space<vmem>>, vector<1x16xf32>,
    %swap3A_683 = vector.shape_cast %swap3A_682 : vector<1x16xf32> to vector<16xf32>
    %swap3A_684 = vector.shape_cast %broadcast_in_dim3A_1 : vector<16xf32> to vector<1x16xf32>
    tpu.vector_store %arg11[%swap3A_680, %swap3A_681], %swap3A_684 {strides = array<i32>} : memref<16x128xf32, #tpu.memory_space<vmem>>, vector<1x16xf32>,
    %swap3A_685 = arith.constant 14 : i32
    %swap3A_686 = arith.index_cast %swap3A_685 : i32 to index
    %swap3A_687 = arith.constant 32 : index
    %swap3A_688 = tpu.vector_load %arg11[%swap3A_686, %swap3A_687] {strides = array<i32>} : memref<16x128xf32, #tpu.memory_space<vmem>>, vector<1x16xf32>,
    %swap3A_689 = vector.shape_cast %swap3A_688 : vector<1x16xf32> to vector<16xf32>
    %swap3A_690 = vector.shape_cast %broadcast_in_dim3A_1 : vector<16xf32> to vector<1x16xf32>
    tpu.vector_store %arg11[%swap3A_686, %swap3A_687], %swap3A_690 {strides = array<i32>} : memref<16x128xf32, #tpu.memory_space<vmem>>, vector<1x16xf32>,
    %swap3A_691 = arith.constant 14 : i32
    %swap3A_692 = arith.index_cast %swap3A_691 : i32 to index
    %swap3A_693 = arith.constant 48 : index
    %swap3A_694 = tpu.vector_load %arg11[%swap3A_692, %swap3A_693] {strides = array<i32>} : memref<16x128xf32, #tpu.memory_space<vmem>>, vector<1x16xf32>,
    %swap3A_695 = vector.shape_cast %swap3A_694 : vector<1x16xf32> to vector<16xf32>
    %swap3A_696 = vector.shape_cast %broadcast_in_dim3A_1 : vector<16xf32> to vector<1x16xf32>
    tpu.vector_store %arg11[%swap3A_692, %swap3A_693], %swap3A_696 {strides = array<i32>} : memref<16x128xf32, #tpu.memory_space<vmem>>, vector<1x16xf32>,
    %swap3A_697 = arith.constant 14 : i32
    %swap3A_698 = arith.index_cast %swap3A_697 : i32 to index
    %swap3A_699 = arith.constant 64 : index
    %swap3A_700 = tpu.vector_load %arg11[%swap3A_698, %swap3A_699] {strides = array<i32>} : memref<16x128xf32, #tpu.memory_space<vmem>>, vector<1x16xf32>,
    %swap3A_701 = vector.shape_cast %swap3A_700 : vector<1x16xf32> to vector<16xf32>
    %swap3A_702 = vector.shape_cast %broadcast_in_dim3A_1 : vector<16xf32> to vector<1x16xf32>
    tpu.vector_store %arg11[%swap3A_698, %swap3A_699], %swap3A_702 {strides = array<i32>} : memref<16x128xf32, #tpu.memory_space<vmem>>, vector<1x16xf32>,
    %swap3A_703 = arith.constant 14 : i32
    %swap3A_704 = arith.index_cast %swap3A_703 : i32 to index
    %swap3A_705 = arith.constant 80 : index
    %swap3A_706 = tpu.vector_load %arg11[%swap3A_704, %swap3A_705] {strides = array<i32>} : memref<16x128xf32, #tpu.memory_space<vmem>>, vector<1x16xf32>,
    %swap3A_707 = vector.shape_cast %swap3A_706 : vector<1x16xf32> to vector<16xf32>
    %swap3A_708 = vector.shape_cast %broadcast_in_dim3A_1 : vector<16xf32> to vector<1x16xf32>
    tpu.vector_store %arg11[%swap3A_704, %swap3A_705], %swap3A_708 {strides = array<i32>} : memref<16x128xf32, #tpu.memory_space<vmem>>, vector<1x16xf32>,
    %swap3A_709 = arith.constant 14 : i32
    %swap3A_710 = arith.index_cast %swap3A_709 : i32 to index
    %swap3A_711 = arith.constant 96 : index
    %swap3A_712 = tpu.vector_load %arg11[%swap3A_710, %swap3A_711] {strides = array<i32>} : memref<16x128xf32, #tpu.memory_space<vmem>>, vector<1x16xf32>,
    %swap3A_713 = vector.shape_cast %swap3A_712 : vector<1x16xf32> to vector<16xf32>
    %swap3A_714 = vector.shape_cast %broadcast_in_dim3A_1 : vector<16xf32> to vector<1x16xf32>
    tpu.vector_store %arg11[%swap3A_710, %swap3A_711], %swap3A_714 {strides = array<i32>} : memref<16x128xf32, #tpu.memory_space<vmem>>, vector<1x16xf32>,
    %swap3A_715 = arith.constant 14 : i32
    %swap3A_716 = arith.index_cast %swap3A_715 : i32 to index
    %swap3A_717 = arith.constant 112 : index
    %swap3A_718 = tpu.vector_load %arg11[%swap3A_716, %swap3A_717] {strides = array<i32>} : memref<16x128xf32, #tpu.memory_space<vmem>>, vector<1x16xf32>,
    %swap3A_719 = vector.shape_cast %swap3A_718 : vector<1x16xf32> to vector<16xf32>
    %swap3A_720 = vector.shape_cast %broadcast_in_dim3A_1 : vector<16xf32> to vector<1x16xf32>
    tpu.vector_store %arg11[%swap3A_716, %swap3A_717], %swap3A_720 {strides = array<i32>} : memref<16x128xf32, #tpu.memory_space<vmem>>, vector<1x16xf32>,
    %swap3A_721 = arith.constant 15 : i32
    %swap3A_722 = arith.index_cast %swap3A_721 : i32 to index
    %swap3A_723 = arith.constant 0 : index
    %swap3A_724 = tpu.vector_load %arg11[%swap3A_722, %swap3A_723] {strides = array<i32>} : memref<16x128xf32, #tpu.memory_space<vmem>>, vector<1x16xf32>,
    %swap3A_725 = vector.shape_cast %swap3A_724 : vector<1x16xf32> to vector<16xf32>
    %swap3A_726 = vector.shape_cast %broadcast_in_dim3A_1 : vector<16xf32> to vector<1x16xf32>
    tpu.vector_store %arg11[%swap3A_722, %swap3A_723], %swap3A_726 {strides = array<i32>} : memref<16x128xf32, #tpu.memory_space<vmem>>, vector<1x16xf32>,
    %swap3A_727 = arith.constant 15 : i32
    %swap3A_728 = arith.index_cast %swap3A_727 : i32 to index
    %swap3A_729 = arith.constant 16 : index
    %swap3A_730 = tpu.vector_load %arg11[%swap3A_728, %swap3A_729] {strides = array<i32>} : memref<16x128xf32, #tpu.memory_space<vmem>>, vector<1x16xf32>,
    %swap3A_731 = vector.shape_cast %swap3A_730 : vector<1x16xf32> to vector<16xf32>
    %swap3A_732 = vector.shape_cast %broadcast_in_dim3A_1 : vector<16xf32> to vector<1x16xf32>
    tpu.vector_store %arg11[%swap3A_728, %swap3A_729], %swap3A_732 {strides = array<i32>} : memref<16x128xf32, #tpu.memory_space<vmem>>, vector<1x16xf32>,
    %swap3A_733 = arith.constant 15 : i32
    %swap3A_734 = arith.index_cast %swap3A_733 : i32 to index
    %swap3A_735 = arith.constant 32 : index
    %swap3A_736 = tpu.vector_load %arg11[%swap3A_734, %swap3A_735] {strides = array<i32>} : memref<16x128xf32, #tpu.memory_space<vmem>>, vector<1x16xf32>,
    %swap3A_737 = vector.shape_cast %swap3A_736 : vector<1x16xf32> to vector<16xf32>
    %swap3A_738 = vector.shape_cast %broadcast_in_dim3A_1 : vector<16xf32> to vector<1x16xf32>
    tpu.vector_store %arg11[%swap3A_734, %swap3A_735], %swap3A_738 {strides = array<i32>} : memref<16x128xf32, #tpu.memory_space<vmem>>, vector<1x16xf32>,
    %swap3A_739 = arith.constant 15 : i32
    %swap3A_740 = arith.index_cast %swap3A_739 : i32 to index
    %swap3A_741 = arith.constant 48 : index
    %swap3A_742 = tpu.vector_load %arg11[%swap3A_740, %swap3A_741] {strides = array<i32>} : memref<16x128xf32, #tpu.memory_space<vmem>>, vector<1x16xf32>,
    %swap3A_743 = vector.shape_cast %swap3A_742 : vector<1x16xf32> to vector<16xf32>
    %swap3A_744 = vector.shape_cast %broadcast_in_dim3A_1 : vector<16xf32> to vector<1x16xf32>
    tpu.vector_store %arg11[%swap3A_740, %swap3A_741], %swap3A_744 {strides = array<i32>} : memref<16x128xf32, #tpu.memory_space<vmem>>, vector<1x16xf32>,
    %swap3A_745 = arith.constant 15 : i32
    %swap3A_746 = arith.index_cast %swap3A_745 : i32 to index
    %swap3A_747 = arith.constant 64 : index
    %swap3A_748 = tpu.vector_load %arg11[%swap3A_746, %swap3A_747] {strides = array<i32>} : memref<16x128xf32, #tpu.memory_space<vmem>>, vector<1x16xf32>,
    %swap3A_749 = vector.shape_cast %swap3A_748 : vector<1x16xf32> to vector<16xf32>
    %swap3A_750 = vector.shape_cast %broadcast_in_dim3A_1 : vector<16xf32> to vector<1x16xf32>
    tpu.vector_store %arg11[%swap3A_746, %swap3A_747], %swap3A_750 {strides = array<i32>} : memref<16x128xf32, #tpu.memory_space<vmem>>, vector<1x16xf32>,
    %swap3A_751 = arith.constant 15 : i32
    %swap3A_752 = arith.index_cast %swap3A_751 : i32 to index
    %swap3A_753 = arith.constant 80 : index
    %swap3A_754 = tpu.vector_load %arg11[%swap3A_752, %swap3A_753] {strides = array<i32>} : memref<16x128xf32, #tpu.memory_space<vmem>>, vector<1x16xf32>,
    %swap3A_755 = vector.shape_cast %swap3A_754 : vector<1x16xf32> to vector<16xf32>
    %swap3A_756 = vector.shape_cast %broadcast_in_dim3A_1 : vector<16xf32> to vector<1x16xf32>
    tpu.vector_store %arg11[%swap3A_752, %swap3A_753], %swap3A_756 {strides = array<i32>} : memref<16x128xf32, #tpu.memory_space<vmem>>, vector<1x16xf32>,
    %swap3A_757 = arith.constant 15 : i32
    %swap3A_758 = arith.index_cast %swap3A_757 : i32 to index
    %swap3A_759 = arith.constant 96 : index
    %swap3A_760 = tpu.vector_load %arg11[%swap3A_758, %swap3A_759] {strides = array<i32>} : memref<16x128xf32, #tpu.memory_space<vmem>>, vector<1x16xf32>,
    %swap3A_761 = vector.shape_cast %swap3A_760 : vector<1x16xf32> to vector<16xf32>
    %swap3A_762 = vector.shape_cast %broadcast_in_dim3A_1 : vector<16xf32> to vector<1x16xf32>
    tpu.vector_store %arg11[%swap3A_758, %swap3A_759], %swap3A_762 {strides = array<i32>} : memref<16x128xf32, #tpu.memory_space<vmem>>, vector<1x16xf32>,
    %swap3A_763 = arith.constant 15 : i32
    %swap3A_764 = arith.index_cast %swap3A_763 : i32 to index
    %swap3A_765 = arith.constant 112 : index
    %swap3A_766 = tpu.vector_load %arg11[%swap3A_764, %swap3A_765] {strides = array<i32>} : memref<16x128xf32, #tpu.memory_space<vmem>>, vector<1x16xf32>,
    %swap3A_767 = vector.shape_cast %swap3A_766 : vector<1x16xf32> to vector<16xf32>
    %swap3A_768 = vector.shape_cast %broadcast_in_dim3A_1 : vector<16xf32> to vector<1x16xf32>
    tpu.vector_store %arg11[%swap3A_764, %swap3A_765], %swap3A_768 {strides = array<i32>} : memref<16x128xf32, #tpu.memory_space<vmem>>, vector<1x16xf32>,
    %scan3A = arith.constant 0 : i32
    %scan3A_769 = arith.constant 0 : i32
    %scan3A_770 = arith.constant 40 : i32
    %scan3A_771 = arith.addi %scan3A_769, %scan3A_770 : i32
    %scan3A_772 = arith.constant 1 : i32
    scf.for %scan3A_792 = %scan3A_769 to %scan3A_771 step %scan3A_772  : i32 {
      %mul3A_793 = arith.constant 16 : i32
      %mul3A_794 = arith.muli %scan3A_792, %mul3A_793 : i32
      %add3A = arith.addi %mul3A_0, %mul3A_794 : i32
      "tpu.region"() ({
        %run_scoped3A_795 = tpu.sem_alloc : memref<!tpu.dma_semaphore, #tpu.memory_space<semaphore_mem>>
        %dma_start3A = arith.constant 0 : i32
        %dma_start3A_796 = tpu.memref_slice %arg12[%add3A, %dma_start3A] : memref<10240x128xf32, #tpu.memory_space<vmem_shared>> -> memref<16x128xf32, #tpu.memory_space<vmem_shared>>
        %dma_start3A_797 = arith.constant 0 : i32
        %dma_start3A_798 = tpu.memref_slice %arg12[%add3A, %dma_start3A_797] : memref<10240x128xf32, #tpu.memory_space<vmem_shared>> -> memref<16x128xf32, #tpu.memory_space<vmem_shared>>
        tpu.enqueue_dma source(%arg11 : memref<16x128xf32, #tpu.memory_space<vmem>>) target(%dma_start3A_798 : memref<16x128xf32, #tpu.memory_space<vmem_shared>>) target_semaphore(%run_scoped3A_795 : memref<!tpu.dma_semaphore, #tpu.memory_space<semaphore_mem>>)
        %dma_wait3A = arith.constant 0 : i32
        %dma_wait3A_799 = tpu.memref_slice %arg12[%add3A, %dma_wait3A] : memref<10240x128xf32, #tpu.memory_space<vmem_shared>> -> memref<16x128xf32, #tpu.memory_space<vmem_shared>>
        %dma_wait3A_800 = arith.constant 0 : i32
        %dma_wait3A_801 = tpu.memref_slice %arg12[%add3A, %dma_wait3A_800] : memref<10240x128xf32, #tpu.memory_space<vmem_shared>> -> memref<16x128xf32, #tpu.memory_space<vmem_shared>>
        tpu.wait_dma2 semaphore(%run_scoped3A_795 : memref<!tpu.dma_semaphore, #tpu.memory_space<semaphore_mem>>) src(%arg11 : memref<16x128xf32, #tpu.memory_space<vmem>>) dst(%dma_wait3A_801 : memref<16x128xf32, #tpu.memory_space<vmem_shared>>)
        tpu.yield
      }) : () -> ()
    }
    %scan3A_773 = arith.constant 40 : i32
    %barrier3A = arith.constant 0 : index
    tpu.barrier barrier_id(%barrier3A)
    %run_scoped3A = arith.constant 0 : i32
    %run_scoped3A_774 = arith.constant 0 : i32
    "tpu.region"() ({
      %run_scoped3A_792 = tpu.sem_alloc : memref<!tpu.dma_semaphore, #tpu.memory_space<semaphore_mem>>
      %dma_start3A = arith.constant 0 : i32
      %dma_start3A_793 = arith.constant 0 : i32
      %dma_start3A_794 = tpu.memref_slice %arg7[%run_scoped3A_774, %dma_start3A, %dma_start3A_793] : memref<2x3x32xi32, #tpu.memory_space<vmem>> -> memref<1x3x32xi32, #tpu.memory_space<vmem>>
      %dma_start3A_795 = tpu.memref_squeeze %dma_start3A_794 : memref<1x3x32xi32, #tpu.memory_space<vmem>> -> memref<3x32xi32, #tpu.memory_space<vmem>>
      %dma_start3A_796 = arith.constant 0 : i32
      %dma_start3A_797 = arith.constant 0 : i32
      %dma_start3A_798 = tpu.memref_slice %arg3[%arg0, %arg1, %run_scoped3A, %dma_start3A_796, %dma_start3A_797] : memref<2x16x105x3x32xi32, #tpu.memory_space<hbm>> -> memref<1x1x1x3x32xi32, #tpu.memory_space<hbm>>
      %dma_start3A_799 = tpu.memref_squeeze %dma_start3A_798 : memref<1x1x1x3x32xi32, #tpu.memory_space<hbm>> -> memref<3x32xi32, #tpu.memory_space<hbm>>
      %dma_start3A_800 = arith.constant 0 : i32
      %dma_start3A_801 = arith.constant 0 : i32
      %dma_start3A_802 = tpu.memref_slice %arg7[%run_scoped3A_774, %dma_start3A_800, %dma_start3A_801] : memref<2x3x32xi32, #tpu.memory_space<vmem>> -> memref<1x3x32xi32, #tpu.memory_space<vmem>>
      %dma_start3A_803 = tpu.memref_squeeze %dma_start3A_802 : memref<1x3x32xi32, #tpu.memory_space<vmem>> -> memref<3x32xi32, #tpu.memory_space<vmem>>
      %dma_start3A_804 = arith.constant 0 : i32
      %dma_start3A_805 = arith.constant 0 : i32
      %dma_start3A_806 = tpu.memref_slice %arg3[%arg0, %arg1, %run_scoped3A, %dma_start3A_804, %dma_start3A_805] : memref<2x16x105x3x32xi32, #tpu.memory_space<hbm>> -> memref<1x1x1x3x32xi32, #tpu.memory_space<hbm>>
      %dma_start3A_807 = tpu.memref_squeeze %dma_start3A_806 : memref<1x1x1x3x32xi32, #tpu.memory_space<hbm>> -> memref<3x32xi32, #tpu.memory_space<hbm>>
      tpu.enqueue_dma source(%dma_start3A_807 : memref<3x32xi32, #tpu.memory_space<hbm>>) target(%dma_start3A_803 : memref<3x32xi32, #tpu.memory_space<vmem>>) target_semaphore(%run_scoped3A_792 : memref<!tpu.dma_semaphore, #tpu.memory_space<semaphore_mem>>)
      %dma_wait3A = arith.constant 0 : i32
      %dma_wait3A_808 = arith.constant 0 : i32
      %dma_wait3A_809 = tpu.memref_slice %arg7[%run_scoped3A_774, %dma_wait3A, %dma_wait3A_808] : memref<2x3x32xi32, #tpu.memory_space<vmem>> -> memref<1x3x32xi32, #tpu.memory_space<vmem>>
      %dma_wait3A_810 = tpu.memref_squeeze %dma_wait3A_809 : memref<1x3x32xi32, #tpu.memory_space<vmem>> -> memref<3x32xi32, #tpu.memory_space<vmem>>
      %dma_wait3A_811 = arith.constant 0 : i32
      %dma_wait3A_812 = arith.constant 0 : i32
      %dma_wait3A_813 = tpu.memref_slice %arg3[%arg0, %arg1, %run_scoped3A, %dma_wait3A_811, %dma_wait3A_812] : memref<2x16x105x3x32xi32, #tpu.memory_space<hbm>> -> memref<1x1x1x3x32xi32, #tpu.memory_space<hbm>>
      %dma_wait3A_814 = tpu.memref_squeeze %dma_wait3A_813 : memref<1x1x1x3x32xi32, #tpu.memory_space<hbm>> -> memref<3x32xi32, #tpu.memory_space<hbm>>
      %dma_wait3A_815 = arith.constant 0 : i32
      %dma_wait3A_816 = arith.constant 0 : i32
      %dma_wait3A_817 = tpu.memref_slice %arg7[%run_scoped3A_774, %dma_wait3A_815, %dma_wait3A_816] : memref<2x3x32xi32, #tpu.memory_space<vmem>> -> memref<1x3x32xi32, #tpu.memory_space<vmem>>
      %dma_wait3A_818 = tpu.memref_squeeze %dma_wait3A_817 : memref<1x3x32xi32, #tpu.memory_space<vmem>> -> memref<3x32xi32, #tpu.memory_space<vmem>>
      %dma_wait3A_819 = arith.constant 0 : i32
      %dma_wait3A_820 = arith.constant 0 : i32
      %dma_wait3A_821 = tpu.memref_slice %arg3[%arg0, %arg1, %run_scoped3A, %dma_wait3A_819, %dma_wait3A_820] : memref<2x16x105x3x32xi32, #tpu.memory_space<hbm>> -> memref<1x1x1x3x32xi32, #tpu.memory_space<hbm>>
      %dma_wait3A_822 = tpu.memref_squeeze %dma_wait3A_821 : memref<1x1x1x3x32xi32, #tpu.memory_space<hbm>> -> memref<3x32xi32, #tpu.memory_space<hbm>>
      tpu.wait_dma2 semaphore(%run_scoped3A_792 : memref<!tpu.dma_semaphore, #tpu.memory_space<semaphore_mem>>) src(%dma_wait3A_822 : memref<3x32xi32, #tpu.memory_space<hbm>>) dst(%dma_wait3A_818 : memref<3x32xi32, #tpu.memory_space<vmem>>)
      tpu.yield
    }) : () -> ()
    %run_scoped3A_775 = arith.constant 0 : i32
    %run_scoped3A_776 = arith.constant 0 : i32
    "tpu.region"() ({
      %run_scoped3A_792 = tpu.sem_alloc : memref<!tpu.dma_semaphore, #tpu.memory_space<semaphore_mem>>
      %dma_start3A = arith.constant 0 : i32
      %dma_start3A_793 = arith.constant 0 : i32
      %dma_start3A_794 = tpu.memref_slice %arg8[%run_scoped3A_776, %dma_start3A, %dma_start3A_793] : memref<2x3x32xi32, #tpu.memory_space<vmem>> -> memref<1x3x32xi32, #tpu.memory_space<vmem>>
      %dma_start3A_795 = tpu.memref_squeeze %dma_start3A_794 : memref<1x3x32xi32, #tpu.memory_space<vmem>> -> memref<3x32xi32, #tpu.memory_space<vmem>>
      %dma_start3A_796 = arith.constant 0 : i32
      %dma_start3A_797 = arith.constant 0 : i32
      %dma_start3A_798 = tpu.memref_slice %arg4[%arg1, %run_scoped3A_775, %dma_start3A_796, %dma_start3A_797] : memref<16x105x3x32xi32, #tpu.memory_space<hbm>> -> memref<1x1x3x32xi32, #tpu.memory_space<hbm>>
      %dma_start3A_799 = tpu.memref_squeeze %dma_start3A_798 : memref<1x1x3x32xi32, #tpu.memory_space<hbm>> -> memref<3x32xi32, #tpu.memory_space<hbm>>
      %dma_start3A_800 = arith.constant 0 : i32
      %dma_start3A_801 = arith.constant 0 : i32
      %dma_start3A_802 = tpu.memref_slice %arg8[%run_scoped3A_776, %dma_start3A_800, %dma_start3A_801] : memref<2x3x32xi32, #tpu.memory_space<vmem>> -> memref<1x3x32xi32, #tpu.memory_space<vmem>>
      %dma_start3A_803 = tpu.memref_squeeze %dma_start3A_802 : memref<1x3x32xi32, #tpu.memory_space<vmem>> -> memref<3x32xi32, #tpu.memory_space<vmem>>
      %dma_start3A_804 = arith.constant 0 : i32
      %dma_start3A_805 = arith.constant 0 : i32
      %dma_start3A_806 = tpu.memref_slice %arg4[%arg1, %run_scoped3A_775, %dma_start3A_804, %dma_start3A_805] : memref<16x105x3x32xi32, #tpu.memory_space<hbm>> -> memref<1x1x3x32xi32, #tpu.memory_space<hbm>>
      %dma_start3A_807 = tpu.memref_squeeze %dma_start3A_806 : memref<1x1x3x32xi32, #tpu.memory_space<hbm>> -> memref<3x32xi32, #tpu.memory_space<hbm>>
      tpu.enqueue_dma source(%dma_start3A_807 : memref<3x32xi32, #tpu.memory_space<hbm>>) target(%dma_start3A_803 : memref<3x32xi32, #tpu.memory_space<vmem>>) target_semaphore(%run_scoped3A_792 : memref<!tpu.dma_semaphore, #tpu.memory_space<semaphore_mem>>)
      %dma_wait3A = arith.constant 0 : i32
      %dma_wait3A_808 = arith.constant 0 : i32
      %dma_wait3A_809 = tpu.memref_slice %arg8[%run_scoped3A_776, %dma_wait3A, %dma_wait3A_808] : memref<2x3x32xi32, #tpu.memory_space<vmem>> -> memref<1x3x32xi32, #tpu.memory_space<vmem>>
      %dma_wait3A_810 = tpu.memref_squeeze %dma_wait3A_809 : memref<1x3x32xi32, #tpu.memory_space<vmem>> -> memref<3x32xi32, #tpu.memory_space<vmem>>
      %dma_wait3A_811 = arith.constant 0 : i32
      %dma_wait3A_812 = arith.constant 0 : i32
      %dma_wait3A_813 = tpu.memref_slice %arg4[%arg1, %run_scoped3A_775, %dma_wait3A_811, %dma_wait3A_812] : memref<16x105x3x32xi32, #tpu.memory_space<hbm>> -> memref<1x1x3x32xi32, #tpu.memory_space<hbm>>
      %dma_wait3A_814 = tpu.memref_squeeze %dma_wait3A_813 : memref<1x1x3x32xi32, #tpu.memory_space<hbm>> -> memref<3x32xi32, #tpu.memory_space<hbm>>
      %dma_wait3A_815 = arith.constant 0 : i32
      %dma_wait3A_816 = arith.constant 0 : i32
      %dma_wait3A_817 = tpu.memref_slice %arg8[%run_scoped3A_776, %dma_wait3A_815, %dma_wait3A_816] : memref<2x3x32xi32, #tpu.memory_space<vmem>> -> memref<1x3x32xi32, #tpu.memory_space<vmem>>
      %dma_wait3A_818 = tpu.memref_squeeze %dma_wait3A_817 : memref<1x3x32xi32, #tpu.memory_space<vmem>> -> memref<3x32xi32, #tpu.memory_space<vmem>>
      %dma_wait3A_819 = arith.constant 0 : i32
      %dma_wait3A_820 = arith.constant 0 : i32
      %dma_wait3A_821 = tpu.memref_slice %arg4[%arg1, %run_scoped3A_775, %dma_wait3A_819, %dma_wait3A_820] : memref<16x105x3x32xi32, #tpu.memory_space<hbm>> -> memref<1x1x3x32xi32, #tpu.memory_space<hbm>>
      %dma_wait3A_822 = tpu.memref_squeeze %dma_wait3A_821 : memref<1x1x3x32xi32, #tpu.memory_space<hbm>> -> memref<3x32xi32, #tpu.memory_space<hbm>>
      tpu.wait_dma2 semaphore(%run_scoped3A_792 : memref<!tpu.dma_semaphore, #tpu.memory_space<semaphore_mem>>) src(%dma_wait3A_822 : memref<3x32xi32, #tpu.memory_space<hbm>>) dst(%dma_wait3A_818 : memref<3x32xi32, #tpu.memory_space<vmem>>)
      tpu.yield
    }) : () -> ()
    %run_scoped3A_777 = arith.constant 0 : i32
    %run_scoped3A_778 = arith.constant 0 : i32
    "tpu.region"() ({
      %run_scoped3A_792 = tpu.sem_alloc : memref<!tpu.dma_semaphore, #tpu.memory_space<semaphore_mem>>
      %dma_start3A = arith.constant 0 : i32
      %dma_start3A_793 = arith.constant 0 : i32
      %dma_start3A_794 = arith.constant 0 : i32
      %dma_start3A_795 = tpu.memref_slice %arg9[%run_scoped3A_778, %dma_start3A, %dma_start3A_793, %dma_start3A_794] : memref<2x3x32x16xf32, #tpu.memory_space<vmem>> -> memref<1x3x32x16xf32, #tpu.memory_space<vmem>>
      %dma_start3A_796 = tpu.memref_squeeze %dma_start3A_795 : memref<1x3x32x16xf32, #tpu.memory_space<vmem>> -> memref<3x32x16xf32, #tpu.memory_space<vmem>>
      %dma_start3A_797 = arith.constant 0 : i32
      %dma_start3A_798 = arith.constant 0 : i32
      %dma_start3A_799 = arith.constant 0 : i32
      %dma_start3A_800 = tpu.memref_slice %arg5[%arg1, %run_scoped3A_777, %dma_start3A_797, %dma_start3A_798, %dma_start3A_799] : memref<16x105x3x32x16xf32, #tpu.memory_space<hbm>> -> memref<1x1x3x32x16xf32, #tpu.memory_space<hbm>>
      %dma_start3A_801 = tpu.memref_squeeze %dma_start3A_800 : memref<1x1x3x32x16xf32, #tpu.memory_space<hbm>> -> memref<3x32x16xf32, #tpu.memory_space<hbm>>
      %dma_start3A_802 = arith.constant 0 : i32
      %dma_start3A_803 = arith.constant 0 : i32
      %dma_start3A_804 = arith.constant 0 : i32
      %dma_start3A_805 = tpu.memref_slice %arg9[%run_scoped3A_778, %dma_start3A_802, %dma_start3A_803, %dma_start3A_804] : memref<2x3x32x16xf32, #tpu.memory_space<vmem>> -> memref<1x3x32x16xf32, #tpu.memory_space<vmem>>
      %dma_start3A_806 = tpu.memref_squeeze %dma_start3A_805 : memref<1x3x32x16xf32, #tpu.memory_space<vmem>> -> memref<3x32x16xf32, #tpu.memory_space<vmem>>
      %dma_start3A_807 = arith.constant 0 : i32
      %dma_start3A_808 = arith.constant 0 : i32
      %dma_start3A_809 = arith.constant 0 : i32
      %dma_start3A_810 = tpu.memref_slice %arg5[%arg1, %run_scoped3A_777, %dma_start3A_807, %dma_start3A_808, %dma_start3A_809] : memref<16x105x3x32x16xf32, #tpu.memory_space<hbm>> -> memref<1x1x3x32x16xf32, #tpu.memory_space<hbm>>
      %dma_start3A_811 = tpu.memref_squeeze %dma_start3A_810 : memref<1x1x3x32x16xf32, #tpu.memory_space<hbm>> -> memref<3x32x16xf32, #tpu.memory_space<hbm>>
      tpu.enqueue_dma source(%dma_start3A_811 : memref<3x32x16xf32, #tpu.memory_space<hbm>>) target(%dma_start3A_806 : memref<3x32x16xf32, #tpu.memory_space<vmem>>) target_semaphore(%run_scoped3A_792 : memref<!tpu.dma_semaphore, #tpu.memory_space<semaphore_mem>>)
      %dma_wait3A = arith.constant 0 : i32
      %dma_wait3A_812 = arith.constant 0 : i32
      %dma_wait3A_813 = arith.constant 0 : i32
      %dma_wait3A_814 = tpu.memref_slice %arg9[%run_scoped3A_778, %dma_wait3A, %dma_wait3A_812, %dma_wait3A_813] : memref<2x3x32x16xf32, #tpu.memory_space<vmem>> -> memref<1x3x32x16xf32, #tpu.memory_space<vmem>>
      %dma_wait3A_815 = tpu.memref_squeeze %dma_wait3A_814 : memref<1x3x32x16xf32, #tpu.memory_space<vmem>> -> memref<3x32x16xf32, #tpu.memory_space<vmem>>
      %dma_wait3A_816 = arith.constant 0 : i32
      %dma_wait3A_817 = arith.constant 0 : i32
      %dma_wait3A_818 = arith.constant 0 : i32
      %dma_wait3A_819 = tpu.memref_slice %arg5[%arg1, %run_scoped3A_777, %dma_wait3A_816, %dma_wait3A_817, %dma_wait3A_818] : memref<16x105x3x32x16xf32, #tpu.memory_space<hbm>> -> memref<1x1x3x32x16xf32, #tpu.memory_space<hbm>>
      %dma_wait3A_820 = tpu.memref_squeeze %dma_wait3A_819 : memref<1x1x3x32x16xf32, #tpu.memory_space<hbm>> -> memref<3x32x16xf32, #tpu.memory_space<hbm>>
      %dma_wait3A_821 = arith.constant 0 : i32
      %dma_wait3A_822 = arith.constant 0 : i32
      %dma_wait3A_823 = arith.constant 0 : i32
      %dma_wait3A_824 = tpu.memref_slice %arg9[%run_scoped3A_778, %dma_wait3A_821, %dma_wait3A_822, %dma_wait3A_823] : memref<2x3x32x16xf32, #tpu.memory_space<vmem>> -> memref<1x3x32x16xf32, #tpu.memory_space<vmem>>
      %dma_wait3A_825 = tpu.memref_squeeze %dma_wait3A_824 : memref<1x3x32x16xf32, #tpu.memory_space<vmem>> -> memref<3x32x16xf32, #tpu.memory_space<vmem>>
      %dma_wait3A_826 = arith.constant 0 : i32
      %dma_wait3A_827 = arith.constant 0 : i32
      %dma_wait3A_828 = arith.constant 0 : i32
      %dma_wait3A_829 = tpu.memref_slice %arg5[%arg1, %run_scoped3A_777, %dma_wait3A_826, %dma_wait3A_827, %dma_wait3A_828] : memref<16x105x3x32x16xf32, #tpu.memory_space<hbm>> -> memref<1x1x3x32x16xf32, #tpu.memory_space<hbm>>
      %dma_wait3A_830 = tpu.memref_squeeze %dma_wait3A_829 : memref<1x1x3x32x16xf32, #tpu.memory_space<hbm>> -> memref<3x32x16xf32, #tpu.memory_space<hbm>>
      tpu.wait_dma2 semaphore(%run_scoped3A_792 : memref<!tpu.dma_semaphore, #tpu.memory_space<semaphore_mem>>) src(%dma_wait3A_830 : memref<3x32x16xf32, #tpu.memory_space<hbm>>) dst(%dma_wait3A_825 : memref<3x32x16xf32, #tpu.memory_space<vmem>>)
      tpu.yield
    }) : () -> ()
    %scan3A_779 = arith.constant 0 : i32
    %scan3A_780 = arith.constant 0 : i32
    %scan3A_781 = arith.constant 105 : i32
    %scan3A_782 = arith.addi %scan3A_780, %scan3A_781 : i32
    %scan3A_783 = arith.constant 1 : i32
    scf.for %scan3A_792 = %scan3A_780 to %scan3A_782 step %scan3A_783  : i32 {
      %jit3A = arith.constant 2 : i32
      %eq3A = arith.constant 0 : i32
      %eq3A_793 = arith.cmpi eq, %jit3A, %eq3A : i32
      %jit3A_794 = arith.constant 1 : i32
      %select_n3A = arith.select %eq3A_793, %jit3A_794, %jit3A : i32
      %rem3A = arith.remsi %scan3A_792, %select_n3A : i32
      %ne3A = arith.constant 0 : i32
      %ne3A_795 = arith.cmpi ne, %rem3A, %ne3A : i32
      %lt3A = arith.constant 0 : i32
      %lt3A_796 = arith.cmpi slt, %rem3A, %lt3A : i32
      %lt3A_797 = arith.constant 0 : i32
      %lt3A_798 = arith.cmpi slt, %select_n3A, %lt3A_797 : i32
      %ne3A_799 = arith.xori %lt3A_796, %lt3A_798 : i1
      %and3A = arith.andi %ne3A_799, %ne3A_795 : i1
      %add3A = arith.addi %rem3A, %select_n3A : i32
      %select_n3A_800 = arith.select %and3A, %add3A, %rem3A : i32
      %add3A_801 = arith.constant 1 : i32
      %add3A_802 = arith.addi %scan3A_792, %add3A_801 : i32
      %jit3A_803 = arith.constant 2 : i32
      %eq3A_804 = arith.constant 0 : i32
      %eq3A_805 = arith.cmpi eq, %jit3A_803, %eq3A_804 : i32
      %jit3A_806 = arith.constant 1 : i32
      %select_n3A_807 = arith.select %eq3A_805, %jit3A_806, %jit3A_803 : i32
      %rem3A_808 = arith.remsi %add3A_802, %select_n3A_807 : i32
      %ne3A_809 = arith.constant 0 : i32
      %ne3A_810 = arith.cmpi ne, %rem3A_808, %ne3A_809 : i32
      %lt3A_811 = arith.constant 0 : i32
      %lt3A_812 = arith.cmpi slt, %rem3A_808, %lt3A_811 : i32
      %lt3A_813 = arith.constant 0 : i32
      %lt3A_814 = arith.cmpi slt, %select_n3A_807, %lt3A_813 : i32
      %ne3A_815 = arith.xori %lt3A_812, %lt3A_814 : i1
      %and3A_816 = arith.andi %ne3A_815, %ne3A_810 : i1
      %add3A_817 = arith.addi %rem3A_808, %select_n3A_807 : i32
      %select_n3A_818 = arith.select %and3A_816, %add3A_817, %rem3A_808 : i32
      %gt3A = arith.constant 0 : i32
      %gt3A_819 = arith.cmpi sgt, %scan3A_792, %gt3A : i32
      %convert_element_type3A = arith.extui %gt3A_819 : i1 to i32
      %cond3A = arith.constant 0 : i32
      %cond3A_820 = arith.cmpi ne, %convert_element_type3A, %cond3A : i32
      scf.if %cond3A_820 {
        %dma_wait3A_988 = arith.constant 0 : i32
        %dma_wait3A_989 = arith.constant 0 : i32
        %dma_wait3A_990 = tpu.memref_slice %arg7[%select_n3A_800, %dma_wait3A_988, %dma_wait3A_989] : memref<2x3x32xi32, #tpu.memory_space<vmem>> -> memref<1x3x32xi32, #tpu.memory_space<vmem>>
        %dma_wait3A_991 = tpu.memref_squeeze %dma_wait3A_990 : memref<1x3x32xi32, #tpu.memory_space<vmem>> -> memref<3x32xi32, #tpu.memory_space<vmem>>
        %dma_wait3A_992 = arith.constant 0 : i32
        %dma_wait3A_993 = arith.constant 0 : i32
        %dma_wait3A_994 = tpu.memref_slice %arg3[%arg0, %arg1, %scan3A_792, %dma_wait3A_992, %dma_wait3A_993] : memref<2x16x105x3x32xi32, #tpu.memory_space<hbm>> -> memref<1x1x1x3x32xi32, #tpu.memory_space<hbm>>
        %dma_wait3A_995 = tpu.memref_squeeze %dma_wait3A_994 : memref<1x1x1x3x32xi32, #tpu.memory_space<hbm>> -> memref<3x32xi32, #tpu.memory_space<hbm>>
        %dma_wait3A_996 = arith.constant 0 : i32
        %dma_wait3A_997 = arith.constant 0 : i32
        %dma_wait3A_998 = tpu.memref_slice %arg7[%select_n3A_800, %dma_wait3A_996, %dma_wait3A_997] : memref<2x3x32xi32, #tpu.memory_space<vmem>> -> memref<1x3x32xi32, #tpu.memory_space<vmem>>
        %dma_wait3A_999 = tpu.memref_squeeze %dma_wait3A_998 : memref<1x3x32xi32, #tpu.memory_space<vmem>> -> memref<3x32xi32, #tpu.memory_space<vmem>>
        %dma_wait3A_1000 = arith.constant 0 : i32
        %dma_wait3A_1001 = arith.constant 0 : i32
        %dma_wait3A_1002 = tpu.memref_slice %arg3[%arg0, %arg1, %scan3A_792, %dma_wait3A_1000, %dma_wait3A_1001] : memref<2x16x105x3x32xi32, #tpu.memory_space<hbm>> -> memref<1x1x1x3x32xi32, #tpu.memory_space<hbm>>
        %dma_wait3A_1003 = tpu.memref_squeeze %dma_wait3A_1002 : memref<1x1x1x3x32xi32, #tpu.memory_space<hbm>> -> memref<3x32xi32, #tpu.memory_space<hbm>>
        tpu.wait_dma2 semaphore(%arg19 : memref<!tpu.dma_semaphore, #tpu.memory_space<semaphore_mem>>) src(%dma_wait3A_1003 : memref<3x32xi32, #tpu.memory_space<hbm>>) dst(%dma_wait3A_999 : memref<3x32xi32, #tpu.memory_space<vmem>>)
        %dma_wait3A_1004 = arith.constant 0 : i32
        %dma_wait3A_1005 = arith.constant 0 : i32
        %dma_wait3A_1006 = tpu.memref_slice %arg8[%select_n3A_800, %dma_wait3A_1004, %dma_wait3A_1005] : memref<2x3x32xi32, #tpu.memory_space<vmem>> -> memref<1x3x32xi32, #tpu.memory_space<vmem>>
        %dma_wait3A_1007 = tpu.memref_squeeze %dma_wait3A_1006 : memref<1x3x32xi32, #tpu.memory_space<vmem>> -> memref<3x32xi32, #tpu.memory_space<vmem>>
        %dma_wait3A_1008 = arith.constant 0 : i32
        %dma_wait3A_1009 = arith.constant 0 : i32
        %dma_wait3A_1010 = tpu.memref_slice %arg4[%arg1, %scan3A_792, %dma_wait3A_1008, %dma_wait3A_1009] : memref<16x105x3x32xi32, #tpu.memory_space<hbm>> -> memref<1x1x3x32xi32, #tpu.memory_space<hbm>>
        %dma_wait3A_1011 = tpu.memref_squeeze %dma_wait3A_1010 : memref<1x1x3x32xi32, #tpu.memory_space<hbm>> -> memref<3x32xi32, #tpu.memory_space<hbm>>
        %dma_wait3A_1012 = arith.constant 0 : i32
        %dma_wait3A_1013 = arith.constant 0 : i32
        %dma_wait3A_1014 = tpu.memref_slice %arg8[%select_n3A_800, %dma_wait3A_1012, %dma_wait3A_1013] : memref<2x3x32xi32, #tpu.memory_space<vmem>> -> memref<1x3x32xi32, #tpu.memory_space<vmem>>
        %dma_wait3A_1015 = tpu.memref_squeeze %dma_wait3A_1014 : memref<1x3x32xi32, #tpu.memory_space<vmem>> -> memref<3x32xi32, #tpu.memory_space<vmem>>
        %dma_wait3A_1016 = arith.constant 0 : i32
        %dma_wait3A_1017 = arith.constant 0 : i32
        %dma_wait3A_1018 = tpu.memref_slice %arg4[%arg1, %scan3A_792, %dma_wait3A_1016, %dma_wait3A_1017] : memref<16x105x3x32xi32, #tpu.memory_space<hbm>> -> memref<1x1x3x32xi32, #tpu.memory_space<hbm>>
        %dma_wait3A_1019 = tpu.memref_squeeze %dma_wait3A_1018 : memref<1x1x3x32xi32, #tpu.memory_space<hbm>> -> memref<3x32xi32, #tpu.memory_space<hbm>>
        tpu.wait_dma2 semaphore(%arg19 : memref<!tpu.dma_semaphore, #tpu.memory_space<semaphore_mem>>) src(%dma_wait3A_1019 : memref<3x32xi32, #tpu.memory_space<hbm>>) dst(%dma_wait3A_1015 : memref<3x32xi32, #tpu.memory_space<vmem>>)
        %dma_wait3A_1020 = arith.constant 0 : i32
        %dma_wait3A_1021 = arith.constant 0 : i32
        %dma_wait3A_1022 = arith.constant 0 : i32
        %dma_wait3A_1023 = tpu.memref_slice %arg9[%select_n3A_800, %dma_wait3A_1020, %dma_wait3A_1021, %dma_wait3A_1022] : memref<2x3x32x16xf32, #tpu.memory_space<vmem>> -> memref<1x3x32x16xf32, #tpu.memory_space<vmem>>
        %dma_wait3A_1024 = tpu.memref_squeeze %dma_wait3A_1023 : memref<1x3x32x16xf32, #tpu.memory_space<vmem>> -> memref<3x32x16xf32, #tpu.memory_space<vmem>>
        %dma_wait3A_1025 = arith.constant 0 : i32
        %dma_wait3A_1026 = arith.constant 0 : i32
        %dma_wait3A_1027 = arith.constant 0 : i32
        %dma_wait3A_1028 = tpu.memref_slice %arg5[%arg1, %scan3A_792, %dma_wait3A_1025, %dma_wait3A_1026, %dma_wait3A_1027] : memref<16x105x3x32x16xf32, #tpu.memory_space<hbm>> -> memref<1x1x3x32x16xf32, #tpu.memory_space<hbm>>
        %dma_wait3A_1029 = tpu.memref_squeeze %dma_wait3A_1028 : memref<1x1x3x32x16xf32, #tpu.memory_space<hbm>> -> memref<3x32x16xf32, #tpu.memory_space<hbm>>
        %dma_wait3A_1030 = arith.constant 0 : i32
        %dma_wait3A_1031 = arith.constant 0 : i32
        %dma_wait3A_1032 = arith.constant 0 : i32
        %dma_wait3A_1033 = tpu.memref_slice %arg9[%select_n3A_800, %dma_wait3A_1030, %dma_wait3A_1031, %dma_wait3A_1032] : memref<2x3x32x16xf32, #tpu.memory_space<vmem>> -> memref<1x3x32x16xf32, #tpu.memory_space<vmem>>
        %dma_wait3A_1034 = tpu.memref_squeeze %dma_wait3A_1033 : memref<1x3x32x16xf32, #tpu.memory_space<vmem>> -> memref<3x32x16xf32, #tpu.memory_space<vmem>>
        %dma_wait3A_1035 = arith.constant 0 : i32
        %dma_wait3A_1036 = arith.constant 0 : i32
        %dma_wait3A_1037 = arith.constant 0 : i32
        %dma_wait3A_1038 = tpu.memref_slice %arg5[%arg1, %scan3A_792, %dma_wait3A_1035, %dma_wait3A_1036, %dma_wait3A_1037] : memref<16x105x3x32x16xf32, #tpu.memory_space<hbm>> -> memref<1x1x3x32x16xf32, #tpu.memory_space<hbm>>
        %dma_wait3A_1039 = tpu.memref_squeeze %dma_wait3A_1038 : memref<1x1x3x32x16xf32, #tpu.memory_space<hbm>> -> memref<3x32x16xf32, #tpu.memory_space<hbm>>
        tpu.wait_dma2 semaphore(%arg19 : memref<!tpu.dma_semaphore, #tpu.memory_space<semaphore_mem>>) src(%dma_wait3A_1039 : memref<3x32x16xf32, #tpu.memory_space<hbm>>) dst(%dma_wait3A_1034 : memref<3x32x16xf32, #tpu.memory_space<vmem>>)
      } else {
      }
      %add3A_821 = arith.constant 1 : i32
      %add3A_822 = arith.addi %scan3A_792, %add3A_821 : i32
      %lt3A_823 = arith.constant 105 : i32
      %lt3A_824 = arith.cmpi slt, %add3A_822, %lt3A_823 : i32
      %convert_element_type3A_825 = arith.extui %lt3A_824 : i1 to i32
      %cond3A_826 = arith.constant 0 : i32
      %cond3A_827 = arith.cmpi ne, %convert_element_type3A_825, %cond3A_826 : i32
      scf.if %cond3A_827 {
        %add3A_988 = arith.constant 1 : i32
        %add3A_989 = arith.addi %scan3A_792, %add3A_988 : i32
        %dma_start3A_990 = arith.constant 0 : i32
        %dma_start3A_991 = arith.constant 0 : i32
        %dma_start3A_992 = tpu.memref_slice %arg7[%select_n3A_818, %dma_start3A_990, %dma_start3A_991] : memref<2x3x32xi32, #tpu.memory_space<vmem>> -> memref<1x3x32xi32, #tpu.memory_space<vmem>>
        %dma_start3A_993 = tpu.memref_squeeze %dma_start3A_992 : memref<1x3x32xi32, #tpu.memory_space<vmem>> -> memref<3x32xi32, #tpu.memory_space<vmem>>
        %dma_start3A_994 = arith.constant 0 : i32
        %dma_start3A_995 = arith.constant 0 : i32
        %dma_start3A_996 = tpu.memref_slice %arg3[%arg0, %arg1, %add3A_989, %dma_start3A_994, %dma_start3A_995] : memref<2x16x105x3x32xi32, #tpu.memory_space<hbm>> -> memref<1x1x1x3x32xi32, #tpu.memory_space<hbm>>
        %dma_start3A_997 = tpu.memref_squeeze %dma_start3A_996 : memref<1x1x1x3x32xi32, #tpu.memory_space<hbm>> -> memref<3x32xi32, #tpu.memory_space<hbm>>
        %dma_start3A_998 = arith.constant 0 : i32
        %dma_start3A_999 = arith.constant 0 : i32
        %dma_start3A_1000 = tpu.memref_slice %arg7[%select_n3A_818, %dma_start3A_998, %dma_start3A_999] : memref<2x3x32xi32, #tpu.memory_space<vmem>> -> memref<1x3x32xi32, #tpu.memory_space<vmem>>
        %dma_start3A_1001 = tpu.memref_squeeze %dma_start3A_1000 : memref<1x3x32xi32, #tpu.memory_space<vmem>> -> memref<3x32xi32, #tpu.memory_space<vmem>>
        %dma_start3A_1002 = arith.constant 0 : i32
        %dma_start3A_1003 = arith.constant 0 : i32
        %dma_start3A_1004 = tpu.memref_slice %arg3[%arg0, %arg1, %add3A_989, %dma_start3A_1002, %dma_start3A_1003] : memref<2x16x105x3x32xi32, #tpu.memory_space<hbm>> -> memref<1x1x1x3x32xi32, #tpu.memory_space<hbm>>
        %dma_start3A_1005 = tpu.memref_squeeze %dma_start3A_1004 : memref<1x1x1x3x32xi32, #tpu.memory_space<hbm>> -> memref<3x32xi32, #tpu.memory_space<hbm>>
        tpu.enqueue_dma source(%dma_start3A_1005 : memref<3x32xi32, #tpu.memory_space<hbm>>) target(%dma_start3A_1001 : memref<3x32xi32, #tpu.memory_space<vmem>>) target_semaphore(%arg19 : memref<!tpu.dma_semaphore, #tpu.memory_space<semaphore_mem>>)
        %dma_start3A_1006 = arith.constant 0 : i32
        %dma_start3A_1007 = arith.constant 0 : i32
        %dma_start3A_1008 = tpu.memref_slice %arg8[%select_n3A_818, %dma_start3A_1006, %dma_start3A_1007] : memref<2x3x32xi32, #tpu.memory_space<vmem>> -> memref<1x3x32xi32, #tpu.memory_space<vmem>>
        %dma_start3A_1009 = tpu.memref_squeeze %dma_start3A_1008 : memref<1x3x32xi32, #tpu.memory_space<vmem>> -> memref<3x32xi32, #tpu.memory_space<vmem>>
        %dma_start3A_1010 = arith.constant 0 : i32
        %dma_start3A_1011 = arith.constant 0 : i32
        %dma_start3A_1012 = tpu.memref_slice %arg4[%arg1, %add3A_989, %dma_start3A_1010, %dma_start3A_1011] : memref<16x105x3x32xi32, #tpu.memory_space<hbm>> -> memref<1x1x3x32xi32, #tpu.memory_space<hbm>>
        %dma_start3A_1013 = tpu.memref_squeeze %dma_start3A_1012 : memref<1x1x3x32xi32, #tpu.memory_space<hbm>> -> memref<3x32xi32, #tpu.memory_space<hbm>>
        %dma_start3A_1014 = arith.constant 0 : i32
        %dma_start3A_1015 = arith.constant 0 : i32
        %dma_start3A_1016 = tpu.memref_slice %arg8[%select_n3A_818, %dma_start3A_1014, %dma_start3A_1015] : memref<2x3x32xi32, #tpu.memory_space<vmem>> -> memref<1x3x32xi32, #tpu.memory_space<vmem>>
        %dma_start3A_1017 = tpu.memref_squeeze %dma_start3A_1016 : memref<1x3x32xi32, #tpu.memory_space<vmem>> -> memref<3x32xi32, #tpu.memory_space<vmem>>
        %dma_start3A_1018 = arith.constant 0 : i32
        %dma_start3A_1019 = arith.constant 0 : i32
        %dma_start3A_1020 = tpu.memref_slice %arg4[%arg1, %add3A_989, %dma_start3A_1018, %dma_start3A_1019] : memref<16x105x3x32xi32, #tpu.memory_space<hbm>> -> memref<1x1x3x32xi32, #tpu.memory_space<hbm>>
        %dma_start3A_1021 = tpu.memref_squeeze %dma_start3A_1020 : memref<1x1x3x32xi32, #tpu.memory_space<hbm>> -> memref<3x32xi32, #tpu.memory_space<hbm>>
        tpu.enqueue_dma source(%dma_start3A_1021 : memref<3x32xi32, #tpu.memory_space<hbm>>) target(%dma_start3A_1017 : memref<3x32xi32, #tpu.memory_space<vmem>>) target_semaphore(%arg19 : memref<!tpu.dma_semaphore, #tpu.memory_space<semaphore_mem>>)
        %dma_start3A_1022 = arith.constant 0 : i32
        %dma_start3A_1023 = arith.constant 0 : i32
        %dma_start3A_1024 = arith.constant 0 : i32
        %dma_start3A_1025 = tpu.memref_slice %arg9[%select_n3A_818, %dma_start3A_1022, %dma_start3A_1023, %dma_start3A_1024] : memref<2x3x32x16xf32, #tpu.memory_space<vmem>> -> memref<1x3x32x16xf32, #tpu.memory_space<vmem>>
        %dma_start3A_1026 = tpu.memref_squeeze %dma_start3A_1025 : memref<1x3x32x16xf32, #tpu.memory_space<vmem>> -> memref<3x32x16xf32, #tpu.memory_space<vmem>>
        %dma_start3A_1027 = arith.constant 0 : i32
        %dma_start3A_1028 = arith.constant 0 : i32
        %dma_start3A_1029 = arith.constant 0 : i32
        %dma_start3A_1030 = tpu.memref_slice %arg5[%arg1, %add3A_989, %dma_start3A_1027, %dma_start3A_1028, %dma_start3A_1029] : memref<16x105x3x32x16xf32, #tpu.memory_space<hbm>> -> memref<1x1x3x32x16xf32, #tpu.memory_space<hbm>>
        %dma_start3A_1031 = tpu.memref_squeeze %dma_start3A_1030 : memref<1x1x3x32x16xf32, #tpu.memory_space<hbm>> -> memref<3x32x16xf32, #tpu.memory_space<hbm>>
        %dma_start3A_1032 = arith.constant 0 : i32
        %dma_start3A_1033 = arith.constant 0 : i32
        %dma_start3A_1034 = arith.constant 0 : i32
        %dma_start3A_1035 = tpu.memref_slice %arg9[%select_n3A_818, %dma_start3A_1032, %dma_start3A_1033, %dma_start3A_1034] : memref<2x3x32x16xf32, #tpu.memory_space<vmem>> -> memref<1x3x32x16xf32, #tpu.memory_space<vmem>>
        %dma_start3A_1036 = tpu.memref_squeeze %dma_start3A_1035 : memref<1x3x32x16xf32, #tpu.memory_space<vmem>> -> memref<3x32x16xf32, #tpu.memory_space<vmem>>
        %dma_start3A_1037 = arith.constant 0 : i32
        %dma_start3A_1038 = arith.constant 0 : i32
        %dma_start3A_1039 = arith.constant 0 : i32
        %dma_start3A_1040 = tpu.memref_slice %arg5[%arg1, %add3A_989, %dma_start3A_1037, %dma_start3A_1038, %dma_start3A_1039] : memref<16x105x3x32x16xf32, #tpu.memory_space<hbm>> -> memref<1x1x3x32x16xf32, #tpu.memory_space<hbm>>
        %dma_start3A_1041 = tpu.memref_squeeze %dma_start3A_1040 : memref<1x1x3x32x16xf32, #tpu.memory_space<hbm>> -> memref<3x32x16xf32, #tpu.memory_space<hbm>>
        tpu.enqueue_dma source(%dma_start3A_1041 : memref<3x32x16xf32, #tpu.memory_space<hbm>>) target(%dma_start3A_1036 : memref<3x32x16xf32, #tpu.memory_space<vmem>>) target_semaphore(%arg19 : memref<!tpu.dma_semaphore, #tpu.memory_space<semaphore_mem>>)
      } else {
      }
      %dma_start3A = arith.constant 0 : i32
      %dma_start3A_828 = arith.constant 0 : i32
      %dma_start3A_829 = arith.constant 0 : i32
      %dma_start3A_830 = arith.constant 0 : i32
      %dma_start3A_831 = tpu.memref_slice %arg10[%dma_start3A_828, %dma_start3A_829, %dma_start3A_830] : memref<3x32x128xf32, #tpu.memory_space<vmem>> -> memref<1x32x128xf32, #tpu.memory_space<vmem>>
      %dma_start3A_832 = tpu.memref_squeeze %dma_start3A_831 : memref<1x32x128xf32, #tpu.memory_space<vmem>> -> memref<32x128xf32, #tpu.memory_space<vmem>>
      %dma_start3A_833 = arith.constant 0 : i32
      %dma_start3A_834 = tpu.memref_slice %arg7[%select_n3A_800, %dma_start3A, %dma_start3A_833] : memref<2x3x32xi32, #tpu.memory_space<vmem>> -> memref<1x1x32xi32, #tpu.memory_space<vmem>>
      %dma_start3A_835 = tpu.memref_squeeze %dma_start3A_834 : memref<1x1x32xi32, #tpu.memory_space<vmem>> -> memref<32xi32, #tpu.memory_space<vmem>>
      %dma_start3A_836 = arith.constant 0 : i32
      %dma_start3A_837 = arith.constant 0 : i32
      %dma_start3A_838 = tpu.memref_slice %arg2[%dma_start3A_836, %dma_start3A_837] : memref<20000x128xf32, #tpu.memory_space<hbm>> -> memref<20000x128xf32, #tpu.memory_space<hbm>>
      tpu.enqueue_indirect_dma source(%dma_start3A_838 : memref<20000x128xf32, #tpu.memory_space<hbm>>) target(%dma_start3A_832 : memref<32x128xf32, #tpu.memory_space<vmem>>) offsets(%dma_start3A_835 : memref<32xi32, #tpu.memory_space<vmem>>) semaphore(%arg13 : memref<!tpu.dma_semaphore, #tpu.memory_space<semaphore_mem>>)
      %dma_start3A_839 = arith.constant 1 : i32
      %dma_start3A_840 = arith.constant 1 : i32
      %dma_start3A_841 = arith.constant 0 : i32
      %dma_start3A_842 = arith.constant 0 : i32
      %dma_start3A_843 = tpu.memref_slice %arg10[%dma_start3A_840, %dma_start3A_841, %dma_start3A_842] : memref<3x32x128xf32, #tpu.memory_space<vmem>> -> memref<1x32x128xf32, #tpu.memory_space<vmem>>
      %dma_start3A_844 = tpu.memref_squeeze %dma_start3A_843 : memref<1x32x128xf32, #tpu.memory_space<vmem>> -> memref<32x128xf32, #tpu.memory_space<vmem>>
      %dma_start3A_845 = arith.constant 0 : i32
      %dma_start3A_846 = tpu.memref_slice %arg7[%select_n3A_800, %dma_start3A_839, %dma_start3A_845] : memref<2x3x32xi32, #tpu.memory_space<vmem>> -> memref<1x1x32xi32, #tpu.memory_space<vmem>>
      %dma_start3A_847 = tpu.memref_squeeze %dma_start3A_846 : memref<1x1x32xi32, #tpu.memory_space<vmem>> -> memref<32xi32, #tpu.memory_space<vmem>>
      %dma_start3A_848 = arith.constant 0 : i32
      %dma_start3A_849 = arith.constant 0 : i32
      %dma_start3A_850 = tpu.memref_slice %arg2[%dma_start3A_848, %dma_start3A_849] : memref<20000x128xf32, #tpu.memory_space<hbm>> -> memref<20000x128xf32, #tpu.memory_space<hbm>>
      tpu.enqueue_indirect_dma source(%dma_start3A_850 : memref<20000x128xf32, #tpu.memory_space<hbm>>) target(%dma_start3A_844 : memref<32x128xf32, #tpu.memory_space<vmem>>) offsets(%dma_start3A_847 : memref<32xi32, #tpu.memory_space<vmem>>) semaphore(%arg14 : memref<!tpu.dma_semaphore, #tpu.memory_space<semaphore_mem>>)
      %dma_start3A_851 = arith.constant 2 : i32
      %dma_start3A_852 = arith.constant 2 : i32
      %dma_start3A_853 = arith.constant 0 : i32
      %dma_start3A_854 = arith.constant 0 : i32
      %dma_start3A_855 = tpu.memref_slice %arg10[%dma_start3A_852, %dma_start3A_853, %dma_start3A_854] : memref<3x32x128xf32, #tpu.memory_space<vmem>> -> memref<1x32x128xf32, #tpu.memory_space<vmem>>
      %dma_start3A_856 = tpu.memref_squeeze %dma_start3A_855 : memref<1x32x128xf32, #tpu.memory_space<vmem>> -> memref<32x128xf32, #tpu.memory_space<vmem>>
      %dma_start3A_857 = arith.constant 0 : i32
      %dma_start3A_858 = tpu.memref_slice %arg7[%select_n3A_800, %dma_start3A_851, %dma_start3A_857] : memref<2x3x32xi32, #tpu.memory_space<vmem>> -> memref<1x1x32xi32, #tpu.memory_space<vmem>>
      %dma_start3A_859 = tpu.memref_squeeze %dma_start3A_858 : memref<1x1x32xi32, #tpu.memory_space<vmem>> -> memref<32xi32, #tpu.memory_space<vmem>>
      %dma_start3A_860 = arith.constant 0 : i32
      %dma_start3A_861 = arith.constant 0 : i32
      %dma_start3A_862 = tpu.memref_slice %arg2[%dma_start3A_860, %dma_start3A_861] : memref<20000x128xf32, #tpu.memory_space<hbm>> -> memref<20000x128xf32, #tpu.memory_space<hbm>>
      tpu.enqueue_indirect_dma source(%dma_start3A_862 : memref<20000x128xf32, #tpu.memory_space<hbm>>) target(%dma_start3A_856 : memref<32x128xf32, #tpu.memory_space<vmem>>) offsets(%dma_start3A_859 : memref<32xi32, #tpu.memory_space<vmem>>) semaphore(%arg15 : memref<!tpu.dma_semaphore, #tpu.memory_space<semaphore_mem>>)
      %dma_wait3A = arith.constant 0 : i32
      %dma_wait3A_863 = arith.constant 0 : i32
      %dma_wait3A_864 = arith.constant 0 : i32
      %dma_wait3A_865 = arith.constant 0 : i32
      %dma_wait3A_866 = tpu.memref_slice %arg10[%dma_wait3A_863, %dma_wait3A_864, %dma_wait3A_865] : memref<3x32x128xf32, #tpu.memory_space<vmem>> -> memref<1x32x128xf32, #tpu.memory_space<vmem>>
      %dma_wait3A_867 = tpu.memref_squeeze %dma_wait3A_866 : memref<1x32x128xf32, #tpu.memory_space<vmem>> -> memref<32x128xf32, #tpu.memory_space<vmem>>
      %dma_wait3A_868 = arith.constant 0 : i32
      %dma_wait3A_869 = tpu.memref_slice %arg7[%select_n3A_800, %dma_wait3A, %dma_wait3A_868] : memref<2x3x32xi32, #tpu.memory_space<vmem>> -> memref<1x1x32xi32, #tpu.memory_space<vmem>>
      %dma_wait3A_870 = tpu.memref_squeeze %dma_wait3A_869 : memref<1x1x32xi32, #tpu.memory_space<vmem>> -> memref<32xi32, #tpu.memory_space<vmem>>
      %dma_wait3A_871 = arith.constant 0 : i32
      %dma_wait3A_872 = arith.constant 0 : i32
      %dma_wait3A_873 = tpu.memref_slice %arg2[%dma_wait3A_871, %dma_wait3A_872] : memref<20000x128xf32, #tpu.memory_space<hbm>> -> memref<20000x128xf32, #tpu.memory_space<hbm>>
      tpu.wait_indirect_dma semaphore(%arg13 : memref<!tpu.dma_semaphore, #tpu.memory_space<semaphore_mem>>) src(%dma_wait3A_873 : memref<20000x128xf32, #tpu.memory_space<hbm>>) dst(%dma_wait3A_867 : memref<32x128xf32, #tpu.memory_space<vmem>>)
      %scan3A_874 = arith.constant 0 : i32
      %scan3A_875 = arith.constant 0 : i32
      %scan3A_876 = arith.constant 32 : i32
      %scan3A_877 = arith.addi %scan3A_875, %scan3A_876 : i32
      %scan3A_878 = arith.constant 1 : i32
      scf.for %scan3A_988 = %scan3A_875 to %scan3A_877 step %scan3A_878  : i32 {
        %get3A = arith.constant 0 : i32
        %get3A_989 = arith.index_cast %select_n3A_800 : i32 to index
        %get3A_990 = arith.index_cast %get3A : i32 to index
        %get3A_991 = arith.index_cast %scan3A_988 : i32 to index
        %get3A_992 = arith.constant 0 : index
        %get3A_993 = tpu.vector_load %arg9[%get3A_989, %get3A_990, %get3A_991, %get3A_992] {strides = array<i32>} : memref<2x3x32x16xf32, #tpu.memory_space<vmem>>, vector<1x1x1x16xf32>,
        %get3A_994 = vector.shape_cast %get3A_993 : vector<1x1x1x16xf32> to vector<16xf32>
        %get3A_995 = arith.constant 0 : i32
        %get3A_996 = arith.index_cast %get3A_995 : i32 to index
        %get3A_997 = arith.index_cast %scan3A_988 : i32 to index
        %get3A_998 = arith.constant 0 : index
        %get3A_999 = tpu.vector_load %arg10[%get3A_996, %get3A_997, %get3A_998] {strides = array<i32>} : memref<3x32x128xf32, #tpu.memory_space<vmem>>, vector<1x1x16xf32>,
        %get3A_1000 = vector.shape_cast %get3A_999 : vector<1x1x16xf32> to vector<16xf32>
        %mul3A_1001 = arith.mulf %get3A_1000, %get3A_994 : vector<16xf32>
        %swap3A_1002 = arith.constant 0 : i32
        %swap3A_1003 = arith.index_cast %swap3A_1002 : i32 to index
        %swap3A_1004 = arith.index_cast %scan3A_988 : i32 to index
        %swap3A_1005 = arith.constant 0 : index
        %swap3A_1006 = tpu.vector_load %arg10[%swap3A_1003, %swap3A_1004, %swap3A_1005] {strides = array<i32>} : memref<3x32x128xf32, #tpu.memory_space<vmem>>, vector<1x1x16xf32>,
        %swap3A_1007 = vector.shape_cast %swap3A_1006 : vector<1x1x16xf32> to vector<16xf32>
        %swap3A_1008 = vector.shape_cast %mul3A_1001 : vector<16xf32> to vector<1x1x16xf32>
        tpu.vector_store %arg10[%swap3A_1003, %swap3A_1004, %swap3A_1005], %swap3A_1008 {strides = array<i32>} : memref<3x32x128xf32, #tpu.memory_space<vmem>>, vector<1x1x16xf32>,
        %get3A_1009 = arith.constant 0 : i32
        %get3A_1010 = arith.index_cast %get3A_1009 : i32 to index
        %get3A_1011 = arith.index_cast %scan3A_988 : i32 to index
        %get3A_1012 = arith.constant 16 : index
        %get3A_1013 = tpu.vector_load %arg10[%get3A_1010, %get3A_1011, %get3A_1012] {strides = array<i32>} : memref<3x32x128xf32, #tpu.memory_space<vmem>>, vector<1x1x16xf32>,
        %get3A_1014 = vector.shape_cast %get3A_1013 : vector<1x1x16xf32> to vector<16xf32>
        %mul3A_1015 = arith.mulf %get3A_1014, %get3A_994 : vector<16xf32>
        %swap3A_1016 = arith.constant 0 : i32
        %swap3A_1017 = arith.index_cast %swap3A_1016 : i32 to index
        %swap3A_1018 = arith.index_cast %scan3A_988 : i32 to index
        %swap3A_1019 = arith.constant 16 : index
        %swap3A_1020 = tpu.vector_load %arg10[%swap3A_1017, %swap3A_1018, %swap3A_1019] {strides = array<i32>} : memref<3x32x128xf32, #tpu.memory_space<vmem>>, vector<1x1x16xf32>,
        %swap3A_1021 = vector.shape_cast %swap3A_1020 : vector<1x1x16xf32> to vector<16xf32>
        %swap3A_1022 = vector.shape_cast %mul3A_1015 : vector<16xf32> to vector<1x1x16xf32>
        tpu.vector_store %arg10[%swap3A_1017, %swap3A_1018, %swap3A_1019], %swap3A_1022 {strides = array<i32>} : memref<3x32x128xf32, #tpu.memory_space<vmem>>, vector<1x1x16xf32>,
        %get3A_1023 = arith.constant 0 : i32
        %get3A_1024 = arith.index_cast %get3A_1023 : i32 to index
        %get3A_1025 = arith.index_cast %scan3A_988 : i32 to index
        %get3A_1026 = arith.constant 32 : index
        %get3A_1027 = tpu.vector_load %arg10[%get3A_1024, %get3A_1025, %get3A_1026] {strides = array<i32>} : memref<3x32x128xf32, #tpu.memory_space<vmem>>, vector<1x1x16xf32>,
        %get3A_1028 = vector.shape_cast %get3A_1027 : vector<1x1x16xf32> to vector<16xf32>
        %mul3A_1029 = arith.mulf %get3A_1028, %get3A_994 : vector<16xf32>
        %swap3A_1030 = arith.constant 0 : i32
        %swap3A_1031 = arith.index_cast %swap3A_1030 : i32 to index
        %swap3A_1032 = arith.index_cast %scan3A_988 : i32 to index
        %swap3A_1033 = arith.constant 32 : index
        %swap3A_1034 = tpu.vector_load %arg10[%swap3A_1031, %swap3A_1032, %swap3A_1033] {strides = array<i32>} : memref<3x32x128xf32, #tpu.memory_space<vmem>>, vector<1x1x16xf32>,
        %swap3A_1035 = vector.shape_cast %swap3A_1034 : vector<1x1x16xf32> to vector<16xf32>
        %swap3A_1036 = vector.shape_cast %mul3A_1029 : vector<16xf32> to vector<1x1x16xf32>
        tpu.vector_store %arg10[%swap3A_1031, %swap3A_1032, %swap3A_1033], %swap3A_1036 {strides = array<i32>} : memref<3x32x128xf32, #tpu.memory_space<vmem>>, vector<1x1x16xf32>,
        %get3A_1037 = arith.constant 0 : i32
        %get3A_1038 = arith.index_cast %get3A_1037 : i32 to index
        %get3A_1039 = arith.index_cast %scan3A_988 : i32 to index
        %get3A_1040 = arith.constant 48 : index
        %get3A_1041 = tpu.vector_load %arg10[%get3A_1038, %get3A_1039, %get3A_1040] {strides = array<i32>} : memref<3x32x128xf32, #tpu.memory_space<vmem>>, vector<1x1x16xf32>,
        %get3A_1042 = vector.shape_cast %get3A_1041 : vector<1x1x16xf32> to vector<16xf32>
        %mul3A_1043 = arith.mulf %get3A_1042, %get3A_994 : vector<16xf32>
        %swap3A_1044 = arith.constant 0 : i32
        %swap3A_1045 = arith.index_cast %swap3A_1044 : i32 to index
        %swap3A_1046 = arith.index_cast %scan3A_988 : i32 to index
        %swap3A_1047 = arith.constant 48 : index
        %swap3A_1048 = tpu.vector_load %arg10[%swap3A_1045, %swap3A_1046, %swap3A_1047] {strides = array<i32>} : memref<3x32x128xf32, #tpu.memory_space<vmem>>, vector<1x1x16xf32>,
        %swap3A_1049 = vector.shape_cast %swap3A_1048 : vector<1x1x16xf32> to vector<16xf32>
        %swap3A_1050 = vector.shape_cast %mul3A_1043 : vector<16xf32> to vector<1x1x16xf32>
        tpu.vector_store %arg10[%swap3A_1045, %swap3A_1046, %swap3A_1047], %swap3A_1050 {strides = array<i32>} : memref<3x32x128xf32, #tpu.memory_space<vmem>>, vector<1x1x16xf32>,
        %get3A_1051 = arith.constant 0 : i32
        %get3A_1052 = arith.index_cast %get3A_1051 : i32 to index
        %get3A_1053 = arith.index_cast %scan3A_988 : i32 to index
        %get3A_1054 = arith.constant 64 : index
        %get3A_1055 = tpu.vector_load %arg10[%get3A_1052, %get3A_1053, %get3A_1054] {strides = array<i32>} : memref<3x32x128xf32, #tpu.memory_space<vmem>>, vector<1x1x16xf32>,
        %get3A_1056 = vector.shape_cast %get3A_1055 : vector<1x1x16xf32> to vector<16xf32>
        %mul3A_1057 = arith.mulf %get3A_1056, %get3A_994 : vector<16xf32>
        %swap3A_1058 = arith.constant 0 : i32
        %swap3A_1059 = arith.index_cast %swap3A_1058 : i32 to index
        %swap3A_1060 = arith.index_cast %scan3A_988 : i32 to index
        %swap3A_1061 = arith.constant 64 : index
        %swap3A_1062 = tpu.vector_load %arg10[%swap3A_1059, %swap3A_1060, %swap3A_1061] {strides = array<i32>} : memref<3x32x128xf32, #tpu.memory_space<vmem>>, vector<1x1x16xf32>,
        %swap3A_1063 = vector.shape_cast %swap3A_1062 : vector<1x1x16xf32> to vector<16xf32>
        %swap3A_1064 = vector.shape_cast %mul3A_1057 : vector<16xf32> to vector<1x1x16xf32>
        tpu.vector_store %arg10[%swap3A_1059, %swap3A_1060, %swap3A_1061], %swap3A_1064 {strides = array<i32>} : memref<3x32x128xf32, #tpu.memory_space<vmem>>, vector<1x1x16xf32>,
        %get3A_1065 = arith.constant 0 : i32
        %get3A_1066 = arith.index_cast %get3A_1065 : i32 to index
        %get3A_1067 = arith.index_cast %scan3A_988 : i32 to index
        %get3A_1068 = arith.constant 80 : index
        %get3A_1069 = tpu.vector_load %arg10[%get3A_1066, %get3A_1067, %get3A_1068] {strides = array<i32>} : memref<3x32x128xf32, #tpu.memory_space<vmem>>, vector<1x1x16xf32>,
        %get3A_1070 = vector.shape_cast %get3A_1069 : vector<1x1x16xf32> to vector<16xf32>
        %mul3A_1071 = arith.mulf %get3A_1070, %get3A_994 : vector<16xf32>
        %swap3A_1072 = arith.constant 0 : i32
        %swap3A_1073 = arith.index_cast %swap3A_1072 : i32 to index
        %swap3A_1074 = arith.index_cast %scan3A_988 : i32 to index
        %swap3A_1075 = arith.constant 80 : index
        %swap3A_1076 = tpu.vector_load %arg10[%swap3A_1073, %swap3A_1074, %swap3A_1075] {strides = array<i32>} : memref<3x32x128xf32, #tpu.memory_space<vmem>>, vector<1x1x16xf32>,
        %swap3A_1077 = vector.shape_cast %swap3A_1076 : vector<1x1x16xf32> to vector<16xf32>
        %swap3A_1078 = vector.shape_cast %mul3A_1071 : vector<16xf32> to vector<1x1x16xf32>
        tpu.vector_store %arg10[%swap3A_1073, %swap3A_1074, %swap3A_1075], %swap3A_1078 {strides = array<i32>} : memref<3x32x128xf32, #tpu.memory_space<vmem>>, vector<1x1x16xf32>,
        %get3A_1079 = arith.constant 0 : i32
        %get3A_1080 = arith.index_cast %get3A_1079 : i32 to index
        %get3A_1081 = arith.index_cast %scan3A_988 : i32 to index
        %get3A_1082 = arith.constant 96 : index
        %get3A_1083 = tpu.vector_load %arg10[%get3A_1080, %get3A_1081, %get3A_1082] {strides = array<i32>} : memref<3x32x128xf32, #tpu.memory_space<vmem>>, vector<1x1x16xf32>,
        %get3A_1084 = vector.shape_cast %get3A_1083 : vector<1x1x16xf32> to vector<16xf32>
        %mul3A_1085 = arith.mulf %get3A_1084, %get3A_994 : vector<16xf32>
        %swap3A_1086 = arith.constant 0 : i32
        %swap3A_1087 = arith.index_cast %swap3A_1086 : i32 to index
        %swap3A_1088 = arith.index_cast %scan3A_988 : i32 to index
        %swap3A_1089 = arith.constant 96 : index
        %swap3A_1090 = tpu.vector_load %arg10[%swap3A_1087, %swap3A_1088, %swap3A_1089] {strides = array<i32>} : memref<3x32x128xf32, #tpu.memory_space<vmem>>, vector<1x1x16xf32>,
        %swap3A_1091 = vector.shape_cast %swap3A_1090 : vector<1x1x16xf32> to vector<16xf32>
        %swap3A_1092 = vector.shape_cast %mul3A_1085 : vector<16xf32> to vector<1x1x16xf32>
        tpu.vector_store %arg10[%swap3A_1087, %swap3A_1088, %swap3A_1089], %swap3A_1092 {strides = array<i32>} : memref<3x32x128xf32, #tpu.memory_space<vmem>>, vector<1x1x16xf32>,
        %get3A_1093 = arith.constant 0 : i32
        %get3A_1094 = arith.index_cast %get3A_1093 : i32 to index
        %get3A_1095 = arith.index_cast %scan3A_988 : i32 to index
        %get3A_1096 = arith.constant 112 : index
        %get3A_1097 = tpu.vector_load %arg10[%get3A_1094, %get3A_1095, %get3A_1096] {strides = array<i32>} : memref<3x32x128xf32, #tpu.memory_space<vmem>>, vector<1x1x16xf32>,
        %get3A_1098 = vector.shape_cast %get3A_1097 : vector<1x1x16xf32> to vector<16xf32>
        %mul3A_1099 = arith.mulf %get3A_1098, %get3A_994 : vector<16xf32>
        %swap3A_1100 = arith.constant 0 : i32
        %swap3A_1101 = arith.index_cast %swap3A_1100 : i32 to index
        %swap3A_1102 = arith.index_cast %scan3A_988 : i32 to index
        %swap3A_1103 = arith.constant 112 : index
        %swap3A_1104 = tpu.vector_load %arg10[%swap3A_1101, %swap3A_1102, %swap3A_1103] {strides = array<i32>} : memref<3x32x128xf32, #tpu.memory_space<vmem>>, vector<1x1x16xf32>,
        %swap3A_1105 = vector.shape_cast %swap3A_1104 : vector<1x1x16xf32> to vector<16xf32>
        %swap3A_1106 = vector.shape_cast %mul3A_1099 : vector<16xf32> to vector<1x1x16xf32>
        tpu.vector_store %arg10[%swap3A_1101, %swap3A_1102, %swap3A_1103], %swap3A_1106 {strides = array<i32>} : memref<3x32x128xf32, #tpu.memory_space<vmem>>, vector<1x1x16xf32>,
      }
      %scan3A_879 = arith.constant 32 : i32
      %dma_start3A_880 = arith.constant 0 : i32
      %dma_start3A_881 = arith.constant 0 : i32
      %dma_start3A_882 = arith.constant 0 : i32
      %dma_start3A_883 = arith.constant 0 : i32
      %dma_start3A_884 = tpu.memref_slice %arg10[%dma_start3A_880, %dma_start3A_882, %dma_start3A_883] : memref<3x32x128xf32, #tpu.memory_space<vmem>> -> memref<1x32x128xf32, #tpu.memory_space<vmem>>
      %dma_start3A_885 = tpu.memref_squeeze %dma_start3A_884 : memref<1x32x128xf32, #tpu.memory_space<vmem>> -> memref<32x128xf32, #tpu.memory_space<vmem>>
      %dma_start3A_886 = arith.constant 0 : i32
      %dma_start3A_887 = tpu.memref_slice %arg8[%select_n3A_800, %dma_start3A_881, %dma_start3A_886] : memref<2x3x32xi32, #tpu.memory_space<vmem>> -> memref<1x1x32xi32, #tpu.memory_space<vmem>>
      %dma_start3A_888 = tpu.memref_squeeze %dma_start3A_887 : memref<1x1x32xi32, #tpu.memory_space<vmem>> -> memref<32xi32, #tpu.memory_space<vmem>>
      %dma_start3A_889 = arith.constant 0 : i32
      %dma_start3A_890 = arith.constant 0 : i32
      %dma_start3A_891 = tpu.memref_slice %arg12[%dma_start3A_889, %dma_start3A_890] : memref<10240x128xf32, #tpu.memory_space<vmem_shared>> -> memref<10240x128xf32, #tpu.memory_space<vmem_shared>>
      tpu.enqueue_indirect_dma source(%dma_start3A_885 : memref<32x128xf32, #tpu.memory_space<vmem>>) target(%dma_start3A_891 : memref<10240x128xf32, #tpu.memory_space<vmem_shared>>) offsets(%dma_start3A_888 : memref<32xi32, #tpu.memory_space<vmem>>) semaphore(%arg16 : memref<!tpu.dma_semaphore, #tpu.memory_space<semaphore_mem>>) {add = true}
      %dma_wait3A_892 = arith.constant 1 : i32
      %dma_wait3A_893 = arith.constant 1 : i32
      %dma_wait3A_894 = arith.constant 0 : i32
      %dma_wait3A_895 = arith.constant 0 : i32
      %dma_wait3A_896 = tpu.memref_slice %arg10[%dma_wait3A_893, %dma_wait3A_894, %dma_wait3A_895] : memref<3x32x128xf32, #tpu.memory_space<vmem>> -> memref<1x32x128xf32, #tpu.memory_space<vmem>>
      %dma_wait3A_897 = tpu.memref_squeeze %dma_wait3A_896 : memref<1x32x128xf32, #tpu.memory_space<vmem>> -> memref<32x128xf32, #tpu.memory_space<vmem>>
      %dma_wait3A_898 = arith.constant 0 : i32
      %dma_wait3A_899 = tpu.memref_slice %arg7[%select_n3A_800, %dma_wait3A_892, %dma_wait3A_898] : memref<2x3x32xi32, #tpu.memory_space<vmem>> -> memref<1x1x32xi32, #tpu.memory_space<vmem>>
      %dma_wait3A_900 = tpu.memref_squeeze %dma_wait3A_899 : memref<1x1x32xi32, #tpu.memory_space<vmem>> -> memref<32xi32, #tpu.memory_space<vmem>>
      %dma_wait3A_901 = arith.constant 0 : i32
      %dma_wait3A_902 = arith.constant 0 : i32
      %dma_wait3A_903 = tpu.memref_slice %arg2[%dma_wait3A_901, %dma_wait3A_902] : memref<20000x128xf32, #tpu.memory_space<hbm>> -> memref<20000x128xf32, #tpu.memory_space<hbm>>
      tpu.wait_indirect_dma semaphore(%arg14 : memref<!tpu.dma_semaphore, #tpu.memory_space<semaphore_mem>>) src(%dma_wait3A_903 : memref<20000x128xf32, #tpu.memory_space<hbm>>) dst(%dma_wait3A_897 : memref<32x128xf32, #tpu.memory_space<vmem>>)
      %scan3A_904 = arith.constant 0 : i32
      %scan3A_905 = arith.constant 0 : i32
      %scan3A_906 = arith.constant 32 : i32
      %scan3A_907 = arith.addi %scan3A_905, %scan3A_906 : i32
      %scan3A_908 = arith.constant 1 : i32
      scf.for %scan3A_988 = %scan3A_905 to %scan3A_907 step %scan3A_908  : i32 {
        %get3A = arith.constant 1 : i32
        %get3A_989 = arith.index_cast %select_n3A_800 : i32 to index
        %get3A_990 = arith.index_cast %get3A : i32 to index
        %get3A_991 = arith.index_cast %scan3A_988 : i32 to index
        %get3A_992 = arith.constant 0 : index
        %get3A_993 = tpu.vector_load %arg9[%get3A_989, %get3A_990, %get3A_991, %get3A_992] {strides = array<i32>} : memref<2x3x32x16xf32, #tpu.memory_space<vmem>>, vector<1x1x1x16xf32>,
        %get3A_994 = vector.shape_cast %get3A_993 : vector<1x1x1x16xf32> to vector<16xf32>
        %get3A_995 = arith.constant 1 : i32
        %get3A_996 = arith.index_cast %get3A_995 : i32 to index
        %get3A_997 = arith.index_cast %scan3A_988 : i32 to index
        %get3A_998 = arith.constant 0 : index
        %get3A_999 = tpu.vector_load %arg10[%get3A_996, %get3A_997, %get3A_998] {strides = array<i32>} : memref<3x32x128xf32, #tpu.memory_space<vmem>>, vector<1x1x16xf32>,
        %get3A_1000 = vector.shape_cast %get3A_999 : vector<1x1x16xf32> to vector<16xf32>
        %mul3A_1001 = arith.mulf %get3A_1000, %get3A_994 : vector<16xf32>
        %swap3A_1002 = arith.constant 1 : i32
        %swap3A_1003 = arith.index_cast %swap3A_1002 : i32 to index
        %swap3A_1004 = arith.index_cast %scan3A_988 : i32 to index
        %swap3A_1005 = arith.constant 0 : index
        %swap3A_1006 = tpu.vector_load %arg10[%swap3A_1003, %swap3A_1004, %swap3A_1005] {strides = array<i32>} : memref<3x32x128xf32, #tpu.memory_space<vmem>>, vector<1x1x16xf32>,
        %swap3A_1007 = vector.shape_cast %swap3A_1006 : vector<1x1x16xf32> to vector<16xf32>
        %swap3A_1008 = vector.shape_cast %mul3A_1001 : vector<16xf32> to vector<1x1x16xf32>
        tpu.vector_store %arg10[%swap3A_1003, %swap3A_1004, %swap3A_1005], %swap3A_1008 {strides = array<i32>} : memref<3x32x128xf32, #tpu.memory_space<vmem>>, vector<1x1x16xf32>,
        %get3A_1009 = arith.constant 1 : i32
        %get3A_1010 = arith.index_cast %get3A_1009 : i32 to index
        %get3A_1011 = arith.index_cast %scan3A_988 : i32 to index
        %get3A_1012 = arith.constant 16 : index
        %get3A_1013 = tpu.vector_load %arg10[%get3A_1010, %get3A_1011, %get3A_1012] {strides = array<i32>} : memref<3x32x128xf32, #tpu.memory_space<vmem>>, vector<1x1x16xf32>,
        %get3A_1014 = vector.shape_cast %get3A_1013 : vector<1x1x16xf32> to vector<16xf32>
        %mul3A_1015 = arith.mulf %get3A_1014, %get3A_994 : vector<16xf32>
        %swap3A_1016 = arith.constant 1 : i32
        %swap3A_1017 = arith.index_cast %swap3A_1016 : i32 to index
        %swap3A_1018 = arith.index_cast %scan3A_988 : i32 to index
        %swap3A_1019 = arith.constant 16 : index
        %swap3A_1020 = tpu.vector_load %arg10[%swap3A_1017, %swap3A_1018, %swap3A_1019] {strides = array<i32>} : memref<3x32x128xf32, #tpu.memory_space<vmem>>, vector<1x1x16xf32>,
        %swap3A_1021 = vector.shape_cast %swap3A_1020 : vector<1x1x16xf32> to vector<16xf32>
        %swap3A_1022 = vector.shape_cast %mul3A_1015 : vector<16xf32> to vector<1x1x16xf32>
        tpu.vector_store %arg10[%swap3A_1017, %swap3A_1018, %swap3A_1019], %swap3A_1022 {strides = array<i32>} : memref<3x32x128xf32, #tpu.memory_space<vmem>>, vector<1x1x16xf32>,
        %get3A_1023 = arith.constant 1 : i32
        %get3A_1024 = arith.index_cast %get3A_1023 : i32 to index
        %get3A_1025 = arith.index_cast %scan3A_988 : i32 to index
        %get3A_1026 = arith.constant 32 : index
        %get3A_1027 = tpu.vector_load %arg10[%get3A_1024, %get3A_1025, %get3A_1026] {strides = array<i32>} : memref<3x32x128xf32, #tpu.memory_space<vmem>>, vector<1x1x16xf32>,
        %get3A_1028 = vector.shape_cast %get3A_1027 : vector<1x1x16xf32> to vector<16xf32>
        %mul3A_1029 = arith.mulf %get3A_1028, %get3A_994 : vector<16xf32>
        %swap3A_1030 = arith.constant 1 : i32
        %swap3A_1031 = arith.index_cast %swap3A_1030 : i32 to index
        %swap3A_1032 = arith.index_cast %scan3A_988 : i32 to index
        %swap3A_1033 = arith.constant 32 : index
        %swap3A_1034 = tpu.vector_load %arg10[%swap3A_1031, %swap3A_1032, %swap3A_1033] {strides = array<i32>} : memref<3x32x128xf32, #tpu.memory_space<vmem>>, vector<1x1x16xf32>,
        %swap3A_1035 = vector.shape_cast %swap3A_1034 : vector<1x1x16xf32> to vector<16xf32>
        %swap3A_1036 = vector.shape_cast %mul3A_1029 : vector<16xf32> to vector<1x1x16xf32>
        tpu.vector_store %arg10[%swap3A_1031, %swap3A_1032, %swap3A_1033], %swap3A_1036 {strides = array<i32>} : memref<3x32x128xf32, #tpu.memory_space<vmem>>, vector<1x1x16xf32>,
        %get3A_1037 = arith.constant 1 : i32
        %get3A_1038 = arith.index_cast %get3A_1037 : i32 to index
        %get3A_1039 = arith.index_cast %scan3A_988 : i32 to index
        %get3A_1040 = arith.constant 48 : index
        %get3A_1041 = tpu.vector_load %arg10[%get3A_1038, %get3A_1039, %get3A_1040] {strides = array<i32>} : memref<3x32x128xf32, #tpu.memory_space<vmem>>, vector<1x1x16xf32>,
        %get3A_1042 = vector.shape_cast %get3A_1041 : vector<1x1x16xf32> to vector<16xf32>
        %mul3A_1043 = arith.mulf %get3A_1042, %get3A_994 : vector<16xf32>
        %swap3A_1044 = arith.constant 1 : i32
        %swap3A_1045 = arith.index_cast %swap3A_1044 : i32 to index
        %swap3A_1046 = arith.index_cast %scan3A_988 : i32 to index
        %swap3A_1047 = arith.constant 48 : index
        %swap3A_1048 = tpu.vector_load %arg10[%swap3A_1045, %swap3A_1046, %swap3A_1047] {strides = array<i32>} : memref<3x32x128xf32, #tpu.memory_space<vmem>>, vector<1x1x16xf32>,
        %swap3A_1049 = vector.shape_cast %swap3A_1048 : vector<1x1x16xf32> to vector<16xf32>
        %swap3A_1050 = vector.shape_cast %mul3A_1043 : vector<16xf32> to vector<1x1x16xf32>
        tpu.vector_store %arg10[%swap3A_1045, %swap3A_1046, %swap3A_1047], %swap3A_1050 {strides = array<i32>} : memref<3x32x128xf32, #tpu.memory_space<vmem>>, vector<1x1x16xf32>,
        %get3A_1051 = arith.constant 1 : i32
        %get3A_1052 = arith.index_cast %get3A_1051 : i32 to index
        %get3A_1053 = arith.index_cast %scan3A_988 : i32 to index
        %get3A_1054 = arith.constant 64 : index
        %get3A_1055 = tpu.vector_load %arg10[%get3A_1052, %get3A_1053, %get3A_1054] {strides = array<i32>} : memref<3x32x128xf32, #tpu.memory_space<vmem>>, vector<1x1x16xf32>,
        %get3A_1056 = vector.shape_cast %get3A_1055 : vector<1x1x16xf32> to vector<16xf32>
        %mul3A_1057 = arith.mulf %get3A_1056, %get3A_994 : vector<16xf32>
        %swap3A_1058 = arith.constant 1 : i32
        %swap3A_1059 = arith.index_cast %swap3A_1058 : i32 to index
        %swap3A_1060 = arith.index_cast %scan3A_988 : i32 to index
        %swap3A_1061 = arith.constant 64 : index
        %swap3A_1062 = tpu.vector_load %arg10[%swap3A_1059, %swap3A_1060, %swap3A_1061] {strides = array<i32>} : memref<3x32x128xf32, #tpu.memory_space<vmem>>, vector<1x1x16xf32>,
        %swap3A_1063 = vector.shape_cast %swap3A_1062 : vector<1x1x16xf32> to vector<16xf32>
        %swap3A_1064 = vector.shape_cast %mul3A_1057 : vector<16xf32> to vector<1x1x16xf32>
        tpu.vector_store %arg10[%swap3A_1059, %swap3A_1060, %swap3A_1061], %swap3A_1064 {strides = array<i32>} : memref<3x32x128xf32, #tpu.memory_space<vmem>>, vector<1x1x16xf32>,
        %get3A_1065 = arith.constant 1 : i32
        %get3A_1066 = arith.index_cast %get3A_1065 : i32 to index
        %get3A_1067 = arith.index_cast %scan3A_988 : i32 to index
        %get3A_1068 = arith.constant 80 : index
        %get3A_1069 = tpu.vector_load %arg10[%get3A_1066, %get3A_1067, %get3A_1068] {strides = array<i32>} : memref<3x32x128xf32, #tpu.memory_space<vmem>>, vector<1x1x16xf32>,
        %get3A_1070 = vector.shape_cast %get3A_1069 : vector<1x1x16xf32> to vector<16xf32>
        %mul3A_1071 = arith.mulf %get3A_1070, %get3A_994 : vector<16xf32>
        %swap3A_1072 = arith.constant 1 : i32
        %swap3A_1073 = arith.index_cast %swap3A_1072 : i32 to index
        %swap3A_1074 = arith.index_cast %scan3A_988 : i32 to index
        %swap3A_1075 = arith.constant 80 : index
        %swap3A_1076 = tpu.vector_load %arg10[%swap3A_1073, %swap3A_1074, %swap3A_1075] {strides = array<i32>} : memref<3x32x128xf32, #tpu.memory_space<vmem>>, vector<1x1x16xf32>,
        %swap3A_1077 = vector.shape_cast %swap3A_1076 : vector<1x1x16xf32> to vector<16xf32>
        %swap3A_1078 = vector.shape_cast %mul3A_1071 : vector<16xf32> to vector<1x1x16xf32>
        tpu.vector_store %arg10[%swap3A_1073, %swap3A_1074, %swap3A_1075], %swap3A_1078 {strides = array<i32>} : memref<3x32x128xf32, #tpu.memory_space<vmem>>, vector<1x1x16xf32>,
        %get3A_1079 = arith.constant 1 : i32
        %get3A_1080 = arith.index_cast %get3A_1079 : i32 to index
        %get3A_1081 = arith.index_cast %scan3A_988 : i32 to index
        %get3A_1082 = arith.constant 96 : index
        %get3A_1083 = tpu.vector_load %arg10[%get3A_1080, %get3A_1081, %get3A_1082] {strides = array<i32>} : memref<3x32x128xf32, #tpu.memory_space<vmem>>, vector<1x1x16xf32>,
        %get3A_1084 = vector.shape_cast %get3A_1083 : vector<1x1x16xf32> to vector<16xf32>
        %mul3A_1085 = arith.mulf %get3A_1084, %get3A_994 : vector<16xf32>
        %swap3A_1086 = arith.constant 1 : i32
        %swap3A_1087 = arith.index_cast %swap3A_1086 : i32 to index
        %swap3A_1088 = arith.index_cast %scan3A_988 : i32 to index
        %swap3A_1089 = arith.constant 96 : index
        %swap3A_1090 = tpu.vector_load %arg10[%swap3A_1087, %swap3A_1088, %swap3A_1089] {strides = array<i32>} : memref<3x32x128xf32, #tpu.memory_space<vmem>>, vector<1x1x16xf32>,
        %swap3A_1091 = vector.shape_cast %swap3A_1090 : vector<1x1x16xf32> to vector<16xf32>
        %swap3A_1092 = vector.shape_cast %mul3A_1085 : vector<16xf32> to vector<1x1x16xf32>
        tpu.vector_store %arg10[%swap3A_1087, %swap3A_1088, %swap3A_1089], %swap3A_1092 {strides = array<i32>} : memref<3x32x128xf32, #tpu.memory_space<vmem>>, vector<1x1x16xf32>,
        %get3A_1093 = arith.constant 1 : i32
        %get3A_1094 = arith.index_cast %get3A_1093 : i32 to index
        %get3A_1095 = arith.index_cast %scan3A_988 : i32 to index
        %get3A_1096 = arith.constant 112 : index
        %get3A_1097 = tpu.vector_load %arg10[%get3A_1094, %get3A_1095, %get3A_1096] {strides = array<i32>} : memref<3x32x128xf32, #tpu.memory_space<vmem>>, vector<1x1x16xf32>,
        %get3A_1098 = vector.shape_cast %get3A_1097 : vector<1x1x16xf32> to vector<16xf32>
        %mul3A_1099 = arith.mulf %get3A_1098, %get3A_994 : vector<16xf32>
        %swap3A_1100 = arith.constant 1 : i32
        %swap3A_1101 = arith.index_cast %swap3A_1100 : i32 to index
        %swap3A_1102 = arith.index_cast %scan3A_988 : i32 to index
        %swap3A_1103 = arith.constant 112 : index
        %swap3A_1104 = tpu.vector_load %arg10[%swap3A_1101, %swap3A_1102, %swap3A_1103] {strides = array<i32>} : memref<3x32x128xf32, #tpu.memory_space<vmem>>, vector<1x1x16xf32>,
        %swap3A_1105 = vector.shape_cast %swap3A_1104 : vector<1x1x16xf32> to vector<16xf32>
        %swap3A_1106 = vector.shape_cast %mul3A_1099 : vector<16xf32> to vector<1x1x16xf32>
        tpu.vector_store %arg10[%swap3A_1101, %swap3A_1102, %swap3A_1103], %swap3A_1106 {strides = array<i32>} : memref<3x32x128xf32, #tpu.memory_space<vmem>>, vector<1x1x16xf32>,
      }
      %scan3A_909 = arith.constant 32 : i32
      %dma_start3A_910 = arith.constant 1 : i32
      %dma_start3A_911 = arith.constant 1 : i32
      %dma_start3A_912 = arith.constant 0 : i32
      %dma_start3A_913 = arith.constant 0 : i32
      %dma_start3A_914 = tpu.memref_slice %arg10[%dma_start3A_910, %dma_start3A_912, %dma_start3A_913] : memref<3x32x128xf32, #tpu.memory_space<vmem>> -> memref<1x32x128xf32, #tpu.memory_space<vmem>>
      %dma_start3A_915 = tpu.memref_squeeze %dma_start3A_914 : memref<1x32x128xf32, #tpu.memory_space<vmem>> -> memref<32x128xf32, #tpu.memory_space<vmem>>
      %dma_start3A_916 = arith.constant 0 : i32
      %dma_start3A_917 = tpu.memref_slice %arg8[%select_n3A_800, %dma_start3A_911, %dma_start3A_916] : memref<2x3x32xi32, #tpu.memory_space<vmem>> -> memref<1x1x32xi32, #tpu.memory_space<vmem>>
      %dma_start3A_918 = tpu.memref_squeeze %dma_start3A_917 : memref<1x1x32xi32, #tpu.memory_space<vmem>> -> memref<32xi32, #tpu.memory_space<vmem>>
      %dma_start3A_919 = arith.constant 0 : i32
      %dma_start3A_920 = arith.constant 0 : i32
      %dma_start3A_921 = tpu.memref_slice %arg12[%dma_start3A_919, %dma_start3A_920] : memref<10240x128xf32, #tpu.memory_space<vmem_shared>> -> memref<10240x128xf32, #tpu.memory_space<vmem_shared>>
      tpu.enqueue_indirect_dma source(%dma_start3A_915 : memref<32x128xf32, #tpu.memory_space<vmem>>) target(%dma_start3A_921 : memref<10240x128xf32, #tpu.memory_space<vmem_shared>>) offsets(%dma_start3A_918 : memref<32xi32, #tpu.memory_space<vmem>>) semaphore(%arg17 : memref<!tpu.dma_semaphore, #tpu.memory_space<semaphore_mem>>) {add = true}
      %dma_wait3A_922 = arith.constant 2 : i32
      %dma_wait3A_923 = arith.constant 2 : i32
      %dma_wait3A_924 = arith.constant 0 : i32
      %dma_wait3A_925 = arith.constant 0 : i32
      %dma_wait3A_926 = tpu.memref_slice %arg10[%dma_wait3A_923, %dma_wait3A_924, %dma_wait3A_925] : memref<3x32x128xf32, #tpu.memory_space<vmem>> -> memref<1x32x128xf32, #tpu.memory_space<vmem>>
      %dma_wait3A_927 = tpu.memref_squeeze %dma_wait3A_926 : memref<1x32x128xf32, #tpu.memory_space<vmem>> -> memref<32x128xf32, #tpu.memory_space<vmem>>
      %dma_wait3A_928 = arith.constant 0 : i32
      %dma_wait3A_929 = tpu.memref_slice %arg7[%select_n3A_800, %dma_wait3A_922, %dma_wait3A_928] : memref<2x3x32xi32, #tpu.memory_space<vmem>> -> memref<1x1x32xi32, #tpu.memory_space<vmem>>
      %dma_wait3A_930 = tpu.memref_squeeze %dma_wait3A_929 : memref<1x1x32xi32, #tpu.memory_space<vmem>> -> memref<32xi32, #tpu.memory_space<vmem>>
      %dma_wait3A_931 = arith.constant 0 : i32
      %dma_wait3A_932 = arith.constant 0 : i32
      %dma_wait3A_933 = tpu.memref_slice %arg2[%dma_wait3A_931, %dma_wait3A_932] : memref<20000x128xf32, #tpu.memory_space<hbm>> -> memref<20000x128xf32, #tpu.memory_space<hbm>>
      tpu.wait_indirect_dma semaphore(%arg15 : memref<!tpu.dma_semaphore, #tpu.memory_space<semaphore_mem>>) src(%dma_wait3A_933 : memref<20000x128xf32, #tpu.memory_space<hbm>>) dst(%dma_wait3A_927 : memref<32x128xf32, #tpu.memory_space<vmem>>)
      %scan3A_934 = arith.constant 0 : i32
      %scan3A_935 = arith.constant 0 : i32
      %scan3A_936 = arith.constant 32 : i32
      %scan3A_937 = arith.addi %scan3A_935, %scan3A_936 : i32
      %scan3A_938 = arith.constant 1 : i32
      scf.for %scan3A_988 = %scan3A_935 to %scan3A_937 step %scan3A_938  : i32 {
        %get3A = arith.constant 2 : i32
        %get3A_989 = arith.index_cast %select_n3A_800 : i32 to index
        %get3A_990 = arith.index_cast %get3A : i32 to index
        %get3A_991 = arith.index_cast %scan3A_988 : i32 to index
        %get3A_992 = arith.constant 0 : index
        %get3A_993 = tpu.vector_load %arg9[%get3A_989, %get3A_990, %get3A_991, %get3A_992] {strides = array<i32>} : memref<2x3x32x16xf32, #tpu.memory_space<vmem>>, vector<1x1x1x16xf32>,
        %get3A_994 = vector.shape_cast %get3A_993 : vector<1x1x1x16xf32> to vector<16xf32>
        %get3A_995 = arith.constant 2 : i32
        %get3A_996 = arith.index_cast %get3A_995 : i32 to index
        %get3A_997 = arith.index_cast %scan3A_988 : i32 to index
        %get3A_998 = arith.constant 0 : index
        %get3A_999 = tpu.vector_load %arg10[%get3A_996, %get3A_997, %get3A_998] {strides = array<i32>} : memref<3x32x128xf32, #tpu.memory_space<vmem>>, vector<1x1x16xf32>,
        %get3A_1000 = vector.shape_cast %get3A_999 : vector<1x1x16xf32> to vector<16xf32>
        %mul3A_1001 = arith.mulf %get3A_1000, %get3A_994 : vector<16xf32>
        %swap3A_1002 = arith.constant 2 : i32
        %swap3A_1003 = arith.index_cast %swap3A_1002 : i32 to index
        %swap3A_1004 = arith.index_cast %scan3A_988 : i32 to index
        %swap3A_1005 = arith.constant 0 : index
        %swap3A_1006 = tpu.vector_load %arg10[%swap3A_1003, %swap3A_1004, %swap3A_1005] {strides = array<i32>} : memref<3x32x128xf32, #tpu.memory_space<vmem>>, vector<1x1x16xf32>,
        %swap3A_1007 = vector.shape_cast %swap3A_1006 : vector<1x1x16xf32> to vector<16xf32>
        %swap3A_1008 = vector.shape_cast %mul3A_1001 : vector<16xf32> to vector<1x1x16xf32>
        tpu.vector_store %arg10[%swap3A_1003, %swap3A_1004, %swap3A_1005], %swap3A_1008 {strides = array<i32>} : memref<3x32x128xf32, #tpu.memory_space<vmem>>, vector<1x1x16xf32>,
        %get3A_1009 = arith.constant 2 : i32
        %get3A_1010 = arith.index_cast %get3A_1009 : i32 to index
        %get3A_1011 = arith.index_cast %scan3A_988 : i32 to index
        %get3A_1012 = arith.constant 16 : index
        %get3A_1013 = tpu.vector_load %arg10[%get3A_1010, %get3A_1011, %get3A_1012] {strides = array<i32>} : memref<3x32x128xf32, #tpu.memory_space<vmem>>, vector<1x1x16xf32>,
        %get3A_1014 = vector.shape_cast %get3A_1013 : vector<1x1x16xf32> to vector<16xf32>
        %mul3A_1015 = arith.mulf %get3A_1014, %get3A_994 : vector<16xf32>
        %swap3A_1016 = arith.constant 2 : i32
        %swap3A_1017 = arith.index_cast %swap3A_1016 : i32 to index
        %swap3A_1018 = arith.index_cast %scan3A_988 : i32 to index
        %swap3A_1019 = arith.constant 16 : index
        %swap3A_1020 = tpu.vector_load %arg10[%swap3A_1017, %swap3A_1018, %swap3A_1019] {strides = array<i32>} : memref<3x32x128xf32, #tpu.memory_space<vmem>>, vector<1x1x16xf32>,
        %swap3A_1021 = vector.shape_cast %swap3A_1020 : vector<1x1x16xf32> to vector<16xf32>
        %swap3A_1022 = vector.shape_cast %mul3A_1015 : vector<16xf32> to vector<1x1x16xf32>
        tpu.vector_store %arg10[%swap3A_1017, %swap3A_1018, %swap3A_1019], %swap3A_1022 {strides = array<i32>} : memref<3x32x128xf32, #tpu.memory_space<vmem>>, vector<1x1x16xf32>,
        %get3A_1023 = arith.constant 2 : i32
        %get3A_1024 = arith.index_cast %get3A_1023 : i32 to index
        %get3A_1025 = arith.index_cast %scan3A_988 : i32 to index
        %get3A_1026 = arith.constant 32 : index
        %get3A_1027 = tpu.vector_load %arg10[%get3A_1024, %get3A_1025, %get3A_1026] {strides = array<i32>} : memref<3x32x128xf32, #tpu.memory_space<vmem>>, vector<1x1x16xf32>,
        %get3A_1028 = vector.shape_cast %get3A_1027 : vector<1x1x16xf32> to vector<16xf32>
        %mul3A_1029 = arith.mulf %get3A_1028, %get3A_994 : vector<16xf32>
        %swap3A_1030 = arith.constant 2 : i32
        %swap3A_1031 = arith.index_cast %swap3A_1030 : i32 to index
        %swap3A_1032 = arith.index_cast %scan3A_988 : i32 to index
        %swap3A_1033 = arith.constant 32 : index
        %swap3A_1034 = tpu.vector_load %arg10[%swap3A_1031, %swap3A_1032, %swap3A_1033] {strides = array<i32>} : memref<3x32x128xf32, #tpu.memory_space<vmem>>, vector<1x1x16xf32>,
        %swap3A_1035 = vector.shape_cast %swap3A_1034 : vector<1x1x16xf32> to vector<16xf32>
        %swap3A_1036 = vector.shape_cast %mul3A_1029 : vector<16xf32> to vector<1x1x16xf32>
        tpu.vector_store %arg10[%swap3A_1031, %swap3A_1032, %swap3A_1033], %swap3A_1036 {strides = array<i32>} : memref<3x32x128xf32, #tpu.memory_space<vmem>>, vector<1x1x16xf32>,
        %get3A_1037 = arith.constant 2 : i32
        %get3A_1038 = arith.index_cast %get3A_1037 : i32 to index
        %get3A_1039 = arith.index_cast %scan3A_988 : i32 to index
        %get3A_1040 = arith.constant 48 : index
        %get3A_1041 = tpu.vector_load %arg10[%get3A_1038, %get3A_1039, %get3A_1040] {strides = array<i32>} : memref<3x32x128xf32, #tpu.memory_space<vmem>>, vector<1x1x16xf32>,
        %get3A_1042 = vector.shape_cast %get3A_1041 : vector<1x1x16xf32> to vector<16xf32>
        %mul3A_1043 = arith.mulf %get3A_1042, %get3A_994 : vector<16xf32>
        %swap3A_1044 = arith.constant 2 : i32
        %swap3A_1045 = arith.index_cast %swap3A_1044 : i32 to index
        %swap3A_1046 = arith.index_cast %scan3A_988 : i32 to index
        %swap3A_1047 = arith.constant 48 : index
        %swap3A_1048 = tpu.vector_load %arg10[%swap3A_1045, %swap3A_1046, %swap3A_1047] {strides = array<i32>} : memref<3x32x128xf32, #tpu.memory_space<vmem>>, vector<1x1x16xf32>,
        %swap3A_1049 = vector.shape_cast %swap3A_1048 : vector<1x1x16xf32> to vector<16xf32>
        %swap3A_1050 = vector.shape_cast %mul3A_1043 : vector<16xf32> to vector<1x1x16xf32>
        tpu.vector_store %arg10[%swap3A_1045, %swap3A_1046, %swap3A_1047], %swap3A_1050 {strides = array<i32>} : memref<3x32x128xf32, #tpu.memory_space<vmem>>, vector<1x1x16xf32>,
        %get3A_1051 = arith.constant 2 : i32
        %get3A_1052 = arith.index_cast %get3A_1051 : i32 to index
        %get3A_1053 = arith.index_cast %scan3A_988 : i32 to index
        %get3A_1054 = arith.constant 64 : index
        %get3A_1055 = tpu.vector_load %arg10[%get3A_1052, %get3A_1053, %get3A_1054] {strides = array<i32>} : memref<3x32x128xf32, #tpu.memory_space<vmem>>, vector<1x1x16xf32>,
        %get3A_1056 = vector.shape_cast %get3A_1055 : vector<1x1x16xf32> to vector<16xf32>
        %mul3A_1057 = arith.mulf %get3A_1056, %get3A_994 : vector<16xf32>
        %swap3A_1058 = arith.constant 2 : i32
        %swap3A_1059 = arith.index_cast %swap3A_1058 : i32 to index
        %swap3A_1060 = arith.index_cast %scan3A_988 : i32 to index
        %swap3A_1061 = arith.constant 64 : index
        %swap3A_1062 = tpu.vector_load %arg10[%swap3A_1059, %swap3A_1060, %swap3A_1061] {strides = array<i32>} : memref<3x32x128xf32, #tpu.memory_space<vmem>>, vector<1x1x16xf32>,
        %swap3A_1063 = vector.shape_cast %swap3A_1062 : vector<1x1x16xf32> to vector<16xf32>
        %swap3A_1064 = vector.shape_cast %mul3A_1057 : vector<16xf32> to vector<1x1x16xf32>
        tpu.vector_store %arg10[%swap3A_1059, %swap3A_1060, %swap3A_1061], %swap3A_1064 {strides = array<i32>} : memref<3x32x128xf32, #tpu.memory_space<vmem>>, vector<1x1x16xf32>,
        %get3A_1065 = arith.constant 2 : i32
        %get3A_1066 = arith.index_cast %get3A_1065 : i32 to index
        %get3A_1067 = arith.index_cast %scan3A_988 : i32 to index
        %get3A_1068 = arith.constant 80 : index
        %get3A_1069 = tpu.vector_load %arg10[%get3A_1066, %get3A_1067, %get3A_1068] {strides = array<i32>} : memref<3x32x128xf32, #tpu.memory_space<vmem>>, vector<1x1x16xf32>,
        %get3A_1070 = vector.shape_cast %get3A_1069 : vector<1x1x16xf32> to vector<16xf32>
        %mul3A_1071 = arith.mulf %get3A_1070, %get3A_994 : vector<16xf32>
        %swap3A_1072 = arith.constant 2 : i32
        %swap3A_1073 = arith.index_cast %swap3A_1072 : i32 to index
        %swap3A_1074 = arith.index_cast %scan3A_988 : i32 to index
        %swap3A_1075 = arith.constant 80 : index
        %swap3A_1076 = tpu.vector_load %arg10[%swap3A_1073, %swap3A_1074, %swap3A_1075] {strides = array<i32>} : memref<3x32x128xf32, #tpu.memory_space<vmem>>, vector<1x1x16xf32>,
        %swap3A_1077 = vector.shape_cast %swap3A_1076 : vector<1x1x16xf32> to vector<16xf32>
        %swap3A_1078 = vector.shape_cast %mul3A_1071 : vector<16xf32> to vector<1x1x16xf32>
        tpu.vector_store %arg10[%swap3A_1073, %swap3A_1074, %swap3A_1075], %swap3A_1078 {strides = array<i32>} : memref<3x32x128xf32, #tpu.memory_space<vmem>>, vector<1x1x16xf32>,
        %get3A_1079 = arith.constant 2 : i32
        %get3A_1080 = arith.index_cast %get3A_1079 : i32 to index
        %get3A_1081 = arith.index_cast %scan3A_988 : i32 to index
        %get3A_1082 = arith.constant 96 : index
        %get3A_1083 = tpu.vector_load %arg10[%get3A_1080, %get3A_1081, %get3A_1082] {strides = array<i32>} : memref<3x32x128xf32, #tpu.memory_space<vmem>>, vector<1x1x16xf32>,
        %get3A_1084 = vector.shape_cast %get3A_1083 : vector<1x1x16xf32> to vector<16xf32>
        %mul3A_1085 = arith.mulf %get3A_1084, %get3A_994 : vector<16xf32>
        %swap3A_1086 = arith.constant 2 : i32
        %swap3A_1087 = arith.index_cast %swap3A_1086 : i32 to index
        %swap3A_1088 = arith.index_cast %scan3A_988 : i32 to index
        %swap3A_1089 = arith.constant 96 : index
        %swap3A_1090 = tpu.vector_load %arg10[%swap3A_1087, %swap3A_1088, %swap3A_1089] {strides = array<i32>} : memref<3x32x128xf32, #tpu.memory_space<vmem>>, vector<1x1x16xf32>,
        %swap3A_1091 = vector.shape_cast %swap3A_1090 : vector<1x1x16xf32> to vector<16xf32>
        %swap3A_1092 = vector.shape_cast %mul3A_1085 : vector<16xf32> to vector<1x1x16xf32>
        tpu.vector_store %arg10[%swap3A_1087, %swap3A_1088, %swap3A_1089], %swap3A_1092 {strides = array<i32>} : memref<3x32x128xf32, #tpu.memory_space<vmem>>, vector<1x1x16xf32>,
        %get3A_1093 = arith.constant 2 : i32
        %get3A_1094 = arith.index_cast %get3A_1093 : i32 to index
        %get3A_1095 = arith.index_cast %scan3A_988 : i32 to index
        %get3A_1096 = arith.constant 112 : index
        %get3A_1097 = tpu.vector_load %arg10[%get3A_1094, %get3A_1095, %get3A_1096] {strides = array<i32>} : memref<3x32x128xf32, #tpu.memory_space<vmem>>, vector<1x1x16xf32>,
        %get3A_1098 = vector.shape_cast %get3A_1097 : vector<1x1x16xf32> to vector<16xf32>
        %mul3A_1099 = arith.mulf %get3A_1098, %get3A_994 : vector<16xf32>
        %swap3A_1100 = arith.constant 2 : i32
        %swap3A_1101 = arith.index_cast %swap3A_1100 : i32 to index
        %swap3A_1102 = arith.index_cast %scan3A_988 : i32 to index
        %swap3A_1103 = arith.constant 112 : index
        %swap3A_1104 = tpu.vector_load %arg10[%swap3A_1101, %swap3A_1102, %swap3A_1103] {strides = array<i32>} : memref<3x32x128xf32, #tpu.memory_space<vmem>>, vector<1x1x16xf32>,
        %swap3A_1105 = vector.shape_cast %swap3A_1104 : vector<1x1x16xf32> to vector<16xf32>
        %swap3A_1106 = vector.shape_cast %mul3A_1099 : vector<16xf32> to vector<1x1x16xf32>
        tpu.vector_store %arg10[%swap3A_1101, %swap3A_1102, %swap3A_1103], %swap3A_1106 {strides = array<i32>} : memref<3x32x128xf32, #tpu.memory_space<vmem>>, vector<1x1x16xf32>,
      }
      %scan3A_939 = arith.constant 32 : i32
      %dma_start3A_940 = arith.constant 2 : i32
      %dma_start3A_941 = arith.constant 2 : i32
      %dma_start3A_942 = arith.constant 0 : i32
      %dma_start3A_943 = arith.constant 0 : i32
      %dma_start3A_944 = tpu.memref_slice %arg10[%dma_start3A_940, %dma_start3A_942, %dma_start3A_943] : memref<3x32x128xf32, #tpu.memory_space<vmem>> -> memref<1x32x128xf32, #tpu.memory_space<vmem>>
      %dma_start3A_945 = tpu.memref_squeeze %dma_start3A_944 : memref<1x32x128xf32, #tpu.memory_space<vmem>> -> memref<32x128xf32, #tpu.memory_space<vmem>>
      %dma_start3A_946 = arith.constant 0 : i32
      %dma_start3A_947 = tpu.memref_slice %arg8[%select_n3A_800, %dma_start3A_941, %dma_start3A_946] : memref<2x3x32xi32, #tpu.memory_space<vmem>> -> memref<1x1x32xi32, #tpu.memory_space<vmem>>
      %dma_start3A_948 = tpu.memref_squeeze %dma_start3A_947 : memref<1x1x32xi32, #tpu.memory_space<vmem>> -> memref<32xi32, #tpu.memory_space<vmem>>
      %dma_start3A_949 = arith.constant 0 : i32
      %dma_start3A_950 = arith.constant 0 : i32
      %dma_start3A_951 = tpu.memref_slice %arg12[%dma_start3A_949, %dma_start3A_950] : memref<10240x128xf32, #tpu.memory_space<vmem_shared>> -> memref<10240x128xf32, #tpu.memory_space<vmem_shared>>
      tpu.enqueue_indirect_dma source(%dma_start3A_945 : memref<32x128xf32, #tpu.memory_space<vmem>>) target(%dma_start3A_951 : memref<10240x128xf32, #tpu.memory_space<vmem_shared>>) offsets(%dma_start3A_948 : memref<32xi32, #tpu.memory_space<vmem>>) semaphore(%arg18 : memref<!tpu.dma_semaphore, #tpu.memory_space<semaphore_mem>>) {add = true}
      %dma_wait3A_952 = arith.constant 0 : i32
      %dma_wait3A_953 = arith.constant 0 : i32
      %dma_wait3A_954 = arith.constant 0 : i32
      %dma_wait3A_955 = arith.constant 0 : i32
      %dma_wait3A_956 = tpu.memref_slice %arg10[%dma_wait3A_952, %dma_wait3A_954, %dma_wait3A_955] : memref<3x32x128xf32, #tpu.memory_space<vmem>> -> memref<1x32x128xf32, #tpu.memory_space<vmem>>
      %dma_wait3A_957 = tpu.memref_squeeze %dma_wait3A_956 : memref<1x32x128xf32, #tpu.memory_space<vmem>> -> memref<32x128xf32, #tpu.memory_space<vmem>>
      %dma_wait3A_958 = arith.constant 0 : i32
      %dma_wait3A_959 = tpu.memref_slice %arg8[%select_n3A_800, %dma_wait3A_953, %dma_wait3A_958] : memref<2x3x32xi32, #tpu.memory_space<vmem>> -> memref<1x1x32xi32, #tpu.memory_space<vmem>>
      %dma_wait3A_960 = tpu.memref_squeeze %dma_wait3A_959 : memref<1x1x32xi32, #tpu.memory_space<vmem>> -> memref<32xi32, #tpu.memory_space<vmem>>
      %dma_wait3A_961 = arith.constant 0 : i32
      %dma_wait3A_962 = arith.constant 0 : i32
      %dma_wait3A_963 = tpu.memref_slice %arg12[%dma_wait3A_961, %dma_wait3A_962] : memref<10240x128xf32, #tpu.memory_space<vmem_shared>> -> memref<10240x128xf32, #tpu.memory_space<vmem_shared>>
      tpu.wait_indirect_dma semaphore(%arg16 : memref<!tpu.dma_semaphore, #tpu.memory_space<semaphore_mem>>) src(%dma_wait3A_957 : memref<32x128xf32, #tpu.memory_space<vmem>>) dst(%dma_wait3A_963 : memref<10240x128xf32, #tpu.memory_space<vmem_shared>>)
      %dma_wait3A_964 = arith.constant 1 : i32
      %dma_wait3A_965 = arith.constant 1 : i32
      %dma_wait3A_966 = arith.constant 0 : i32
      %dma_wait3A_967 = arith.constant 0 : i32
      %dma_wait3A_968 = tpu.memref_slice %arg10[%dma_wait3A_964, %dma_wait3A_966, %dma_wait3A_967] : memref<3x32x128xf32, #tpu.memory_space<vmem>> -> memref<1x32x128xf32, #tpu.memory_space<vmem>>
      %dma_wait3A_969 = tpu.memref_squeeze %dma_wait3A_968 : memref<1x32x128xf32, #tpu.memory_space<vmem>> -> memref<32x128xf32, #tpu.memory_space<vmem>>
      %dma_wait3A_970 = arith.constant 0 : i32
      %dma_wait3A_971 = tpu.memref_slice %arg8[%select_n3A_800, %dma_wait3A_965, %dma_wait3A_970] : memref<2x3x32xi32, #tpu.memory_space<vmem>> -> memref<1x1x32xi32, #tpu.memory_space<vmem>>
      %dma_wait3A_972 = tpu.memref_squeeze %dma_wait3A_971 : memref<1x1x32xi32, #tpu.memory_space<vmem>> -> memref<32xi32, #tpu.memory_space<vmem>>
      %dma_wait3A_973 = arith.constant 0 : i32
      %dma_wait3A_974 = arith.constant 0 : i32
      %dma_wait3A_975 = tpu.memref_slice %arg12[%dma_wait3A_973, %dma_wait3A_974] : memref<10240x128xf32, #tpu.memory_space<vmem_shared>> -> memref<10240x128xf32, #tpu.memory_space<vmem_shared>>
      tpu.wait_indirect_dma semaphore(%arg17 : memref<!tpu.dma_semaphore, #tpu.memory_space<semaphore_mem>>) src(%dma_wait3A_969 : memref<32x128xf32, #tpu.memory_space<vmem>>) dst(%dma_wait3A_975 : memref<10240x128xf32, #tpu.memory_space<vmem_shared>>)
      %dma_wait3A_976 = arith.constant 2 : i32
      %dma_wait3A_977 = arith.constant 2 : i32
      %dma_wait3A_978 = arith.constant 0 : i32
      %dma_wait3A_979 = arith.constant 0 : i32
      %dma_wait3A_980 = tpu.memref_slice %arg10[%dma_wait3A_976, %dma_wait3A_978, %dma_wait3A_979] : memref<3x32x128xf32, #tpu.memory_space<vmem>> -> memref<1x32x128xf32, #tpu.memory_space<vmem>>
      %dma_wait3A_981 = tpu.memref_squeeze %dma_wait3A_980 : memref<1x32x128xf32, #tpu.memory_space<vmem>> -> memref<32x128xf32, #tpu.memory_space<vmem>>
      %dma_wait3A_982 = arith.constant 0 : i32
      %dma_wait3A_983 = tpu.memref_slice %arg8[%select_n3A_800, %dma_wait3A_977, %dma_wait3A_982] : memref<2x3x32xi32, #tpu.memory_space<vmem>> -> memref<1x1x32xi32, #tpu.memory_space<vmem>>
      %dma_wait3A_984 = tpu.memref_squeeze %dma_wait3A_983 : memref<1x1x32xi32, #tpu.memory_space<vmem>> -> memref<32xi32, #tpu.memory_space<vmem>>
      %dma_wait3A_985 = arith.constant 0 : i32
      %dma_wait3A_986 = arith.constant 0 : i32
      %dma_wait3A_987 = tpu.memref_slice %arg12[%dma_wait3A_985, %dma_wait3A_986] : memref<10240x128xf32, #tpu.memory_space<vmem_shared>> -> memref<10240x128xf32, #tpu.memory_space<vmem_shared>>
      tpu.wait_indirect_dma semaphore(%arg18 : memref<!tpu.dma_semaphore, #tpu.memory_space<semaphore_mem>>) src(%dma_wait3A_981 : memref<32x128xf32, #tpu.memory_space<vmem>>) dst(%dma_wait3A_987 : memref<10240x128xf32, #tpu.memory_space<vmem_shared>>)
    }
    %scan3A_784 = arith.constant 105 : i32
    %barrier3A_785 = arith.constant 0 : index
    tpu.barrier barrier_id(%barrier3A_785)
    %scan3A_786 = arith.constant 0 : i32
    %scan3A_787 = arith.constant 0 : i32
    %scan3A_788 = arith.constant 40 : i32
    %scan3A_789 = arith.addi %scan3A_787, %scan3A_788 : i32
    %scan3A_790 = arith.constant 1 : i32
    scf.for %scan3A_792 = %scan3A_787 to %scan3A_789 step %scan3A_790  : i32 {
      %mul3A_793 = arith.constant 16 : i32
      %mul3A_794 = arith.muli %scan3A_792, %mul3A_793 : i32
      %add3A = arith.addi %mul3A_0, %mul3A_794 : i32
      %mul3A_795 = arith.constant 16 : i32
      %mul3A_796 = arith.muli %scan3A_792, %mul3A_795 : i32
      %add3A_797 = arith.addi %mul3A_0, %mul3A_796 : i32
      "tpu.region"() ({
        %run_scoped3A_798 = tpu.sem_alloc : memref<!tpu.dma_semaphore, #tpu.memory_space<semaphore_mem>>
        %dma_start3A = arith.constant 0 : i32
        %dma_start3A_799 = tpu.memref_slice %arg6[%arg0, %add3A_797, %dma_start3A] : memref<2x10240x128xf32, #tpu.memory_space<hbm>> -> memref<1x16x128xf32, #tpu.memory_space<hbm>>
        %dma_start3A_800 = tpu.memref_squeeze %dma_start3A_799 : memref<1x16x128xf32, #tpu.memory_space<hbm>> -> memref<16x128xf32, #tpu.memory_space<hbm>>
        %dma_start3A_801 = arith.constant 0 : i32
        %dma_start3A_802 = tpu.memref_slice %arg12[%add3A, %dma_start3A_801] : memref<10240x128xf32, #tpu.memory_space<vmem_shared>> -> memref<16x128xf32, #tpu.memory_space<vmem_shared>>
        tpu.enqueue_dma source(%dma_start3A_802 : memref<16x128xf32, #tpu.memory_space<vmem_shared>>) target(%dma_start3A_800 : memref<16x128xf32, #tpu.memory_space<hbm>>) target_semaphore(%run_scoped3A_798 : memref<!tpu.dma_semaphore, #tpu.memory_space<semaphore_mem>>)
        %dma_wait3A = arith.constant 0 : i32
        %dma_wait3A_803 = tpu.memref_slice %arg6[%arg0, %add3A_797, %dma_wait3A] : memref<2x10240x128xf32, #tpu.memory_space<hbm>> -> memref<1x16x128xf32, #tpu.memory_space<hbm>>
        %dma_wait3A_804 = tpu.memref_squeeze %dma_wait3A_803 : memref<1x16x128xf32, #tpu.memory_space<hbm>> -> memref<16x128xf32, #tpu.memory_space<hbm>>
        %dma_wait3A_805 = arith.constant 0 : i32
        %dma_wait3A_806 = tpu.memref_slice %arg12[%add3A, %dma_wait3A_805] : memref<10240x128xf32, #tpu.memory_space<vmem_shared>> -> memref<16x128xf32, #tpu.memory_space<vmem_shared>>
        tpu.wait_dma2 semaphore(%run_scoped3A_798 : memref<!tpu.dma_semaphore, #tpu.memory_space<semaphore_mem>>) src(%dma_wait3A_806 : memref<16x128xf32, #tpu.memory_space<vmem_shared>>) dst(%dma_wait3A_804 : memref<16x128xf32, #tpu.memory_space<hbm>>)
        tpu.yield
      }) : () -> ()
    }
    %scan3A_791 = arith.constant 40 : i32
    return
  }
}

</mosaic_0001>

<sc_bundles>
// kernel: _sc_segment.3.cloned.1.call-start
scs
__scs_entry_jumppad:
0x0: {  	(pc) =	sbr.rel $0x88, $3  }
0x1: {  	(tag) =	ssettag $0x0;
	lr =	simm.s32 $0x1  }
0x2: {  	[smem:$0x3F9D] =	sst lr;
	_ =	strace $0xD0000000  }
0x3: {  	_ = 	snop  }
0x4: {  	_ = 	snop  }
0x5: {  	_ = 	snop  }
0x6: {  	_ = 	snop  }
0x7: {  	_ = 	snop  }
__scs_overlays_trampoline_lowered:
0x8: {  	[smem:$0x3FAC] =	sst s0  }
0x9: {  	[smem:$0x3FAD] =	sst s1  }
0xa: {  	[smem:$0x3FAE] =	sst s2  }
0xb: {  	[smem:$0x3FAF] =	sst s3  }
0xc: {  	[smem:$0x3FB0] =	sst s4  }
0xd: {  	[smem:$0x3FB1] =	sst s5  }
0xe: {  	[smem:$0x3FB2] =	sst s6  }
0xf: {  	[smem:$0x3FB3] =	sst s7  }
0x10: {  	[smem:$0x3FB4] =	sst s8  }
0x11: {  	[smem:$0x3FB5] =	sst s9;
	s0 =	simm.s32 @!p0 $0x0  }
0x12: {  	s1 =	sld [smem:$0x3F9B];
	s0 =	simm.s32 @p0 $0x1  }
0x13: {  	[smem:$0x3FB6] =	sst s0;
	s0 =	simm.s32 @!p1 $0x0  }
0x14: {  	s2 =	sld [smem:$0x3F9A];
	s0 =	simm.s32 @p1 $0x1  }
0x15: {  	[smem:$0x3FB7] =	sst s0;
	s0 =	simm.s32 @!p2 $0x0  }
0x16: {  	s3 =	sld [smem:$0x3FDB];
	s0 =	simm.s32 @p2 $0x1  }
0x17: {  	s4 =	simm.s32 $0x1BF5;
	[smem:$0x3FB9] =	sst s0  }
0x18: {  	s0 =	sld [smem:$0x3F9C];
	_ =	swait.ge [sflag:s4], $0x0  }
0x19: {  	s7 =	sld [smem:$0x3F9D]  }
0x1a: {  	s8 =	sadd.s32 $0xFFFFE003, lr  }
0x1b: {  	s9 =	sadd.s32 $0xFFFFFEF7, lr;
	s5 =	simm.s32 $0xFFFFFFFF;
	p2 =	slt.u32 s8, $0xFFFFF086  }
0x1c: {  	p1 =	slt.u32 s9, $0xF7A;
	s5 =	simm.s32 @!p2 $0x0  }
0x1d: {  	s5 =	simm.s32 @p1 $0x1;
	p0 =	seq.s32 s7, s2  }
0x1e: {  	s7 =	smul.u32 @!p0 $0xF7A, s2;
	p2 =	seq.s32 @!p0 s5, $0x0  }
0x1f: {  	s9 =	smul.u32 $0xF7A, s1;
	s8 =	simm.s32 @!p0 $0x1BF5;
	p2 =	por !p2, p0  }
0x20: {  	[sflag:s8] =	ssyncset.s32 @!p0 $0xFFFFF086;
	s6 =	sadd.s32 @!p0 s3, s7;
	s7 =	simm.s32 @!p0 $0x108  }
0x21: {  	s3 =	sadd.s32 s3, s9;
	s6 =	sadd.s32 @!p0 $0x88, s6;
	s7 =	simm.s32 @p2 $0x1082  }
0x22: {  	[simem:s7], [sflag:s8] =	dma.local @!p0 [hbm:s6], $0xF7A  }
0x23: {  	s9 =	sor.u32 $0xD0000000, s2;
	s6 =	simm.s32 $0x108;
	_ =	swait.ge @!p0 [sflag:s8], $0x0  }
0x24: {  	s3 =	sadd.s32 $0x88, s3;
	s6 =	simm.s32 @!p1 $0x1082;
	[sflag:s4] =	ssyncset.s32 $0xFFFFF086  }
0x25: {  	[simem:s6], [sflag:s4] =	dma.local [hbm:s3], $0xF7A  }
0x26: {  	[smem:$0x3F9D] =	sst s1;
	(tag) =	ssettag s2;
	_ =	strace s9  }
0x27: {  	s1 =	sld [smem:$0x3FAD]  }
0x28: {  	s2 =	sld [smem:$0x3FAE]  }
0x29: {  	s4 =	sld [smem:$0x3FB0]  }
0x2a: {  	p0 =	seq.s32 s5, $0x0;
	s5 =	sld [smem:$0x3FB1]  }
0x2b: {  	s6 =	sld [smem:$0x3FB2]  }
0x2c: {  	s7 =	sld [smem:$0x3FB3]  }
0x2d: {  	s3 =	simm.s32 $0x108;
	s8 =	sld [smem:$0x3FB4]  }
0x2e: {  	s3 =	simm.s32 @!p0 $0x1082;
	s9 =	sld [smem:$0x3FB5]  }
0x2f: {  	lr =	sadd.s32 s0, s3;
	s0 =	sld [smem:$0x3FAC]  }
0x30: {  	s3 =	sld [smem:$0x3FAF]  }
0x31: {  	[smem:$0x3FB8] =	sst s10  }
0x32: {  	s10 =	sld [smem:$0x3FB6];
	_ =	sdelay $0x3  }
0x33: {  	p0 =	seq.s32 s10, $0x1;
	s10 =	sld [smem:$0x3FB8];
	_ =	sdelay $0x3  }
0x34: {  	[smem:$0x3FB8] =	sst s10  }
0x35: {  	s10 =	sld [smem:$0x3FB7];
	_ =	sdelay $0x3  }
0x36: {  	p1 =	seq.s32 s10, $0x1;
	s10 =	sld [smem:$0x3FB8];
	_ =	sdelay $0x3  }
0x37: {  	[smem:$0x3FB8] =	sst s10  }
0x38: {  	s10 =	sld [smem:$0x3FB9]  }
0x39: {  	_ = 	snop;
	(pc) =	sbr.ind lr, $3  }
0x3a: {  	_ = 	snop  }
0x3b: {  	_ = 	snop  }
0x3c: {  	p2 =	seq.s32 s10, $0x1;
	s10 =	sld [smem:$0x3FB8]  }
0x3d: {  	_ =	shalt  }
0x3e: {  	_ =	shalt  }
0x3f: {  	_ =	shalt  }
0x40: {  	_ =	shalt  }
0x41: {  	_ =	shalt  }
0x42: {  	_ =	shalt  }
0x43: {  	_ =	shalt  }
0x44: {  	_ =	shalt  }
0x45: {  	_ =	shalt  }
0x46: {  	_ =	shalt  }
0x47: {  	_ =	shalt  }
0x48: {  	_ =	shalt  }
0x49: {  	_ =	shalt  }
0x4a: {  	_ =	shalt  }
0x4b: {  	_ =	shalt  }
0x4c: {  	_ =	shalt  }
0x4d: {  	_ =	shalt  }
0x4e: {  	_ =	shalt  }
0x4f: {  	_ =	shalt  }
0x50: {  	_ =	shalt  }
0x51: {  	_ =	shalt  }
0x52: {  	_ =	shalt  }
0x53: {  	_ =	shalt  }
0x54: {  	_ =	shalt  }
0x55: {  	_ =	shalt  }
0x56: {  	_ =	shalt  }
0x57: {  	_ =	shalt  }
0x58: {  	_ =	shalt  }
0x59: {  	_ =	shalt  }
0x5a: {  	_ =	shalt  }
0x5b: {  	_ =	shalt  }
0x5c: {  	_ =	shalt  }
0x5d: {  	_ =	shalt  }
0x5e: {  	_ =	shalt  }
0x5f: {  	_ =	shalt  }
0x60: {  	_ =	shalt  }
0x61: {  	_ =	shalt  }
0x62: {  	_ =	shalt  }
0x63: {  	_ =	shalt  }
0x64: {  	_ =	shalt  }
0x65: {  	_ =	shalt  }
0x66: {  	_ =	shalt  }
0x67: {  	_ =	shalt  }
0x68: {  	_ =	shalt  }
0x69: {  	_ =	shalt  }
0x6a: {  	_ =	shalt  }
0x6b: {  	_ =	shalt  }
0x6c: {  	_ =	shalt  }
0x6d: {  	_ =	shalt  }
0x6e: {  	_ =	shalt  }
0x6f: {  	_ =	shalt  }
0x70: {  	_ =	shalt  }
0x71: {  	_ =	shalt  }
0x72: {  	_ =	shalt  }
0x73: {  	_ =	shalt  }
0x74: {  	_ =	shalt  }
0x75: {  	_ =	shalt  }
0x76: {  	_ =	shalt  }
0x77: {  	_ =	shalt  }
0x78: {  	_ =	shalt  }
0x79: {  	_ =	shalt  }
0x7a: {  	_ =	shalt  }
0x7b: {  	_ =	shalt  }
0x7c: {  	_ =	shalt  }
0x7d: {  	_ =	shalt  }
0x7e: {  	_ =	shalt  }
0x7f: {  	_ =	shalt  }
0x80: {  	_ =	shalt  }
0x81: {  	_ =	shalt  }
0x82: {  	_ =	shalt  }
0x83: {  	_ =	shalt  }
0x84: {  	_ =	shalt  }
0x85: {  	_ =	shalt  }
0x86: {  	_ =	shalt  }
0x87: {  	_ =	shalt  }
.Lfunc_end0:
.L_simem_size_0:
called_computation_lowered:
.L_overlay_start_0:
0x88: {  	s2 =	sld [smem:$0x3FD9]  }
0x89: {  	s3 =	sld [smem:$0x3FFE];
	_ =	sdelay $0x1  }
0x8a: {  	s1 =	srdreg.scid  }
0x8b: {  	s0 =	sand.u32 $0x1, s1  }
0x8c: {  	s17 =	sshll.u32 s0, $0xA;
	s2 =	sadd.s32 s3, s2  }
0x8d: {  	s2 =	sadd.s32 s2, s17  }
0x8e: {  	[smem:$0x3FC4] =	sst s2  }
0x8f: {  	_ = 	snop  }
0x90: {  	s2 =	sld [smem:$0x3FC9]  }
0x91: {  	s18 =	sld [smem:$0x3FD0];
	(tm) =	ssettm $0x1  }
0x92: {  	s4 =	sld [smem:$0x3FFB];
	_ =	sdelay $0x3  }
0x93: {  	_ =	strace s4  }
0x94: {  	s4 =	sld [smem:$0x3FFC];
	_ =	sdelay $0x3  }
0x95: {  	_ =	strace s4  }
0x96: {  	s4 =	sld [smem:$0x3FFD];
	_ =	sdelay $0x3  }
0x97: {  	_ =	strace s4  }
0x98: {  	_ =	strace $0x8FFFFFFF  }
0x99: {  	s19 =	sld [smem:$0x3FDB];
	_ =	sdelay $0x1  }
0x9a: {  	s5 =	simm.s32 $_scs_section_size  }
0x9b: {  	s6 =	simm.s32 $_size__tile_overlayer_lowered;
	s7 =	simm.s32 $_tile_overlayer_lowered  }
0x9c: {  	s22 =	simm.s32 $0x1BFF;
	s21 =	sshll.u32 s7, $0x1;
	s4 =	sadd.s32 s5, s19  }
0x9d: {  	s8 =	simm.s32 $0x0;
	s20 =	sshll.u32 s6, $0x1;
	s6 =	sadd.s32 s21, s4  }
0x9e: {  	[timem:s8], [sflag:s22] =	dma.local [hbm:s6], s20  }
0x9f: {  	_ =	swait.ge [sflag:s22], s20  }
0xa0: {  	s5 =	ssub.s32 $0x0, s20;
	[sflag:s22] =	ssyncset.done $0x0  }
0xa1: {  	[sflag:s22] =	ssyncadd.s32 s5;
	_ =	sdelay $0x1  }
0xa2: {  	s23 =	simm.s32 $0x1B8B  }
0xa3: {  	_ =	swait.ge [sflag:s23], $0x1  }
0xa4: {  	[sflag:s23] =	ssyncset.done $0x0  }
0xa5: {  	s25 =	simm.s32 $0x1B8E;
	s24 =	sld [smem:$0x3FFE];
	[sflag:s23] =	ssyncadd.s32 $0xFFFFFFFF  }
0xa6: {  	s26 =	simm.s32 $execute0_lowered;
	[smem:$0x3FD2] =	sst s25  }
0xa7: {  	s6 =	sshll.u32 s26, $0x1;
	_ =	strace $0x80000046;
	[dreg:$0x1] =	wrdreg $0xFFFFFFFF  }
0xa8: {  	s28 =	simm.s32 $_size_execute0_lowered;
	s4 =	sadd.s32 s4, s6;
	[dreg:$0x0] =	wrdreg $0x0  }
0xa9: {  	s6 =	sshll.u32 s28, $0x1;
	[dreg:$0x2] =	wrdreg s4  }
0xaa: {  	[dreg:$0x3] =	wrdreg s6  }
0xab: {  	[dreg:$0x4] =	wrdreg $0xC0  }
0xac: {  	_ =	task [dreg:s8], $0x5FFFF  }
0xad: {  	[dreg:$0x1] =	wrdreg $0xFFFFFFFF  }
0xae: {  	[dreg:$0x0] =	wrdreg $0x60  }
0xaf: {  	[dreg:$0x2] =	wrdreg s2  }
0xb0: {  	[dreg:$0x3] =	wrdreg s24  }
0xb1: {  	[dreg:$0x4] =	wrdreg s18  }
0xb2: {  	[dreg:$0x5] =	wrdreg $0xA0000  }
0xb3: {  	[dreg:$0x6] =	wrdreg $0x9  }
0xb4: {  	_ =	task.clear_ibuf [dreg:s8], $0x7FFFF;
	_ =	strace $0x90000046  }
0xb5: {  	s29 =	simm.s32 $0x9;
	_ =	strace $0x80000048  }
0xb6: {  	_ =	swait.ge [sflag:s29], $0x1  }
0xb7: {  	[sflag:s29] =	ssyncadd.s32 $0xFFFFFFFF  }
0xb8: {  	_ =	strace $0x90000048  }
0xb9: {  	_ =	sfence  }
0xba: {  	s30 =	sld [smem:$0x0];
	_ =	sdelay $0x2  }
0xbb: {  	s31 =	sshll.u32 s1, $0xD;
	s1 =	sshrl.u32 s1, $0x2  }
0xbc: {  	s3 =	sand.u32 $0x4000, s31;
	s1 =	sadd.s32 s1, s30  }
0xbd: {  	s0 =	sor.u32 s3, s0;
	s1 =	sshll.u32 s1, $0x11  }
0xbe: {  	s0 =	sor.u32 s1, s0  }
0xbf: {  	s0 =	sadd.s32 $0x8F2B, s0  }
0xc0: {  	[sflag:s0] =	ssyncadd.remote.s32 $0x1  }
0xc1: {  	_ =	sfence.sel $0xFFFF  }
0xc2: {  	[dreg:$0x0] =	wrdreg $0xFFFFFFFF;
	(pc) =	sbr.abs _section_cstart, $3  }
0xc3: {  	[dreg:$0x1] =	wrdreg $0xFFFFFFFF  }
0xc4: {  	_ =	task.clear_ibuf [dreg:s8], $0x2FFFF;
	_ =	strace $0x9FFFFFFF  }
0xc5: {  	(tm) =	ssettm $0x7FFFFFFF  }
tec
execute0_lowered:
.L_overlay_start_1:
0x0: {  	(tag) =	ssettag $0x1  }
0x1: {  	s1 =	rddreg [dreg:$0x0]  }
0x2: {  	s0 =	rddreg [dreg:$0x1]  }
0x3: {  	s3 =	rddreg [dreg:$0x2]  }
0x4: {  	s2 =	rddreg [dreg:$0x3]  }
0x5: {  	s4 =	simm.s32 $0x0;
	s5 =	srdreg.scid;
	s15 =	stileid.u32  }
0x6: {  	s18 =	simm.s32 $0x8;
	s28 =	simm.s32 $0x3;
	s10 =	smul.u32 $0x50000, s15  }
0x7: {  	s29 =	simm.s32 $0x4;
	s30 =	simm.s32 $0x5;
	s7 =	smul.u32 $0xD200, s15  }
0x8: {  	s31 =	simm.s32 $0x6;
	[smem:$0x7FF] =	sst s4;
	s22 =	smul.u32 $0x14000, s15  }
0x9: {  	s9 =	sand.u32 $0x1, s5;
	s19 =	sadd.s32 $0x1AA00, s0;
	s15 =	smul.u32 $0x13B000, s15  }
0xa: {  	s16 =	sadd.s32 $0x600, s0;
	s17 =	sadd.s32 $0x4F200, s0;
	s12 =	smul.u32 $0xD2000, s9  }
0xb: {  	_ =	strace $0x80000047;
	s11 =	ssub.s32 $0x2, s9;
	s21 =	smul.u32 $0x140000, s9  }
0xc: {  	s8 =	smov.u32 s16;
	s13 =	sshrl.u32 s11, $0x1;
	s10 =	sshrl.u32 s10, $0x2  }
0xd: {  	s9 =	smov.u32 s7;
	s23 =	sshrl.u32 s7, $0x3;
	s25 =	sshrl.u32 s15, $0x3  }
0xe: {  	s20 =	ssub.s32 s11, s13;
	s6 =	sadd.s32 s7, s12;
	s10 =	sadd.s32 s10, s2  }
0xf: {  	s12 =	sadd.s32 s22, s21;
	s24 =	sadd.s32 s16, s23;
	s11 =	smov.u32 s15  }
0x10: {  	s7 =	smov.u32 s17;
	s26 =	sadd.s32 s17, s25;
	s17 =	simm.s32 $0x9800  }
0x11: {  	s21 =	simm.s32 $0x1;
	s22 =	simm.s32 $0x20;
	s23 =	simm.s32 $0x6800  }
0x12: {  	s25 =	simm.s32 $0x8800;
	[dreg:$0x5] =	wrdreg s6;
	s14 =	sshrl.u32 s6, $0x3  }
0x13: {  	s6 =	smov.u32 s19;
	[dreg:$0x7] =	wrdreg s24;
	s12 =	sshrl.u32 s12, $0x3  }
0x14: {  	[dreg:$0x8] =	wrdreg s26;
	s0 =	smax.u32 s20, $0x1;
	s24 =	simm.s32 $0x7800  }
0x15: {  	s26 =	simm.s32 $0x2;
	s5 =	sadd.s32 s19, s14;
	[dreg:$0x9] =	wrdreg s0  }
0x16: {  	v0 =	vimm.f32 $0.0e+00;
	s16 =	sadd.s32 s12, s3;
	s3 =	simm.s32 $0x0;
	[dreg:$0x6] =	wrdreg s5  }
.LBB2_1:
0x17: {  	[tilespmem:$0x9800] =	vst v0  }
0x18: {  	[tilespmem:$0x9810] =	vst v0  }
0x19: {  	[tilespmem:$0x9820] =	vst v0  }
0x1a: {  	[tilespmem:$0x9830] =	vst v0  }
0x1b: {  	[tilespmem:$0x9840] =	vst v0  }
0x1c: {  	[tilespmem:$0x9850] =	vst v0  }
0x1d: {  	[tilespmem:$0x9860] =	vst v0  }
0x1e: {  	[tilespmem:$0x9870] =	vst v0  }
0x1f: {  	[tilespmem:$0x9880] =	vst v0  }
0x20: {  	[tilespmem:$0x9890] =	vst v0  }
0x21: {  	[tilespmem:$0x98A0] =	vst v0  }
0x22: {  	[tilespmem:$0x98B0] =	vst v0  }
0x23: {  	[tilespmem:$0x98C0] =	vst v0  }
0x24: {  	[tilespmem:$0x98D0] =	vst v0  }
0x25: {  	[tilespmem:$0x98E0] =	vst v0  }
0x26: {  	[tilespmem:$0x98F0] =	vst v0  }
0x27: {  	[tilespmem:$0x9900] =	vst v0  }
0x28: {  	[tilespmem:$0x9910] =	vst v0  }
0x29: {  	[tilespmem:$0x9920] =	vst v0  }
0x2a: {  	[tilespmem:$0x9930] =	vst v0  }
0x2b: {  	[tilespmem:$0x9940] =	vst v0  }
0x2c: {  	[tilespmem:$0x9950] =	vst v0  }
0x2d: {  	[tilespmem:$0x9960] =	vst v0  }
0x2e: {  	[tilespmem:$0x9970] =	vst v0  }
0x2f: {  	[tilespmem:$0x9980] =	vst v0  }
0x30: {  	[tilespmem:$0x9990] =	vst v0  }
0x31: {  	[tilespmem:$0x99A0] =	vst v0  }
0x32: {  	[tilespmem:$0x99B0] =	vst v0  }
0x33: {  	[tilespmem:$0x99C0] =	vst v0  }
0x34: {  	[tilespmem:$0x99D0] =	vst v0  }
0x35: {  	[tilespmem:$0x99E0] =	vst v0  }
0x36: {  	[tilespmem:$0x99F0] =	vst v0  }
0x37: {  	[tilespmem:$0x9A00] =	vst v0  }
0x38: {  	[tilespmem:$0x9A10] =	vst v0  }
0x39: {  	[tilespmem:$0x9A20] =	vst v0  }
0x3a: {  	[tilespmem:$0x9A30] =	vst v0  }
0x3b: {  	[tilespmem:$0x9A40] =	vst v0  }
0x3c: {  	[tilespmem:$0x9A50] =	vst v0  }
0x3d: {  	[tilespmem:$0x9A60] =	vst v0  }
0x3e: {  	[tilespmem:$0x9A70] =	vst v0  }
0x3f: {  	[tilespmem:$0x9A80] =	vst v0  }
0x40: {  	[tilespmem:$0x9A90] =	vst v0  }
0x41: {  	[tilespmem:$0x9AA0] =	vst v0  }
0x42: {  	[tilespmem:$0x9AB0] =	vst v0  }
0x43: {  	[tilespmem:$0x9AC0] =	vst v0  }
0x44: {  	[tilespmem:$0x9AD0] =	vst v0  }
0x45: {  	[tilespmem:$0x9AE0] =	vst v0  }
0x46: {  	[tilespmem:$0x9AF0] =	vst v0  }
0x47: {  	[tilespmem:$0x9B00] =	vst v0  }
0x48: {  	[tilespmem:$0x9B10] =	vst v0  }
0x49: {  	[tilespmem:$0x9B20] =	vst v0  }
0x4a: {  	[tilespmem:$0x9B30] =	vst v0  }
0x4b: {  	[tilespmem:$0x9B40] =	vst v0  }
0x4c: {  	[tilespmem:$0x9B50] =	vst v0  }
0x4d: {  	[tilespmem:$0x9B60] =	vst v0  }
0x4e: {  	[tilespmem:$0x9B70] =	vst v0  }
0x4f: {  	[tilespmem:$0x9B80] =	vst v0  }
0x50: {  	[tilespmem:$0x9B90] =	vst v0  }
0x51: {  	[tilespmem:$0x9BA0] =	vst v0  }
0x52: {  	[tilespmem:$0x9BB0] =	vst v0  }
0x53: {  	[tilespmem:$0x9BC0] =	vst v0  }
0x54: {  	[tilespmem:$0x9BD0] =	vst v0  }
0x55: {  	[tilespmem:$0x9BE0] =	vst v0  }
0x56: {  	[tilespmem:$0x9BF0] =	vst v0  }
0x57: {  	[tilespmem:$0x9C00] =	vst v0  }
0x58: {  	[tilespmem:$0x9C10] =	vst v0  }
0x59: {  	[tilespmem:$0x9C20] =	vst v0  }
0x5a: {  	[tilespmem:$0x9C30] =	vst v0  }
0x5b: {  	[tilespmem:$0x9C40] =	vst v0  }
0x5c: {  	[tilespmem:$0x9C50] =	vst v0  }
0x5d: {  	[tilespmem:$0x9C60] =	vst v0  }
0x5e: {  	[tilespmem:$0x9C70] =	vst v0  }
0x5f: {  	[tilespmem:$0x9C80] =	vst v0  }
0x60: {  	[tilespmem:$0x9C90] =	vst v0  }
0x61: {  	[tilespmem:$0x9CA0] =	vst v0  }
0x62: {  	[tilespmem:$0x9CB0] =	vst v0  }
0x63: {  	[tilespmem:$0x9CC0] =	vst v0  }
0x64: {  	[tilespmem:$0x9CD0] =	vst v0  }
0x65: {  	[tilespmem:$0x9CE0] =	vst v0  }
0x66: {  	[tilespmem:$0x9CF0] =	vst v0  }
0x67: {  	[tilespmem:$0x9D00] =	vst v0  }
0x68: {  	[tilespmem:$0x9D10] =	vst v0  }
0x69: {  	[tilespmem:$0x9D20] =	vst v0  }
0x6a: {  	[tilespmem:$0x9D30] =	vst v0  }
0x6b: {  	[tilespmem:$0x9D40] =	vst v0  }
0x6c: {  	[tilespmem:$0x9D50] =	vst v0  }
0x6d: {  	[tilespmem:$0x9D60] =	vst v0  }
0x6e: {  	[tilespmem:$0x9D70] =	vst v0  }
0x6f: {  	[tilespmem:$0x9D80] =	vst v0  }
0x70: {  	[tilespmem:$0x9D90] =	vst v0  }
0x71: {  	[tilespmem:$0x9DA0] =	vst v0  }
0x72: {  	[tilespmem:$0x9DB0] =	vst v0  }
0x73: {  	[tilespmem:$0x9DC0] =	vst v0  }
0x74: {  	[tilespmem:$0x9DD0] =	vst v0  }
0x75: {  	[tilespmem:$0x9DE0] =	vst v0  }
0x76: {  	[tilespmem:$0x9DF0] =	vst v0  }
0x77: {  	[tilespmem:$0x9E00] =	vst v0  }
0x78: {  	[tilespmem:$0x9E10] =	vst v0  }
0x79: {  	[tilespmem:$0x9E20] =	vst v0  }
0x7a: {  	[tilespmem:$0x9E30] =	vst v0  }
0x7b: {  	[tilespmem:$0x9E40] =	vst v0  }
0x7c: {  	[tilespmem:$0x9E50] =	vst v0  }
0x7d: {  	[tilespmem:$0x9E60] =	vst v0  }
0x7e: {  	[tilespmem:$0x9E70] =	vst v0  }
0x7f: {  	[tilespmem:$0x9E80] =	vst v0  }
0x80: {  	[tilespmem:$0x9E90] =	vst v0  }
0x81: {  	[tilespmem:$0x9EA0] =	vst v0  }
0x82: {  	[tilespmem:$0x9EB0] =	vst v0  }
0x83: {  	[tilespmem:$0x9EC0] =	vst v0  }
0x84: {  	[tilespmem:$0x9ED0] =	vst v0  }
0x85: {  	[tilespmem:$0x9EE0] =	vst v0  }
0x86: {  	[tilespmem:$0x9EF0] =	vst v0  }
0x87: {  	[tilespmem:$0x9F00] =	vst v0  }
0x88: {  	[tilespmem:$0x9F10] =	vst v0  }
0x89: {  	[tilespmem:$0x9F20] =	vst v0  }
0x8a: {  	[tilespmem:$0x9F30] =	vst v0  }
0x8b: {  	[tilespmem:$0x9F40] =	vst v0  }
0x8c: {  	[tilespmem:$0x9F50] =	vst v0  }
0x8d: {  	[tilespmem:$0x9F60] =	vst v0  }
0x8e: {  	[tilespmem:$0x9F70] =	vst v0  }
0x8f: {  	[tilespmem:$0x9F80] =	vst v0  }
0x90: {  	[tilespmem:$0x9F90] =	vst v0  }
0x91: {  	[tilespmem:$0x9FA0] =	vst v0  }
0x92: {  	[tilespmem:$0x9FB0] =	vst v0  }
0x93: {  	[tilespmem:$0x9FC0] =	vst v0  }
0x94: {  	[tilespmem:$0x9FD0] =	vst v0  }
0x95: {  	[tilespmem:$0x9FE0] =	vst v0  }
0x96: {  	[dreg:$0xa] =	wrdreg s3;
	[tilespmem:$0x9FF0] =	vst v0;
	s0 =	sadd.s32 $0x0, s10  }
0x97: {  	[spmem:s0] =	stream.linear.scatter [tilespmem:s17], [sflag:$0x8], $0x800, $0x38;
	[tilespmem:$0x1E000] =	vst v63  }
0x98: {  	s0 =	simm.s32 $0x2000;
	_ =	swait.ge [sflag:s18], $0x800  }
.LBB2_2:
0x99: {  	s3 =	sshra.s32 s0, $0x2;
	[sflag:s18] =	ssyncset.done $0x0;
	p0 =	sne.s32 s0, $0x4E000  }
.Ltmp0:
0x9a: {  	s3 =	sadd.s32 s3, s10;
	[sflag:s18] =	ssyncadd.s32 $0xFFFFF800;
	(pc) =	sbr.rel @p0 .LBB2_2-.Ltmp0, $3  }
0x9b: {  	[spmem:s3] =	stream.linear.scatter [tilespmem:s17], [sflag:$0x8], $0x800, $0x38;
	[tilespmem:$0x1E000] =	vst v63  }
0x9c: {  	s0 =	sadd.s32 $0x2000, s0;
	_ =	sdelay $0x1  }
0x9d: {  	_ =	swait.ge [sflag:s18], $0x800  }
0x9e: {  	[sflag:s18] =	ssyncset.done $0x0  }
0x9f: {  	[sflag:s18] =	ssyncadd.s32 $0xFFFFF800  }
0xa0: {  	[bflag:$0x0] =	sbarrier.arrive $0xFFFF  }
0xa1: {  	s3 =	simm.s32 $0x0;
	s0 =	rddreg [dreg:$0x6]  }
0xa2: {  	[tilespmem:s3], [sflag:$0x8] =	stream.linear.gather [hbm4b:s0+s3], $0x180, $0x38;
	[tilespmem:$0x1E000] =	vst v63  }
0xa3: {  	_ =	swait.ge [sflag:s18], $0x180  }
0xa4: {  	[sflag:s18] =	ssyncset.done $0x0  }
0xa5: {  	s5 =	simm.s32 $0x400;
	s15 =	rddreg [dreg:$0x7];
	[sflag:s18] =	ssyncadd.s32 $0xFFFFFE80  }
0xa6: {  	[tilespmem:s5], [sflag:$0x8] =	stream.linear.gather [hbm4b:s15+s3], $0x180, $0x38;
	[tilespmem:$0x1E000] =	vst v63  }
0xa7: {  	_ =	swait.ge [sflag:s18], $0x180  }
0xa8: {  	[sflag:s18] =	ssyncset.done $0x0  }
0xa9: {  	s20 =	simm.s32 $0x800;
	s19 =	rddreg [dreg:$0x8];
	[sflag:s18] =	ssyncadd.s32 $0xFFFFFE80  }
0xaa: {  	[tilespmem:s20], [sflag:$0x8] =	stream.linear.gather [hbm4b:s19+s3], $0x3000, $0x38;
	[tilespmem:$0x1E000] =	vst v63  }
0xab: {  	_ =	swait.ge [sflag:s18], $0x3000  }
0xac: {  	[sflag:s18] =	ssyncset.done $0x0  }
0xad: {  	p0 =	por $0x0, $0x0;
	[sflag:s18] =	ssyncadd.s32 $0xFFFFD000  }
.LBB2_4:
0xae: {  	p1 =	seq.s32 s3, $0x0  }
0xaf: {  	s0 =	simm.s32 @!p1 $0x7  }
0xb0: {  	_ =	swait.ge @!p1 [sflag:s0], $0x180  }
0xb1: {  	[sflag:s0] =	ssyncset.done @!p1 $0x0  }
0xb2: {  	[sflag:s0] =	ssyncadd.s32 @!p1 $0xFFFFFE80  }
0xb3: {  	_ =	swait.ge @!p1 [sflag:s0], $0x180  }
0xb4: {  	[sflag:s0] =	ssyncset.done @!p1 $0x0  }
0xb5: {  	[sflag:s0] =	ssyncadd.s32 @!p1 $0xFFFFFE80  }
0xb6: {  	p2 =	seq.s32 @!p1 s3, $0x68;
	_ =	swait.ge @!p1 [sflag:s0], $0x3000  }
0xb7: {  	s19 =	sadd.s32 $0x1, s3;
	p2 =	por p1, !p2;
	[sflag:s0] =	ssyncset.done @!p1 $0x0  }
0xb8: {  	s5 =	rddreg @p2 [dreg:$0x5];
	[sflag:s0] =	ssyncadd.s32 @!p1 $0xFFFFD000;
	s0 =	sshll.u32 @p2 s19, $0x9  }
0xb9: {  	s12 =	sadd.s32 @p2 s5, s0  }
0xba: {  	s13 =	sand.u32 @p2 $0x1, s19;
	s0 =	sadd.s32 @p2 s9, s0;
	s12 =	sshrl.u32 @p2 s12, $0x3  }
0xbb: {  	s14 =	sshll.u32 @p2 s13, $0x9;
	s0 =	sshrl.u32 @p2 s0, $0x3;
	s12 =	sadd.s32 @p2 s6, s12  }
0xbc: {  	[tilespmem:s14], [sflag:$0x7] =	stream.linear.gather @p2 [hbm4b:s12+s4], $0x180, $0x38;
	[tilespmem:$0x1E000] =	vst v63  }
0xbd: {  	s0 =	sadd.s32 @p2 s8, s0;
	s12 =	sor.u32 @p2 $0x400, s14  }
0xbe: {  	[tilespmem:s12], [sflag:$0x7] =	stream.linear.gather @p2 [hbm4b:s0+s4], $0x180, $0x38;
	[tilespmem:$0x1E000] =	vst v63  }
0xbf: {  	s0 =	smul.u32 @p2 $0x3000, s19  }
0xc0: {  	s12 =	smul.u32 @p2 $0xC000, s13  }
0xc1: {  	s0 =	sadd.s32 @p2 s11, s0  }
0xc2: {  	s12 =	sshrl.u32 @p2 s12, $0x2;
	s0 =	sshrl.u32 @p2 s0, $0x3  }
0xc3: {  	s13 =	sand.u32 $0x1, s3;
	s12 =	sor.u32 @p2 $0x800, s12;
	s0 =	sadd.s32 @p2 s7, s0  }
0xc4: {  	[tilespmem:s12], [sflag:$0x7] =	stream.linear.gather @p2 [hbm4b:s0+s4], $0x3000, $0x38;
	[tilespmem:$0x1E000] =	vst v63  }
0xc5: {  	s13 =	sshll.u32 s13, $0x9;
	s12 =	simm.s32 $0x1  }
0xc6: {  	[tilespmem:s23], [sflag:$0x1] =	stream.indirect.gather [hbm4b:s1+s22], $0x80, s13, s22, $0xb8;
	[tilespmem:$0x1E000] =	vst v63  }
0xc7: {  	s3 =	sor.u32 $0x80, s13;
	s12 =	simm.s32 @!p0 $0x0  }
0xc8: {  	[tilespmem:s24], [sflag:$0x2] =	stream.indirect.gather [hbm4b:s1+s22], $0x80, s3, s22, $0xb8;
	[tilespmem:$0x1E000] =	vst v63  }
0xc9: {  	s20 =	sor.u32 $0x100, s13;
	s14 =	smul.u32 $0xC000, s12  }
0xca: {  	[tilespmem:s25], [sflag:$0x3] =	stream.indirect.gather [hbm4b:s1+s22], $0x80, s20, s22, $0xb8;
	[tilespmem:$0x1E000] =	vst v63  }
0xcb: {  	_ =	swait.ge [sflag:s21], $0x1000  }
0xcc: {  	s0 =	sshrl.u32 s14, $0x2;
	[sflag:s21] =	ssyncset.done $0x0  }
0xcd: {  	s14 =	simm.s32 $0x0;
	s15 =	sor.u32 $0x800, s0;
	[sflag:s21] =	ssyncadd.s32 $0xFFFFF000  }
0xce: {  	v1 =	vmov s15;
	v5 =	vld [tilespmem:s14+$0x6830]  }
0xcf: {  	v6 =	vld [tilespmem:s14+$0x6840]  }
0xd0: {  	v2 =	vld [tilespmem:s14+$0x6860]  }
0xd1: {  	v4 =	vld [tilespmem:s14+$0x6800]  }
0xd2: {  	v7 =	vld [tilespmem:s14+$0x6820]  }
0xd3: {  	v3 =	vld.idx.msk [tilespmem:v1+s14+$0x0 ss:$0x1], $0xffff  }
0xd4: {  	v8 =	vld [tilespmem:s14+$0x6810]  }
0xd5: {  	s12 =	sadd.s32 $0x2800, s0;
	s15 =	sadd.s32 $0x1800, s0;
	s0 =	simm.s32 $0x200;
	v9 =	vld [tilespmem:s14+$0x6850]  }
.LBB2_5:
0xd6: {  	p1 =	sne.s32 s0, $0x3E00;
	v10 =	vld [tilespmem:s14+$0x6870];
	s5 =	smov.u32 s0;
	s0 =	sadd.s32 $0x200, s0  }
0xd7: {  	_ = 	snop  }
0xd8: {  	v5 =	vmul.f32 v5, v3;
	v6 =	vmul.f32 v6, v3  }
0xd9: {  	v4 =	vmul.f32 v4, v3;
	v8 =	vmul.f32 v8, v3  }
0xda: {  	v7 =	vmul.f32 v7, v3;
	[tilespmem:s14+$0x6830] =	vst v5;
	v5 =	vmul.f32 v9, v3  }
0xdb: {  	v2 =	vmul.f32 v2, v3;
	[tilespmem:s14+$0x6840] =	vst v6;
	v3 =	vmul.f32 v10, v3  }
0xdc: {  	[tilespmem:s14+$0x6850] =	vst v5  }
0xdd: {  	s5 =	sshra.s32 s5, $0x2;
	[tilespmem:s14+$0x6870] =	vst v3  }
0xde: {  	v5 =	vld [tilespmem:s5+$0x6830];
	[tilespmem:s14+$0x6860] =	vst v2  }
0xdf: {  	v6 =	vld [tilespmem:s5+$0x6840];
	[tilespmem:s14+$0x6820] =	vst v7  }
0xe0: {  	v2 =	vld [tilespmem:s5+$0x6860];
	[tilespmem:s14+$0x6800] =	vst v4  }
.Ltmp1:
0xe1: {  	v4 =	vld [tilespmem:s5+$0x6800];
	[tilespmem:s14+$0x6810] =	vst v8;
	s14 =	smov.u32 s5;
	(pc) =	sbr.rel @p1 .LBB2_5-.Ltmp1, $4  }
0xe2: {  	v3 =	vld.idx.msk [tilespmem:v1+s14+$0x0 ss:$0x1], $0xffff  }
0xe3: {  	v7 =	vld [tilespmem:s14+$0x6820]  }
0xe4: {  	v8 =	vld [tilespmem:s14+$0x6810]  }
0xe5: {  	v9 =	vld [tilespmem:s14+$0x6850]  }
0xe6: {  	_ = 	snop  }
0xe7: {  	v1 =	vld [tilespmem:s14+$0x6870];
	v5 =	vmul.f32 v5, v3  }
0xe8: {  	v2 =	vmul.f32 v2, v3  }
0xe9: {  	v6 =	vmul.f32 v6, v3;
	[tilespmem:s14+$0x6830] =	vst v5  }
0xea: {  	[tilespmem:s14+$0x6860] =	vst v2;
	v2 =	vmul.f32 v8, v3  }
0xeb: {  	[tilespmem:s14+$0x6840] =	vst v6;
	v5 =	vmul.f32 v9, v3  }
0xec: {  	v1 =	vmul.f32 v1, v3;
	[tilespmem:s14+$0x6810] =	vst v2  }
0xed: {  	[tilespmem:s14+$0x6850] =	vst v5;
	v5 =	vmul.f32 v7, v3  }
0xee: {  	[tilespmem:s14+$0x6870] =	vst v1;
	v1 =	vmul.f32 v4, v3  }
0xef: {  	[tilespmem:s14+$0x6820] =	vst v5  }
0xf0: {  	s0 =	sor.u32 $0x400, s13;
	[tilespmem:s14+$0x6800] =	vst v1  }
0xf1: {  	[spmem:s2] =	stream.indirect.scatter.add.f32 [tilespmem:s23], [sflag:$0x4], $0x80, s0, s22, $0xb8;
	[tilespmem:$0x1E000] =	vst v63  }
0xf2: {  	_ =	swait.ge [sflag:s26], $0x1000  }
0xf3: {  	[sflag:s26] =	ssyncset.done $0x0  }
0xf4: {  	s13 =	simm.s32 $0x0;
	v1 =	vmov s15;
	[sflag:s26] =	ssyncadd.s32 $0xFFFFF000  }
0xf5: {  	v5 =	vld [tilespmem:s13+$0x7830]  }
0xf6: {  	v6 =	vld [tilespmem:s13+$0x7840]  }
0xf7: {  	v2 =	vld [tilespmem:s13+$0x7860]  }
0xf8: {  	v4 =	vld [tilespmem:s13+$0x7800]  }
0xf9: {  	v3 =	vld.idx.msk [tilespmem:v1+s13+$0x0 ss:$0x1], $0xffff  }
0xfa: {  	v7 =	vld [tilespmem:s13+$0x7820]  }
0xfb: {  	v8 =	vld [tilespmem:s13+$0x7810]  }
0xfc: {  	s0 =	simm.s32 $0x200;
	v9 =	vld [tilespmem:s13+$0x7850]  }
.LBB2_7:
0xfd: {  	p1 =	sne.s32 s0, $0x3E00;
	v10 =	vld [tilespmem:s13+$0x7870];
	s5 =	smov.u32 s0;
	s0 =	sadd.s32 $0x200, s0  }
0xfe: {  	_ = 	snop  }
0xff: {  	v5 =	vmul.f32 v5, v3;
	v6 =	vmul.f32 v6, v3  }
0x100: {  	v4 =	vmul.f32 v4, v3;
	v8 =	vmul.f32 v8, v3  }
0x101: {  	v7 =	vmul.f32 v7, v3;
	[tilespmem:s13+$0x7830] =	vst v5;
	v5 =	vmul.f32 v9, v3  }
0x102: {  	v2 =	vmul.f32 v2, v3;
	[tilespmem:s13+$0x7840] =	vst v6;
	v3 =	vmul.f32 v10, v3  }
0x103: {  	[tilespmem:s13+$0x7850] =	vst v5  }
0x104: {  	s5 =	sshra.s32 s5, $0x2;
	[tilespmem:s13+$0x7870] =	vst v3  }
0x105: {  	v5 =	vld [tilespmem:s5+$0x7830];
	[tilespmem:s13+$0x7860] =	vst v2  }
0x106: {  	v6 =	vld [tilespmem:s5+$0x7840];
	[tilespmem:s13+$0x7820] =	vst v7  }
0x107: {  	v2 =	vld [tilespmem:s5+$0x7860];
	[tilespmem:s13+$0x7800] =	vst v4  }
.Ltmp2:
0x108: {  	v4 =	vld [tilespmem:s5+$0x7800];
	[tilespmem:s13+$0x7810] =	vst v8;
	s13 =	smov.u32 s5;
	(pc) =	sbr.rel @p1 .LBB2_7-.Ltmp2, $4  }
0x109: {  	v3 =	vld.idx.msk [tilespmem:v1+s13+$0x0 ss:$0x1], $0xffff  }
0x10a: {  	v7 =	vld [tilespmem:s13+$0x7820]  }
0x10b: {  	v8 =	vld [tilespmem:s13+$0x7810]  }
0x10c: {  	v9 =	vld [tilespmem:s13+$0x7850]  }
0x10d: {  	_ = 	snop  }
0x10e: {  	v1 =	vld [tilespmem:s13+$0x7870];
	v5 =	vmul.f32 v5, v3  }
0x10f: {  	v2 =	vmul.f32 v2, v3  }
0x110: {  	v6 =	vmul.f32 v6, v3;
	[tilespmem:s13+$0x7830] =	vst v5  }
0x111: {  	[tilespmem:s13+$0x7860] =	vst v2;
	v2 =	vmul.f32 v8, v3  }
0x112: {  	[tilespmem:s13+$0x7840] =	vst v6;
	v5 =	vmul.f32 v9, v3  }
0x113: {  	v1 =	vmul.f32 v1, v3;
	[tilespmem:s13+$0x7810] =	vst v2  }
0x114: {  	[tilespmem:s13+$0x7850] =	vst v5;
	v5 =	vmul.f32 v7, v3  }
0x115: {  	[tilespmem:s13+$0x7870] =	vst v1;
	v1 =	vmul.f32 v4, v3  }
0x116: {  	[tilespmem:s13+$0x7820] =	vst v5  }
0x117: {  	s0 =	sor.u32 $0x400, s3;
	[tilespmem:s13+$0x7800] =	vst v1  }
0x118: {  	[spmem:s2] =	stream.indirect.scatter.add.f32 [tilespmem:s24], [sflag:$0x5], $0x80, s0, s22, $0xb8;
	[tilespmem:$0x1E000] =	vst v63  }
0x119: {  	_ =	swait.ge [sflag:s28], $0x1000  }
0x11a: {  	[sflag:s28] =	ssyncset.done $0x0  }
0x11b: {  	s3 =	simm.s32 $0x0;
	v1 =	vmov s12;
	[sflag:s28] =	ssyncadd.s32 $0xFFFFF000  }
0x11c: {  	v5 =	vld [tilespmem:s3+$0x8830]  }
0x11d: {  	v6 =	vld [tilespmem:s3+$0x8840]  }
0x11e: {  	v2 =	vld [tilespmem:s3+$0x8860]  }
0x11f: {  	v4 =	vld [tilespmem:s3+$0x8800]  }
0x120: {  	v3 =	vld.idx.msk [tilespmem:v1+s3+$0x0 ss:$0x1], $0xffff  }
0x121: {  	v7 =	vld [tilespmem:s3+$0x8820]  }
0x122: {  	v8 =	vld [tilespmem:s3+$0x8810]  }
0x123: {  	s0 =	simm.s32 $0x200;
	v9 =	vld [tilespmem:s3+$0x8850]  }
.LBB2_9:
0x124: {  	p1 =	sne.s32 s0, $0x3E00;
	v10 =	vld [tilespmem:s3+$0x8870];
	s5 =	smov.u32 s0;
	s0 =	sadd.s32 $0x200, s0  }
0x125: {  	_ = 	snop  }
0x126: {  	v5 =	vmul.f32 v5, v3;
	v6 =	vmul.f32 v6, v3  }
0x127: {  	v4 =	vmul.f32 v4, v3;
	v8 =	vmul.f32 v8, v3  }
0x128: {  	v7 =	vmul.f32 v7, v3;
	[tilespmem:s3+$0x8830] =	vst v5;
	v5 =	vmul.f32 v9, v3  }
0x129: {  	v2 =	vmul.f32 v2, v3;
	[tilespmem:s3+$0x8840] =	vst v6;
	v3 =	vmul.f32 v10, v3  }
0x12a: {  	[tilespmem:s3+$0x8850] =	vst v5  }
0x12b: {  	s5 =	sshra.s32 s5, $0x2;
	[tilespmem:s3+$0x8870] =	vst v3  }
0x12c: {  	v5 =	vld [tilespmem:s5+$0x8830];
	[tilespmem:s3+$0x8860] =	vst v2  }
0x12d: {  	v6 =	vld [tilespmem:s5+$0x8840];
	[tilespmem:s3+$0x8820] =	vst v7  }
0x12e: {  	v2 =	vld [tilespmem:s5+$0x8860];
	[tilespmem:s3+$0x8800] =	vst v4  }
.Ltmp3:
0x12f: {  	v4 =	vld [tilespmem:s5+$0x8800];
	[tilespmem:s3+$0x8810] =	vst v8;
	s3 =	smov.u32 s5;
	(pc) =	sbr.rel @p1 .LBB2_9-.Ltmp3, $4  }
0x130: {  	v3 =	vld.idx.msk [tilespmem:v1+s3+$0x0 ss:$0x1], $0xffff  }
0x131: {  	v7 =	vld [tilespmem:s3+$0x8820]  }
0x132: {  	v8 =	vld [tilespmem:s3+$0x8810]  }
0x133: {  	v9 =	vld [tilespmem:s3+$0x8850]  }
0x134: {  	_ = 	snop  }
0x135: {  	v1 =	vld [tilespmem:s3+$0x8870];
	v5 =	vmul.f32 v5, v3  }
0x136: {  	v6 =	vmul.f32 v6, v3  }
0x137: {  	v2 =	vmul.f32 v2, v3;
	[tilespmem:s3+$0x8830] =	vst v5  }
0x138: {  	v63 =	vmul.f32 v7, v3;
	[tilespmem:s3+$0x8840] =	vst v6  }
0x139: {  	[tilespmem:s3+$0x8860] =	vst v2;
	v2 =	vmul.f32 v8, v3  }
0x13a: {  	[tilespmem:s3+$0x8820] =	vst v63;
	v1 =	vmul.f32 v1, v3  }
0x13b: {  	v62 =	vmul.f32 v9, v3;
	[tilespmem:s3+$0x8810] =	vst v2  }
0x13c: {  	[tilespmem:s3+$0x8870] =	vst v1;
	v1 =	vmul.f32 v4, v3  }
0x13d: {  	[tilespmem:s3+$0x8850] =	vst v62  }
0x13e: {  	s0 =	sor.u32 $0x400, s20;
	[tilespmem:s3+$0x8800] =	vst v1  }
0x13f: {  	[spmem:s2] =	stream.indirect.scatter.add.f32 [tilespmem:s25], [sflag:$0x6], $0x80, s0, s22, $0xb8;
	[tilespmem:$0x1E000] =	vst v63  }
0x140: {  	_ =	swait.ge [sflag:s29], $0x1000  }
0x141: {  	[sflag:s29] =	ssyncset.done $0x0  }
0x142: {  	[sflag:s29] =	ssyncadd.s32 $0xFFFFF000  }
0x143: {  	p1 =	sne.s32 s19, $0x69;
	_ =	swait.ge [sflag:s30], $0x1000  }
.Ltmp4:
0x144: {  	[sflag:s30] =	ssyncset.done $0x0;
	(pc) =	sbr.rel @p1 .LBB2_4-.Ltmp4, $4  }
0x145: {  	[sflag:s30] =	ssyncadd.s32 $0xFFFFF000  }
0x146: {  	_ =	swait.ge [sflag:s31], $0x1000  }
0x147: {  	[sflag:s31] =	ssyncset.done $0x0  }
0x148: {  	p0 =	por !p0, !p0;
	s3 =	smov.u32 s19;
	[sflag:s31] =	ssyncadd.s32 $0xFFFFF000  }
0x149: {  	s0 =	stileid.u32  }
0x14a: {  	[bflag:$0x0] =	sbarrier.arrive $0xFFFF;
	s0 =	sshll.u32 s0, $0x6  }
0x14b: {  	s3 =	sadd.s32 $0x0, s16;
	s5 =	sshrl.u32 s10, $0x3;
	s0 =	sor.u32 $0x1C08, s0  }
0x14c: {  	[hbm:s3], [sflag:s0] =	dma.local [spmem:s5], $0x100  }
0x14d: {  	s12 =	sadd.s32 $0x800, s10;
	s3 =	simm.s32 $0x100;
	_ =	swait.ge [sflag:s18], $0x100  }
.LBB2_12:
0x14e: {  	s5 =	sadd.s32 s3, s16;
	[sflag:s18] =	ssyncset.done $0x0;
	p0 =	sne.s32 s3, $0x2700  }
.Ltmp5:
0x14f: {  	s13 =	sshrl.u32 s12, $0x3;
	[sflag:s18] =	ssyncadd.s32 $0xFFFFFF00;
	(pc) =	sbr.rel @p0 .LBB2_12-.Ltmp5, $3  }
0x150: {  	[hbm:s5], [sflag:s0] =	dma.local [spmem:s13], $0x100  }
0x151: {  	s3 =	sadd.s32 $0x100, s3;
	_ =	sdelay $0x1  }
0x152: {  	s12 =	sadd.s32 $0x800, s12;
	_ =	swait.ge [sflag:s18], $0x100  }
0x153: {  	s3 =	rddreg [dreg:$0xa]  }
0x154: {  	s0 =	rddreg [dreg:$0x9];
	s3 =	sadd.s32 $0x1, s3  }
0x155: {  	p0 =	sne.s32 s3, s0  }
.Ltmp6:
0x156: {  	_ = 	snop;
	(pc) =	sbr.rel @p0 .LBB2_1-.Ltmp6, $3  }
0x157: {  	_ =	sdelay $0x1  }
0x158: {  	[sflag:s18] =	ssyncset.done $0x0  }
0x159: {  	[sflag:s18] =	ssyncadd.s32 $0xFFFFFF00  }
0x15a: {  	_ =	sfence.sel $0x180000  }
0x15b: {  	[bflag:$0x0] =	sbarrier.arrive $0xFFFF  }
0x15c: {  	_ =	strace $0x90000047  }
0x15d: {  	s0 =	stileid.u32;
	[bflag:$0x2] =	sbarrier.arrive $0xFFFF  }
0x15e: {  	p0 =	sne.s32 s0, $0x0;
	s0 =	rddreg [dreg:$0x4]  }
0x15f: {  	s0 =	sadd.s32 @!p0 $0x100000, s0  }
0x160: {  	[sflag:s0] =	ssyncadd.tile.s32 @!p0 $0x1;
	_ =	shalt  }
.Lfunc_end2:
_tile_overlayer_lowered:
.L_overlay_start_2:
0x161: {  	(tag) =	ssettag $0x2  }
0x162: {  	s0 =	rddreg [dreg:$0x0];
	s2 =	stileid.u32  }
0x163: {  	s1 =	rddreg [dreg:$0x1];
	p0 =	sne.s32 s2, $0x0  }
0x164: {  	s3 =	rddreg [dreg:$0x2];
	[bflag:$0x3] =	sbarrier.arrive $0xFFFF;
	s2 =	simm.s32 @!p0 $0x1C08  }
0x165: {  	[timem:s3], [sflag:s2] =	dma.local @!p0 [hbm:s0], s1  }
0x166: {  	s0 =	simm.s32 @!p0 $0x8  }
0x167: {  	_ =	swait.ge @!p0 [sflag:s0], s1  }
0x168: {  	s1 =	ssub.s32 @!p0 $0x0, s1;
	[sflag:s0] =	ssyncset.done @!p0 $0x0  }
0x169: {  	[sflag:s0] =	ssyncadd.s32 @!p0 s1  }
0x16a: {  	[bflag:$0x3] =	sbarrier.arrive $0xFFFF  }
0x16b: {  	_ =	shalt  }

</sc_bundles>
